<compile_context>
chip_gen: v7x
topology: tpu7x:2x2x1
jax: 0.10.2.dev20260603
libtpu: 0.0.44.dev20260713+nightly
codegen_flags: <defaults>
</compile_context>

<pallas_src>
import numpy as np
import jax
import jax.numpy as jnp
from jax import lax
from jax.experimental import pallas as pl
from jax.experimental.pallas import tpu as pltpu
from jax.experimental.pallas import tpu_sc as plsc

B = 4096
S = 200
D = 64
VOCAB = 1000000
NW = 32
BPW = B // NW
EPS = 1e-12
NPH = 2
UNROLL = 4


def _pos_table():
    dims = np.repeat(np.arange(D // 2), 2) * 2
    dims = 1.0 / np.power(10000, dims / D)
    enc = np.outer(np.arange(S), dims)
    enc[:, 0::2] = np.sin(enc[:, 0::2])
    enc[:, 1::2] = np.cos(enc[:, 1::2])
    return np.asarray(enc, dtype=np.float32)


_POS = _pos_table()


def _rsqrt(v):
    i = lax.bitcast_convert_type(v, jnp.int32)
    i = jnp.int32(0x5F3759DF) - lax.shift_right_logical(i, 1)
    y = lax.bitcast_convert_type(i, jnp.float32)
    half = v * 0.5
    for _ in range(2):
        y = y * (1.5 - half * y * y)
    return y


def _body(idx_hbm, table_hbm, gamma_hbm, beta_hbm, pos_hbm, out_hbm,
          idxbuf, posbuf, gbuf, bbuf, rbs, obufs, ils, gsems, osems):
    wid = lax.axis_index("s") * 2 + lax.axis_index("c")
    b0 = wid * BPW

    pltpu.sync_copy(idx_hbm.at[pl.ds(b0, BPW)], idxbuf)
    pltpu.sync_copy(pos_hbm, posbuf)
    pltpu.sync_copy(gamma_hbm, gbuf)
    pltpu.sync_copy(beta_hbm, bbuf)

    gks = [gbuf[pl.ds(16 * k, 16)] for k in range(4)]
    bks = [bbuf[pl.ds(16 * k, 16)] for k in range(4)]

    def build_ilist(i, ph):
        il = ils[ph]

        @plsc.parallel_loop(0, S // 16 + 1, unroll=2)
        def grp(g):
            base = jnp.minimum(16 * g, S - 16)
            v = idxbuf[i, pl.ds(base, 16)]
            lanes2 = lax.iota(jnp.int32, 16) * 2 + 2 * base
            plsc.store_scatter(il, [lanes2], v * 2)
            plsc.store_scatter(il, [lanes2 + 1], v * 2 + 1)

    def gather_descs(i, ph):
        del i
        return tuple(
            pltpu.make_async_copy(
                table_hbm.at[ils[ph].at[pl.ds(off, n)]],
                rbs[ph].at[pl.ds(off, n)], gsems[ph])
            for off, n in ((0, 128), (128, 128), (256, 128), (384, 16)))

    def out_desc(i, ph):
        return pltpu.make_async_copy(
            obufs[ph], out_hbm.at[pl.ds((b0 + i) * (S * D // 128), S * D // 128)],
            osems[ph])

    def compute(ph):
        rb = rbs[ph]
        ob = obufs[ph]

        @plsc.parallel_loop(0, S, unroll=UNROLL)
        def row(r):
            xs = [rb[2 * r + k // 2, pl.ds(16 * (k % 2), 16)]
                  + posbuf[r, pl.ds(16 * k, 16)] for k in range(4)]
            tot = jnp.sum((xs[0] + xs[1]) + (xs[2] + xs[3]))
            sq = [x * x for x in xs]
            tot2 = jnp.sum((sq[0] + sq[1]) + (sq[2] + sq[3]))
            mean = tot * (1.0 / D)
            var = tot2 * (1.0 / D) - mean * mean
            scale = _rsqrt(var + EPS)
            for k in range(4):
                ob[lax.shift_right_logical(r, 1),
                   pl.ds(D * (r % 2) + 16 * k, 16)] = (
                    (xs[k] - mean) * scale * gks[k] + bks[k])

    for i0 in range(NPH):
        build_ilist(i0, i0)
        for d in gather_descs(i0, i0):
            d.start()

    def step(i, ph):
        for d in gather_descs(i, ph):
            d.wait()

        @pl.when(i >= NPH)
        def _():
            out_desc(i - NPH, ph).wait()

        compute(ph)
        out_desc(i, ph).start()

        @pl.when(i + NPH < BPW)
        def _():
            build_ilist(i + NPH, ph)
            for d in gather_descs(i + NPH, ph):
                d.start()

    def outer(j, carry):
        for ph in range(NPH):
            step(j * NPH + ph, ph)
        return carry

    lax.fori_loop(0, BPW // NPH, outer, 0)

    for off in range(NPH, 0, -1):
        out_desc(BPW - off, (BPW - off) % NPH).wait()


def _sc_embed(idx, table32, gamma, beta, pos):
    mesh = plsc.VectorSubcoreMesh(core_axis_name="c", subcore_axis_name="s")
    f = pl.kernel(
        _body,
        out_type=jax.ShapeDtypeStruct((B * S * D // 128, 128), jnp.float32),
        mesh=mesh,
        compiler_params=pltpu.CompilerParams(
            needs_layout_passes=False, use_tc_tiling_on_sc=False),
        scratch_types=dict(
            idxbuf=pltpu.VMEM((BPW, S), jnp.int32),
            posbuf=pltpu.VMEM((S, D), jnp.float32),
            gbuf=pltpu.VMEM((D,), jnp.float32),
            bbuf=pltpu.VMEM((D,), jnp.float32),
            rbs=[pltpu.VMEM((2 * S, D // 2), jnp.float32) for _ in range(NPH)],
            obufs=[pltpu.VMEM((S * D // 128, 128), jnp.float32) for _ in range(NPH)],
            ils=[pltpu.VMEM((2 * S,), jnp.int32) for _ in range(NPH)],
            gsems=[pltpu.SemaphoreType.DMA for _ in range(NPH)],
            osems=[pltpu.SemaphoreType.DMA for _ in range(NPH)],
        ),
    )
    return f(idx, table32, gamma, beta, pos)


def kernel(inputs, table, gamma, beta):
    out = _sc_embed(inputs.astype(jnp.int32),
                    table.reshape(2 * VOCAB, D // 2), gamma, beta,
                    jnp.asarray(_POS))
    return out.reshape(B, S, D)

# --- scband reference (transcript-rebuilt; emitter-appended) ---
"""Pipeline reference for scband-bert-embeddings-15461882265882 (READ-ONLY COPY).

The authoritative reference and input builder live on the scoring server;
editing this copy changes nothing except your own understanding.
"""

import jax, jax.numpy as jnp
import numpy as np

VOCAB_SIZE = 1000000
EMBED_DIM = 64
SEQ_LEN = 200
LAYER_NORM_EPS = 1e-12


def _positional_encodings():
    dimensions = np.repeat(np.arange(EMBED_DIM // 2), 2) * 2
    dimensions = 1.0 / np.power(10000, dimensions / EMBED_DIM)
    positions = np.arange(SEQ_LEN)
    encodings = np.outer(positions, dimensions)
    encodings[:, 0::2] = np.sin(encodings[:, 0::2])
    encodings[:, 1::2] = np.cos(encodings[:, 1::2])
    return jnp.asarray(encodings, dtype=jnp.float32)


def setup_inputs(seed: int = 0) -> dict:
    key = jax.random.key(seed)
    k1, k2 = jax.random.split(key)
    inputs = jax.random.randint(k1, (4096, 200), 0, VOCAB_SIZE, dtype=jnp.int64 if jax.config.jax_enable_x64 else jnp.int32)
    table = jax.random.normal(k2, (VOCAB_SIZE, EMBED_DIM), dtype=jnp.float32) * 0.02
    gamma = jnp.ones((EMBED_DIM,), dtype=jnp.float32)
    beta = jnp.zeros((EMBED_DIM,), dtype=jnp.float32)
    return {"inputs": inputs, "table": table, "gamma": gamma, "beta": beta}


def reference(inputs, table, gamma, beta):
    pos = _positional_encodings()  # (SEQ_LEN, EMBED_DIM), constant
    emb = jnp.take(table, inputs, axis=0)  # (B, S, D) gather
    out = emb + pos[None, :, :]
    mean = jnp.mean(out, axis=-1, keepdims=True)
    var = jnp.mean(jnp.square(out - mean), axis=-1, keepdims=True)
    normed = (out - mean) * jax.lax.rsqrt(var + LAYER_NORM_EPS)
    return normed * gamma + beta

if __name__ == "__main__":
    import jax
    _d = setup_inputs()
    print(jax.jit(kernel)(*tuple(_d.values())))

</pallas_src>

<mosaic_0001>
#map = affine_map<(d0, d1) -> (0, 0)>
#map1 = affine_map<(d0, d1) -> (0)>
module attributes {stable_mosaic.version = 14 : i64} {
  func.func @_body(%arg0: i32, %arg1: i32, %arg2: memref<4096x200xi32, #tpu.memory_space<hbm>>, %arg3: memref<2000000x32xf32, #tpu.memory_space<hbm>>, %arg4: memref<64xf32, #tpu.memory_space<hbm>>, %arg5: memref<64xf32, #tpu.memory_space<hbm>>, %arg6: memref<200x64xf32, #tpu.memory_space<hbm>>, %arg7: memref<409600x128xf32, #tpu.memory_space<hbm>>, %arg8: memref<64xf32, #tpu.memory_space<vmem>>, %arg9: memref<64xf32, #tpu.memory_space<vmem>>, %arg10: memref<!tpu.dma_semaphore, #tpu.memory_space<semaphore_mem>>, %arg11: memref<!tpu.dma_semaphore, #tpu.memory_space<semaphore_mem>>, %arg12: memref<128x200xi32, #tpu.memory_space<vmem>>, %arg13: memref<400xi32, #tpu.memory_space<vmem>>, %arg14: memref<400xi32, #tpu.memory_space<vmem>>, %arg15: memref<100x128xf32, #tpu.memory_space<vmem>>, %arg16: memref<100x128xf32, #tpu.memory_space<vmem>>, %arg17: memref<!tpu.dma_semaphore, #tpu.memory_space<semaphore_mem>>, %arg18: memref<!tpu.dma_semaphore, #tpu.memory_space<semaphore_mem>>, %arg19: memref<200x64xf32, #tpu.memory_space<vmem>>, %arg20: memref<400x32xf32, #tpu.memory_space<vmem>>, %arg21: memref<400x32xf32, #tpu.memory_space<vmem>>) attributes {dimension_semantics = [#tpu.dimension_semantics<core_parallel>, #tpu.dimension_semantics<subcore_parallel>], iteration_bounds = array<i64: 2, 16>, scalar_prefetch = 0 : i64, scratch_operands = 14 : i64, tpu.core_type = #tpu.core_type<sc_vector_subcore>, window_params = [{transform_indices = #map}, {transform_indices = #map}, {transform_indices = #map1}, {transform_indices = #map1}, {transform_indices = #map}, {transform_indices = #map}]} {
    %mul3A = arith.constant 2 : i32
    %mul3A_0 = arith.muli %arg1, %mul3A : i32
    %add3A = arith.addi %mul3A_0, %arg0 : i32
    %mul3A_1 = arith.constant 128 : i32
    %mul3A_2 = arith.muli %add3A, %mul3A_1 : i32
    "tpu.region"() ({
      %run_scoped3A = tpu.sem_alloc : memref<!tpu.dma_semaphore, #tpu.memory_space<semaphore_mem>>
      %dma_start3A_106 = arith.constant 0 : i32
      %dma_start3A_107 = tpu.memref_slice %arg2[%mul3A_2, %dma_start3A_106] : memref<4096x200xi32, #tpu.memory_space<hbm>> -> memref<128x200xi32, #tpu.memory_space<hbm>>
      %dma_start3A_108 = arith.constant 0 : i32
      %dma_start3A_109 = tpu.memref_slice %arg2[%mul3A_2, %dma_start3A_108] : memref<4096x200xi32, #tpu.memory_space<hbm>> -> memref<128x200xi32, #tpu.memory_space<hbm>>
      tpu.enqueue_dma source(%dma_start3A_109 : memref<128x200xi32, #tpu.memory_space<hbm>>) target(%arg12 : memref<128x200xi32, #tpu.memory_space<vmem>>) target_semaphore(%run_scoped3A : memref<!tpu.dma_semaphore, #tpu.memory_space<semaphore_mem>>)
      %dma_wait3A_110 = arith.constant 0 : i32
      %dma_wait3A_111 = tpu.memref_slice %arg2[%mul3A_2, %dma_wait3A_110] : memref<4096x200xi32, #tpu.memory_space<hbm>> -> memref<128x200xi32, #tpu.memory_space<hbm>>
      %dma_wait3A_112 = arith.constant 0 : i32
      %dma_wait3A_113 = tpu.memref_slice %arg2[%mul3A_2, %dma_wait3A_112] : memref<4096x200xi32, #tpu.memory_space<hbm>> -> memref<128x200xi32, #tpu.memory_space<hbm>>
      tpu.wait_dma2 semaphore(%run_scoped3A : memref<!tpu.dma_semaphore, #tpu.memory_space<semaphore_mem>>) src(%dma_wait3A_113 : memref<128x200xi32, #tpu.memory_space<hbm>>) dst(%arg12 : memref<128x200xi32, #tpu.memory_space<vmem>>)
      tpu.yield
    }) : () -> ()
    "tpu.region"() ({
      %run_scoped3A = tpu.sem_alloc : memref<!tpu.dma_semaphore, #tpu.memory_space<semaphore_mem>>
      tpu.enqueue_dma source(%arg6 : memref<200x64xf32, #tpu.memory_space<hbm>>) target(%arg19 : memref<200x64xf32, #tpu.memory_space<vmem>>) target_semaphore(%run_scoped3A : memref<!tpu.dma_semaphore, #tpu.memory_space<semaphore_mem>>)
      tpu.wait_dma2 semaphore(%run_scoped3A : memref<!tpu.dma_semaphore, #tpu.memory_space<semaphore_mem>>) src(%arg6 : memref<200x64xf32, #tpu.memory_space<hbm>>) dst(%arg19 : memref<200x64xf32, #tpu.memory_space<vmem>>)
      tpu.yield
    }) : () -> ()
    "tpu.region"() ({
      %run_scoped3A = tpu.sem_alloc : memref<!tpu.dma_semaphore, #tpu.memory_space<semaphore_mem>>
      tpu.enqueue_dma source(%arg4 : memref<64xf32, #tpu.memory_space<hbm>>) target(%arg9 : memref<64xf32, #tpu.memory_space<vmem>>) target_semaphore(%run_scoped3A : memref<!tpu.dma_semaphore, #tpu.memory_space<semaphore_mem>>)
      tpu.wait_dma2 semaphore(%run_scoped3A : memref<!tpu.dma_semaphore, #tpu.memory_space<semaphore_mem>>) src(%arg4 : memref<64xf32, #tpu.memory_space<hbm>>) dst(%arg9 : memref<64xf32, #tpu.memory_space<vmem>>)
      tpu.yield
    }) : () -> ()
    "tpu.region"() ({
      %run_scoped3A = tpu.sem_alloc : memref<!tpu.dma_semaphore, #tpu.memory_space<semaphore_mem>>
      tpu.enqueue_dma source(%arg5 : memref<64xf32, #tpu.memory_space<hbm>>) target(%arg8 : memref<64xf32, #tpu.memory_space<vmem>>) target_semaphore(%run_scoped3A : memref<!tpu.dma_semaphore, #tpu.memory_space<semaphore_mem>>)
      tpu.wait_dma2 semaphore(%run_scoped3A : memref<!tpu.dma_semaphore, #tpu.memory_space<semaphore_mem>>) src(%arg5 : memref<64xf32, #tpu.memory_space<hbm>>) dst(%arg8 : memref<64xf32, #tpu.memory_space<vmem>>)
      tpu.yield
    }) : () -> ()
    %get3A = arith.constant 0 : index
    %get3A_3 = tpu.vector_load %arg9[%get3A] {strides = array<i32>} : memref<64xf32, #tpu.memory_space<vmem>>, vector<16xf32>,
    %get3A_4 = arith.constant 16 : index
    %get3A_5 = tpu.vector_load %arg9[%get3A_4] {strides = array<i32>} : memref<64xf32, #tpu.memory_space<vmem>>, vector<16xf32>,
    %get3A_6 = arith.constant 32 : index
    %get3A_7 = tpu.vector_load %arg9[%get3A_6] {strides = array<i32>} : memref<64xf32, #tpu.memory_space<vmem>>, vector<16xf32>,
    %get3A_8 = arith.constant 48 : index
    %get3A_9 = tpu.vector_load %arg9[%get3A_8] {strides = array<i32>} : memref<64xf32, #tpu.memory_space<vmem>>, vector<16xf32>,
    %get3A_10 = arith.constant 0 : index
    %get3A_11 = tpu.vector_load %arg8[%get3A_10] {strides = array<i32>} : memref<64xf32, #tpu.memory_space<vmem>>, vector<16xf32>,
    %get3A_12 = arith.constant 16 : index
    %get3A_13 = tpu.vector_load %arg8[%get3A_12] {strides = array<i32>} : memref<64xf32, #tpu.memory_space<vmem>>, vector<16xf32>,
    %get3A_14 = arith.constant 32 : index
    %get3A_15 = tpu.vector_load %arg8[%get3A_14] {strides = array<i32>} : memref<64xf32, #tpu.memory_space<vmem>>, vector<16xf32>,
    %get3A_16 = arith.constant 48 : index
    %get3A_17 = tpu.vector_load %arg8[%get3A_16] {strides = array<i32>} : memref<64xf32, #tpu.memory_space<vmem>>, vector<16xf32>,
    %parallel_loop3A = arith.constant 0 : i32
    %parallel_loop3A_18 = arith.constant 13 : i32
    %parallel_loop3A_19 = arith.constant 1 : i32
    scf.for %parallel_loop3A_106 = %parallel_loop3A to %parallel_loop3A_18 step %parallel_loop3A_19  : i32 {
      %parallel_loop3A_107 = arith.constant 16 : i32
      %parallel_loop3A_108 = arith.muli %parallel_loop3A_107, %parallel_loop3A_106 : i32
      %parallel_loop3A_109 = arith.constant 184 : i32
      %parallel_loop3A_110 = arith.minsi %parallel_loop3A_108, %parallel_loop3A_109 : i32
      %parallel_loop3A_111 = arith.constant 0 : i32
      %parallel_loop3A_112 = arith.index_cast %parallel_loop3A_111 : i32 to index
      %parallel_loop3A_113 = arith.index_cast %parallel_loop3A_110 : i32 to index
      %parallel_loop3A_114 = tpu.vector_load %arg12[%parallel_loop3A_112, %parallel_loop3A_113] {strides = array<i32>} : memref<128x200xi32, #tpu.memory_space<vmem>>, vector<16xi32>,
      %parallel_loop3A_115 = tpu.iota {dimensions = array<i32: 0>} : vector<16xi32>
      %parallel_loop3A_116 = arith.constant 2 : i32
      %parallel_loop3A_117 = vector.broadcast %parallel_loop3A_116 : i32 to vector<16xi32>
      %parallel_loop3A_118 = arith.muli %parallel_loop3A_115, %parallel_loop3A_117 : vector<16xi32>
      %parallel_loop3A_119 = arith.constant 2 : i32
      %parallel_loop3A_120 = arith.muli %parallel_loop3A_119, %parallel_loop3A_110 : i32
      %parallel_loop3A_121 = vector.broadcast %parallel_loop3A_120 : i32 to vector<16xi32>
      %parallel_loop3A_122 = arith.addi %parallel_loop3A_118, %parallel_loop3A_121 : vector<16xi32>
      %parallel_loop3A_123 = arith.constant 2 : i32
      %parallel_loop3A_124 = vector.broadcast %parallel_loop3A_123 : i32 to vector<16xi32>
      %parallel_loop3A_125 = arith.muli %parallel_loop3A_114, %parallel_loop3A_124 : vector<16xi32>
      tpu.vector_store_idx %arg13[%parallel_loop3A_122], %parallel_loop3A_125 : memref<400xi32, #tpu.memory_space<vmem>>[vector<16xi32>], vector<16xi32>,
      %parallel_loop3A_126 = arith.constant 1 : i32
      %parallel_loop3A_127 = vector.broadcast %parallel_loop3A_126 : i32 to vector<16xi32>
      %parallel_loop3A_128 = arith.addi %parallel_loop3A_122, %parallel_loop3A_127 : vector<16xi32>
      %parallel_loop3A_129 = arith.constant 2 : i32
      %parallel_loop3A_130 = vector.broadcast %parallel_loop3A_129 : i32 to vector<16xi32>
      %parallel_loop3A_131 = arith.muli %parallel_loop3A_114, %parallel_loop3A_130 : vector<16xi32>
      %parallel_loop3A_132 = arith.constant 1 : i32
      %parallel_loop3A_133 = vector.broadcast %parallel_loop3A_132 : i32 to vector<16xi32>
      %parallel_loop3A_134 = arith.addi %parallel_loop3A_131, %parallel_loop3A_133 : vector<16xi32>
      tpu.vector_store_idx %arg13[%parallel_loop3A_128], %parallel_loop3A_134 : memref<400xi32, #tpu.memory_space<vmem>>[vector<16xi32>], vector<16xi32>,
    } {sc.loop_unroll_factor = 2 : i64, sc.parallel_access}
    %dma_start3A = arith.constant 0 : i32
    %dma_start3A_20 = arith.constant 0 : i32
    %dma_start3A_21 = tpu.memref_slice %arg20[%dma_start3A, %dma_start3A_20] : memref<400x32xf32, #tpu.memory_space<vmem>> -> memref<128x32xf32, #tpu.memory_space<vmem>>
    %dma_start3A_22 = arith.constant 0 : i32
    %dma_start3A_23 = tpu.memref_slice %arg13[%dma_start3A_22] : memref<400xi32, #tpu.memory_space<vmem>> -> memref<128xi32, #tpu.memory_space<vmem>>
    %dma_start3A_24 = arith.constant 0 : i32
    %dma_start3A_25 = arith.constant 0 : i32
    %dma_start3A_26 = tpu.memref_slice %arg3[%dma_start3A_24, %dma_start3A_25] : memref<2000000x32xf32, #tpu.memory_space<hbm>> -> memref<2000000x32xf32, #tpu.memory_space<hbm>>
    tpu.enqueue_indirect_dma source(%dma_start3A_26 : memref<2000000x32xf32, #tpu.memory_space<hbm>>) target(%dma_start3A_21 : memref<128x32xf32, #tpu.memory_space<vmem>>) offsets(%dma_start3A_23 : memref<128xi32, #tpu.memory_space<vmem>>) semaphore(%arg10 : memref<!tpu.dma_semaphore, #tpu.memory_space<semaphore_mem>>)
    %dma_start3A_27 = arith.constant 128 : i32
    %dma_start3A_28 = arith.constant 0 : i32
    %dma_start3A_29 = tpu.memref_slice %arg20[%dma_start3A_27, %dma_start3A_28] : memref<400x32xf32, #tpu.memory_space<vmem>> -> memref<128x32xf32, #tpu.memory_space<vmem>>
    %dma_start3A_30 = arith.constant 128 : i32
    %dma_start3A_31 = tpu.memref_slice %arg13[%dma_start3A_30] : memref<400xi32, #tpu.memory_space<vmem>> -> memref<128xi32, #tpu.memory_space<vmem>>
    %dma_start3A_32 = arith.constant 0 : i32
    %dma_start3A_33 = arith.constant 0 : i32
    %dma_start3A_34 = tpu.memref_slice %arg3[%dma_start3A_32, %dma_start3A_33] : memref<2000000x32xf32, #tpu.memory_space<hbm>> -> memref<2000000x32xf32, #tpu.memory_space<hbm>>
    tpu.enqueue_indirect_dma source(%dma_start3A_34 : memref<2000000x32xf32, #tpu.memory_space<hbm>>) target(%dma_start3A_29 : memref<128x32xf32, #tpu.memory_space<vmem>>) offsets(%dma_start3A_31 : memref<128xi32, #tpu.memory_space<vmem>>) semaphore(%arg10 : memref<!tpu.dma_semaphore, #tpu.memory_space<semaphore_mem>>)
    %dma_start3A_35 = arith.constant 256 : i32
    %dma_start3A_36 = arith.constant 0 : i32
    %dma_start3A_37 = tpu.memref_slice %arg20[%dma_start3A_35, %dma_start3A_36] : memref<400x32xf32, #tpu.memory_space<vmem>> -> memref<128x32xf32, #tpu.memory_space<vmem>>
    %dma_start3A_38 = arith.constant 256 : i32
    %dma_start3A_39 = tpu.memref_slice %arg13[%dma_start3A_38] : memref<400xi32, #tpu.memory_space<vmem>> -> memref<128xi32, #tpu.memory_space<vmem>>
    %dma_start3A_40 = arith.constant 0 : i32
    %dma_start3A_41 = arith.constant 0 : i32
    %dma_start3A_42 = tpu.memref_slice %arg3[%dma_start3A_40, %dma_start3A_41] : memref<2000000x32xf32, #tpu.memory_space<hbm>> -> memref<2000000x32xf32, #tpu.memory_space<hbm>>
    tpu.enqueue_indirect_dma source(%dma_start3A_42 : memref<2000000x32xf32, #tpu.memory_space<hbm>>) target(%dma_start3A_37 : memref<128x32xf32, #tpu.memory_space<vmem>>) offsets(%dma_start3A_39 : memref<128xi32, #tpu.memory_space<vmem>>) semaphore(%arg10 : memref<!tpu.dma_semaphore, #tpu.memory_space<semaphore_mem>>)
    %dma_start3A_43 = arith.constant 384 : i32
    %dma_start3A_44 = arith.constant 0 : i32
    %dma_start3A_45 = tpu.memref_slice %arg20[%dma_start3A_43, %dma_start3A_44] : memref<400x32xf32, #tpu.memory_space<vmem>> -> memref<16x32xf32, #tpu.memory_space<vmem>>
    %dma_start3A_46 = arith.constant 384 : i32
    %dma_start3A_47 = tpu.memref_slice %arg13[%dma_start3A_46] : memref<400xi32, #tpu.memory_space<vmem>> -> memref<16xi32, #tpu.memory_space<vmem>>
    %dma_start3A_48 = arith.constant 0 : i32
    %dma_start3A_49 = arith.constant 0 : i32
    %dma_start3A_50 = tpu.memref_slice %arg3[%dma_start3A_48, %dma_start3A_49] : memref<2000000x32xf32, #tpu.memory_space<hbm>> -> memref<2000000x32xf32, #tpu.memory_space<hbm>>
    tpu.enqueue_indirect_dma source(%dma_start3A_50 : memref<2000000x32xf32, #tpu.memory_space<hbm>>) target(%dma_start3A_45 : memref<16x32xf32, #tpu.memory_space<vmem>>) offsets(%dma_start3A_47 : memref<16xi32, #tpu.memory_space<vmem>>) semaphore(%arg10 : memref<!tpu.dma_semaphore, #tpu.memory_space<semaphore_mem>>)
    %parallel_loop3A_51 = arith.constant 0 : i32
    %parallel_loop3A_52 = arith.constant 13 : i32
    %parallel_loop3A_53 = arith.constant 1 : i32
    scf.for %parallel_loop3A_106 = %parallel_loop3A_51 to %parallel_loop3A_52 step %parallel_loop3A_53  : i32 {
      %parallel_loop3A_107 = arith.constant 16 : i32
      %parallel_loop3A_108 = arith.muli %parallel_loop3A_107, %parallel_loop3A_106 : i32
      %parallel_loop3A_109 = arith.constant 184 : i32
      %parallel_loop3A_110 = arith.minsi %parallel_loop3A_108, %parallel_loop3A_109 : i32
      %parallel_loop3A_111 = arith.constant 1 : i32
      %parallel_loop3A_112 = arith.index_cast %parallel_loop3A_111 : i32 to index
      %parallel_loop3A_113 = arith.index_cast %parallel_loop3A_110 : i32 to index
      %parallel_loop3A_114 = tpu.vector_load %arg12[%parallel_loop3A_112, %parallel_loop3A_113] {strides = array<i32>} : memref<128x200xi32, #tpu.memory_space<vmem>>, vector<16xi32>,
      %parallel_loop3A_115 = tpu.iota {dimensions = array<i32: 0>} : vector<16xi32>
      %parallel_loop3A_116 = arith.constant 2 : i32
      %parallel_loop3A_117 = vector.broadcast %parallel_loop3A_116 : i32 to vector<16xi32>
      %parallel_loop3A_118 = arith.muli %parallel_loop3A_115, %parallel_loop3A_117 : vector<16xi32>
      %parallel_loop3A_119 = arith.constant 2 : i32
      %parallel_loop3A_120 = arith.muli %parallel_loop3A_119, %parallel_loop3A_110 : i32
      %parallel_loop3A_121 = vector.broadcast %parallel_loop3A_120 : i32 to vector<16xi32>
      %parallel_loop3A_122 = arith.addi %parallel_loop3A_118, %parallel_loop3A_121 : vector<16xi32>
      %parallel_loop3A_123 = arith.constant 2 : i32
      %parallel_loop3A_124 = vector.broadcast %parallel_loop3A_123 : i32 to vector<16xi32>
      %parallel_loop3A_125 = arith.muli %parallel_loop3A_114, %parallel_loop3A_124 : vector<16xi32>
      tpu.vector_store_idx %arg14[%parallel_loop3A_122], %parallel_loop3A_125 : memref<400xi32, #tpu.memory_space<vmem>>[vector<16xi32>], vector<16xi32>,
      %parallel_loop3A_126 = arith.constant 1 : i32
      %parallel_loop3A_127 = vector.broadcast %parallel_loop3A_126 : i32 to vector<16xi32>
      %parallel_loop3A_128 = arith.addi %parallel_loop3A_122, %parallel_loop3A_127 : vector<16xi32>
      %parallel_loop3A_129 = arith.constant 2 : i32
      %parallel_loop3A_130 = vector.broadcast %parallel_loop3A_129 : i32 to vector<16xi32>
      %parallel_loop3A_131 = arith.muli %parallel_loop3A_114, %parallel_loop3A_130 : vector<16xi32>
      %parallel_loop3A_132 = arith.constant 1 : i32
      %parallel_loop3A_133 = vector.broadcast %parallel_loop3A_132 : i32 to vector<16xi32>
      %parallel_loop3A_134 = arith.addi %parallel_loop3A_131, %parallel_loop3A_133 : vector<16xi32>
      tpu.vector_store_idx %arg14[%parallel_loop3A_128], %parallel_loop3A_134 : memref<400xi32, #tpu.memory_space<vmem>>[vector<16xi32>], vector<16xi32>,
    } {sc.loop_unroll_factor = 2 : i64, sc.parallel_access}
    %dma_start3A_54 = arith.constant 0 : i32
    %dma_start3A_55 = arith.constant 0 : i32
    %dma_start3A_56 = tpu.memref_slice %arg21[%dma_start3A_54, %dma_start3A_55] : memref<400x32xf32, #tpu.memory_space<vmem>> -> memref<128x32xf32, #tpu.memory_space<vmem>>
    %dma_start3A_57 = arith.constant 0 : i32
    %dma_start3A_58 = tpu.memref_slice %arg14[%dma_start3A_57] : memref<400xi32, #tpu.memory_space<vmem>> -> memref<128xi32, #tpu.memory_space<vmem>>
    %dma_start3A_59 = arith.constant 0 : i32
    %dma_start3A_60 = arith.constant 0 : i32
    %dma_start3A_61 = tpu.memref_slice %arg3[%dma_start3A_59, %dma_start3A_60] : memref<2000000x32xf32, #tpu.memory_space<hbm>> -> memref<2000000x32xf32, #tpu.memory_space<hbm>>
    tpu.enqueue_indirect_dma source(%dma_start3A_61 : memref<2000000x32xf32, #tpu.memory_space<hbm>>) target(%dma_start3A_56 : memref<128x32xf32, #tpu.memory_space<vmem>>) offsets(%dma_start3A_58 : memref<128xi32, #tpu.memory_space<vmem>>) semaphore(%arg11 : memref<!tpu.dma_semaphore, #tpu.memory_space<semaphore_mem>>)
    %dma_start3A_62 = arith.constant 128 : i32
    %dma_start3A_63 = arith.constant 0 : i32
    %dma_start3A_64 = tpu.memref_slice %arg21[%dma_start3A_62, %dma_start3A_63] : memref<400x32xf32, #tpu.memory_space<vmem>> -> memref<128x32xf32, #tpu.memory_space<vmem>>
    %dma_start3A_65 = arith.constant 128 : i32
    %dma_start3A_66 = tpu.memref_slice %arg14[%dma_start3A_65] : memref<400xi32, #tpu.memory_space<vmem>> -> memref<128xi32, #tpu.memory_space<vmem>>
    %dma_start3A_67 = arith.constant 0 : i32
    %dma_start3A_68 = arith.constant 0 : i32
    %dma_start3A_69 = tpu.memref_slice %arg3[%dma_start3A_67, %dma_start3A_68] : memref<2000000x32xf32, #tpu.memory_space<hbm>> -> memref<2000000x32xf32, #tpu.memory_space<hbm>>
    tpu.enqueue_indirect_dma source(%dma_start3A_69 : memref<2000000x32xf32, #tpu.memory_space<hbm>>) target(%dma_start3A_64 : memref<128x32xf32, #tpu.memory_space<vmem>>) offsets(%dma_start3A_66 : memref<128xi32, #tpu.memory_space<vmem>>) semaphore(%arg11 : memref<!tpu.dma_semaphore, #tpu.memory_space<semaphore_mem>>)
    %dma_start3A_70 = arith.constant 256 : i32
    %dma_start3A_71 = arith.constant 0 : i32
    %dma_start3A_72 = tpu.memref_slice %arg21[%dma_start3A_70, %dma_start3A_71] : memref<400x32xf32, #tpu.memory_space<vmem>> -> memref<128x32xf32, #tpu.memory_space<vmem>>
    %dma_start3A_73 = arith.constant 256 : i32
    %dma_start3A_74 = tpu.memref_slice %arg14[%dma_start3A_73] : memref<400xi32, #tpu.memory_space<vmem>> -> memref<128xi32, #tpu.memory_space<vmem>>
    %dma_start3A_75 = arith.constant 0 : i32
    %dma_start3A_76 = arith.constant 0 : i32
    %dma_start3A_77 = tpu.memref_slice %arg3[%dma_start3A_75, %dma_start3A_76] : memref<2000000x32xf32, #tpu.memory_space<hbm>> -> memref<2000000x32xf32, #tpu.memory_space<hbm>>
    tpu.enqueue_indirect_dma source(%dma_start3A_77 : memref<2000000x32xf32, #tpu.memory_space<hbm>>) target(%dma_start3A_72 : memref<128x32xf32, #tpu.memory_space<vmem>>) offsets(%dma_start3A_74 : memref<128xi32, #tpu.memory_space<vmem>>) semaphore(%arg11 : memref<!tpu.dma_semaphore, #tpu.memory_space<semaphore_mem>>)
    %dma_start3A_78 = arith.constant 384 : i32
    %dma_start3A_79 = arith.constant 0 : i32
    %dma_start3A_80 = tpu.memref_slice %arg21[%dma_start3A_78, %dma_start3A_79] : memref<400x32xf32, #tpu.memory_space<vmem>> -> memref<16x32xf32, #tpu.memory_space<vmem>>
    %dma_start3A_81 = arith.constant 384 : i32
    %dma_start3A_82 = tpu.memref_slice %arg14[%dma_start3A_81] : memref<400xi32, #tpu.memory_space<vmem>> -> memref<16xi32, #tpu.memory_space<vmem>>
    %dma_start3A_83 = arith.constant 0 : i32
    %dma_start3A_84 = arith.constant 0 : i32
    %dma_start3A_85 = tpu.memref_slice %arg3[%dma_start3A_83, %dma_start3A_84] : memref<2000000x32xf32, #tpu.memory_space<hbm>> -> memref<2000000x32xf32, #tpu.memory_space<hbm>>
    tpu.enqueue_indirect_dma source(%dma_start3A_85 : memref<2000000x32xf32, #tpu.memory_space<hbm>>) target(%dma_start3A_80 : memref<16x32xf32, #tpu.memory_space<vmem>>) offsets(%dma_start3A_82 : memref<16xi32, #tpu.memory_space<vmem>>) semaphore(%arg11 : memref<!tpu.dma_semaphore, #tpu.memory_space<semaphore_mem>>)
    %scan3A = arith.constant 0 : i32
    %scan3A_86 = arith.constant 0 : i32
    %scan3A_87 = arith.constant 64 : i32
    %scan3A_88 = arith.addi %scan3A_86, %scan3A_87 : i32
    %scan3A_89 = arith.constant 1 : i32
    scf.for %scan3A_106 = %scan3A_86 to %scan3A_88 step %scan3A_89  : i32 {
      %mul3A_107 = arith.constant 2 : i32
      %mul3A_108 = arith.muli %scan3A_106, %mul3A_107 : i32
      %add3A_109 = arith.constant 0 : i32
      %add3A_110 = arith.addi %mul3A_108, %add3A_109 : i32
      %dma_wait3A_111 = arith.constant 0 : i32
      %dma_wait3A_112 = arith.constant 0 : i32
      %dma_wait3A_113 = tpu.memref_slice %arg20[%dma_wait3A_111, %dma_wait3A_112] : memref<400x32xf32, #tpu.memory_space<vmem>> -> memref<128x32xf32, #tpu.memory_space<vmem>>
      %dma_wait3A_114 = arith.constant 0 : i32
      %dma_wait3A_115 = tpu.memref_slice %arg13[%dma_wait3A_114] : memref<400xi32, #tpu.memory_space<vmem>> -> memref<128xi32, #tpu.memory_space<vmem>>
      %dma_wait3A_116 = arith.constant 0 : i32
      %dma_wait3A_117 = arith.constant 0 : i32
      %dma_wait3A_118 = tpu.memref_slice %arg3[%dma_wait3A_116, %dma_wait3A_117] : memref<2000000x32xf32, #tpu.memory_space<hbm>> -> memref<2000000x32xf32, #tpu.memory_space<hbm>>
      tpu.wait_indirect_dma semaphore(%arg10 : memref<!tpu.dma_semaphore, #tpu.memory_space<semaphore_mem>>) src(%dma_wait3A_118 : memref<2000000x32xf32, #tpu.memory_space<hbm>>) dst(%dma_wait3A_113 : memref<128x32xf32, #tpu.memory_space<vmem>>)
      %dma_wait3A_119 = arith.constant 128 : i32
      %dma_wait3A_120 = arith.constant 0 : i32
      %dma_wait3A_121 = tpu.memref_slice %arg20[%dma_wait3A_119, %dma_wait3A_120] : memref<400x32xf32, #tpu.memory_space<vmem>> -> memref<128x32xf32, #tpu.memory_space<vmem>>
      %dma_wait3A_122 = arith.constant 128 : i32
      %dma_wait3A_123 = tpu.memref_slice %arg13[%dma_wait3A_122] : memref<400xi32, #tpu.memory_space<vmem>> -> memref<128xi32, #tpu.memory_space<vmem>>
      %dma_wait3A_124 = arith.constant 0 : i32
      %dma_wait3A_125 = arith.constant 0 : i32
      %dma_wait3A_126 = tpu.memref_slice %arg3[%dma_wait3A_124, %dma_wait3A_125] : memref<2000000x32xf32, #tpu.memory_space<hbm>> -> memref<2000000x32xf32, #tpu.memory_space<hbm>>
      tpu.wait_indirect_dma semaphore(%arg10 : memref<!tpu.dma_semaphore, #tpu.memory_space<semaphore_mem>>) src(%dma_wait3A_126 : memref<2000000x32xf32, #tpu.memory_space<hbm>>) dst(%dma_wait3A_121 : memref<128x32xf32, #tpu.memory_space<vmem>>)
      %dma_wait3A_127 = arith.constant 256 : i32
      %dma_wait3A_128 = arith.constant 0 : i32
      %dma_wait3A_129 = tpu.memref_slice %arg20[%dma_wait3A_127, %dma_wait3A_128] : memref<400x32xf32, #tpu.memory_space<vmem>> -> memref<128x32xf32, #tpu.memory_space<vmem>>
      %dma_wait3A_130 = arith.constant 256 : i32
      %dma_wait3A_131 = tpu.memref_slice %arg13[%dma_wait3A_130] : memref<400xi32, #tpu.memory_space<vmem>> -> memref<128xi32, #tpu.memory_space<vmem>>
      %dma_wait3A_132 = arith.constant 0 : i32
      %dma_wait3A_133 = arith.constant 0 : i32
      %dma_wait3A_134 = tpu.memref_slice %arg3[%dma_wait3A_132, %dma_wait3A_133] : memref<2000000x32xf32, #tpu.memory_space<hbm>> -> memref<2000000x32xf32, #tpu.memory_space<hbm>>
      tpu.wait_indirect_dma semaphore(%arg10 : memref<!tpu.dma_semaphore, #tpu.memory_space<semaphore_mem>>) src(%dma_wait3A_134 : memref<2000000x32xf32, #tpu.memory_space<hbm>>) dst(%dma_wait3A_129 : memref<128x32xf32, #tpu.memory_space<vmem>>)
      %dma_wait3A_135 = arith.constant 384 : i32
      %dma_wait3A_136 = arith.constant 0 : i32
      %dma_wait3A_137 = tpu.memref_slice %arg20[%dma_wait3A_135, %dma_wait3A_136] : memref<400x32xf32, #tpu.memory_space<vmem>> -> memref<16x32xf32, #tpu.memory_space<vmem>>
      %dma_wait3A_138 = arith.constant 384 : i32
      %dma_wait3A_139 = tpu.memref_slice %arg13[%dma_wait3A_138] : memref<400xi32, #tpu.memory_space<vmem>> -> memref<16xi32, #tpu.memory_space<vmem>>
      %dma_wait3A_140 = arith.constant 0 : i32
      %dma_wait3A_141 = arith.constant 0 : i32
      %dma_wait3A_142 = tpu.memref_slice %arg3[%dma_wait3A_140, %dma_wait3A_141] : memref<2000000x32xf32, #tpu.memory_space<hbm>> -> memref<2000000x32xf32, #tpu.memory_space<hbm>>
      tpu.wait_indirect_dma semaphore(%arg10 : memref<!tpu.dma_semaphore, #tpu.memory_space<semaphore_mem>>) src(%dma_wait3A_142 : memref<2000000x32xf32, #tpu.memory_space<hbm>>) dst(%dma_wait3A_137 : memref<16x32xf32, #tpu.memory_space<vmem>>)
      %ge3A = arith.constant 2 : i32
      %ge3A_143 = arith.cmpi sge, %add3A_110, %ge3A : i32
      %convert_element_type3A = arith.extui %ge3A_143 : i1 to i32
      %cond3A = arith.constant 0 : i32
      %cond3A_144 = arith.cmpi ne, %convert_element_type3A, %cond3A : i32
      scf.if %cond3A_144 {
        %sub3A = arith.constant 2 : i32
        %sub3A_219 = arith.subi %add3A_110, %sub3A : i32
        %add3A_220 = arith.addi %mul3A_2, %sub3A_219 : i32
        %mul3A_221 = arith.constant 100 : i32
        %mul3A_222 = arith.muli %add3A_220, %mul3A_221 : i32
        %dma_wait3A_223 = arith.constant 0 : i32
        %dma_wait3A_224 = tpu.memref_slice %arg7[%mul3A_222, %dma_wait3A_223] : memref<409600x128xf32, #tpu.memory_space<hbm>> -> memref<100x128xf32, #tpu.memory_space<hbm>>
        %dma_wait3A_225 = arith.constant 0 : i32
        %dma_wait3A_226 = tpu.memref_slice %arg7[%mul3A_222, %dma_wait3A_225] : memref<409600x128xf32, #tpu.memory_space<hbm>> -> memref<100x128xf32, #tpu.memory_space<hbm>>
        tpu.wait_dma2 semaphore(%arg17 : memref<!tpu.dma_semaphore, #tpu.memory_space<semaphore_mem>>) src(%arg15 : memref<100x128xf32, #tpu.memory_space<vmem>>) dst(%dma_wait3A_226 : memref<100x128xf32, #tpu.memory_space<hbm>>)
      } else {
      }
      %parallel_loop3A_145 = arith.constant 0 : i32
      %parallel_loop3A_146 = arith.constant 200 : i32
      %parallel_loop3A_147 = arith.constant 1 : i32
      scf.for %parallel_loop3A_219 = %parallel_loop3A_145 to %parallel_loop3A_146 step %parallel_loop3A_147  : i32 {
        %parallel_loop3A_220 = arith.constant 2 : i32
        %parallel_loop3A_221 = arith.muli %parallel_loop3A_220, %parallel_loop3A_219 : i32
        %parallel_loop3A_222 = arith.constant 0 : i32
        %parallel_loop3A_223 = arith.addi %parallel_loop3A_221, %parallel_loop3A_222 : i32
        %parallel_loop3A_224 = arith.index_cast %parallel_loop3A_223 : i32 to index
        %parallel_loop3A_225 = arith.constant 0 : index
        %parallel_loop3A_226 = tpu.vector_load %arg20[%parallel_loop3A_224, %parallel_loop3A_225] {strides = array<i32>} : memref<400x32xf32, #tpu.memory_space<vmem>>, vector<16xf32>,
        %parallel_loop3A_227 = arith.index_cast %parallel_loop3A_219 : i32 to index
        %parallel_loop3A_228 = arith.constant 0 : index
        %parallel_loop3A_229 = tpu.vector_load %arg19[%parallel_loop3A_227, %parallel_loop3A_228] {strides = array<i32>} : memref<200x64xf32, #tpu.memory_space<vmem>>, vector<16xf32>,
        %parallel_loop3A_230 = arith.addf %parallel_loop3A_226, %parallel_loop3A_229 : vector<16xf32>
        %parallel_loop3A_231 = arith.constant 2 : i32
        %parallel_loop3A_232 = arith.muli %parallel_loop3A_231, %parallel_loop3A_219 : i32
        %parallel_loop3A_233 = arith.constant 0 : i32
        %parallel_loop3A_234 = arith.addi %parallel_loop3A_232, %parallel_loop3A_233 : i32
        %parallel_loop3A_235 = arith.index_cast %parallel_loop3A_234 : i32 to index
        %parallel_loop3A_236 = arith.constant 16 : index
        %parallel_loop3A_237 = tpu.vector_load %arg20[%parallel_loop3A_235, %parallel_loop3A_236] {strides = array<i32>} : memref<400x32xf32, #tpu.memory_space<vmem>>, vector<16xf32>,
        %parallel_loop3A_238 = arith.index_cast %parallel_loop3A_219 : i32 to index
        %parallel_loop3A_239 = arith.constant 16 : index
        %parallel_loop3A_240 = tpu.vector_load %arg19[%parallel_loop3A_238, %parallel_loop3A_239] {strides = array<i32>} : memref<200x64xf32, #tpu.memory_space<vmem>>, vector<16xf32>,
        %parallel_loop3A_241 = arith.addf %parallel_loop3A_237, %parallel_loop3A_240 : vector<16xf32>
        %parallel_loop3A_242 = arith.constant 2 : i32
        %parallel_loop3A_243 = arith.muli %parallel_loop3A_242, %parallel_loop3A_219 : i32
        %parallel_loop3A_244 = arith.constant 1 : i32
        %parallel_loop3A_245 = arith.addi %parallel_loop3A_243, %parallel_loop3A_244 : i32
        %parallel_loop3A_246 = arith.index_cast %parallel_loop3A_245 : i32 to index
        %parallel_loop3A_247 = arith.constant 0 : index
        %parallel_loop3A_248 = tpu.vector_load %arg20[%parallel_loop3A_246, %parallel_loop3A_247] {strides = array<i32>} : memref<400x32xf32, #tpu.memory_space<vmem>>, vector<16xf32>,
        %parallel_loop3A_249 = arith.index_cast %parallel_loop3A_219 : i32 to index
        %parallel_loop3A_250 = arith.constant 32 : index
        %parallel_loop3A_251 = tpu.vector_load %arg19[%parallel_loop3A_249, %parallel_loop3A_250] {strides = array<i32>} : memref<200x64xf32, #tpu.memory_space<vmem>>, vector<16xf32>,
        %parallel_loop3A_252 = arith.addf %parallel_loop3A_248, %parallel_loop3A_251 : vector<16xf32>
        %parallel_loop3A_253 = arith.constant 2 : i32
        %parallel_loop3A_254 = arith.muli %parallel_loop3A_253, %parallel_loop3A_219 : i32
        %parallel_loop3A_255 = arith.constant 1 : i32
        %parallel_loop3A_256 = arith.addi %parallel_loop3A_254, %parallel_loop3A_255 : i32
        %parallel_loop3A_257 = arith.index_cast %parallel_loop3A_256 : i32 to index
        %parallel_loop3A_258 = arith.constant 16 : index
        %parallel_loop3A_259 = tpu.vector_load %arg20[%parallel_loop3A_257, %parallel_loop3A_258] {strides = array<i32>} : memref<400x32xf32, #tpu.memory_space<vmem>>, vector<16xf32>,
        %parallel_loop3A_260 = arith.index_cast %parallel_loop3A_219 : i32 to index
        %parallel_loop3A_261 = arith.constant 48 : index
        %parallel_loop3A_262 = tpu.vector_load %arg19[%parallel_loop3A_260, %parallel_loop3A_261] {strides = array<i32>} : memref<200x64xf32, #tpu.memory_space<vmem>>, vector<16xf32>,
        %parallel_loop3A_263 = arith.addf %parallel_loop3A_259, %parallel_loop3A_262 : vector<16xf32>
        %parallel_loop3A_264 = arith.addf %parallel_loop3A_230, %parallel_loop3A_241 : vector<16xf32>
        %parallel_loop3A_265 = arith.addf %parallel_loop3A_252, %parallel_loop3A_263 : vector<16xf32>
        %parallel_loop3A_266 = arith.addf %parallel_loop3A_264, %parallel_loop3A_265 : vector<16xf32>
        %parallel_loop3A_267 = arith.constant true
        %parallel_loop3A_268 = vector.broadcast %parallel_loop3A_267 : i1 to vector<16xi1>
        %parallel_loop3A_269 = tpu.scan <sum>, %parallel_loop3A_266 masked %parallel_loop3A_268 : vector<16xf32>, vector<16xi1> -> vector<16xf32>
        %parallel_loop3A_270 = vector.extract %parallel_loop3A_269[15] : f32 from vector<16xf32>
        %parallel_loop3A_271 = arith.mulf %parallel_loop3A_230, %parallel_loop3A_230 : vector<16xf32>
        %parallel_loop3A_272 = arith.mulf %parallel_loop3A_241, %parallel_loop3A_241 : vector<16xf32>
        %parallel_loop3A_273 = arith.mulf %parallel_loop3A_252, %parallel_loop3A_252 : vector<16xf32>
        %parallel_loop3A_274 = arith.mulf %parallel_loop3A_263, %parallel_loop3A_263 : vector<16xf32>
        %parallel_loop3A_275 = arith.addf %parallel_loop3A_271, %parallel_loop3A_272 : vector<16xf32>
        %parallel_loop3A_276 = arith.addf %parallel_loop3A_273, %parallel_loop3A_274 : vector<16xf32>
        %parallel_loop3A_277 = arith.addf %parallel_loop3A_275, %parallel_loop3A_276 : vector<16xf32>
        %parallel_loop3A_278 = arith.constant true
        %parallel_loop3A_279 = vector.broadcast %parallel_loop3A_278 : i1 to vector<16xi1>
        %parallel_loop3A_280 = tpu.scan <sum>, %parallel_loop3A_277 masked %parallel_loop3A_279 : vector<16xf32>, vector<16xi1> -> vector<16xf32>
        %parallel_loop3A_281 = vector.extract %parallel_loop3A_280[15] : f32 from vector<16xf32>
        %parallel_loop3A_282 = arith.constant 1.562500e-02 : f32
        %parallel_loop3A_283 = arith.mulf %parallel_loop3A_270, %parallel_loop3A_282 : f32
        %parallel_loop3A_284 = arith.constant 1.562500e-02 : f32
        %parallel_loop3A_285 = arith.mulf %parallel_loop3A_281, %parallel_loop3A_284 : f32
        %parallel_loop3A_286 = arith.mulf %parallel_loop3A_283, %parallel_loop3A_283 : f32
        %parallel_loop3A_287 = arith.subf %parallel_loop3A_285, %parallel_loop3A_286 : f32
        %parallel_loop3A_288 = arith.constant 9.99999996E-13 : f32
        %parallel_loop3A_289 = arith.addf %parallel_loop3A_287, %parallel_loop3A_288 : f32
        %parallel_loop3A_290 = arith.bitcast %parallel_loop3A_289 : f32 to i32
        %parallel_loop3A_291 = arith.constant 1 : i32
        %parallel_loop3A_292 = arith.shrui %parallel_loop3A_290, %parallel_loop3A_291 : i32
        %parallel_loop3A_293 = arith.constant 1597463007 : i32
        %parallel_loop3A_294 = arith.subi %parallel_loop3A_293, %parallel_loop3A_292 : i32
        %parallel_loop3A_295 = arith.bitcast %parallel_loop3A_294 : i32 to f32
        %parallel_loop3A_296 = arith.constant 5.000000e-01 : f32
        %parallel_loop3A_297 = arith.mulf %parallel_loop3A_289, %parallel_loop3A_296 : f32
        %parallel_loop3A_298 = arith.mulf %parallel_loop3A_297, %parallel_loop3A_295 : f32
        %parallel_loop3A_299 = arith.mulf %parallel_loop3A_298, %parallel_loop3A_295 : f32
        %parallel_loop3A_300 = arith.constant 1.500000e+00 : f32
        %parallel_loop3A_301 = arith.subf %parallel_loop3A_300, %parallel_loop3A_299 : f32
        %parallel_loop3A_302 = arith.mulf %parallel_loop3A_295, %parallel_loop3A_301 : f32
        %parallel_loop3A_303 = arith.mulf %parallel_loop3A_297, %parallel_loop3A_302 : f32
        %parallel_loop3A_304 = arith.mulf %parallel_loop3A_303, %parallel_loop3A_302 : f32
        %parallel_loop3A_305 = arith.constant 1.500000e+00 : f32
        %parallel_loop3A_306 = arith.subf %parallel_loop3A_305, %parallel_loop3A_304 : f32
        %parallel_loop3A_307 = arith.mulf %parallel_loop3A_302, %parallel_loop3A_306 : f32
        %parallel_loop3A_308 = vector.broadcast %parallel_loop3A_283 : f32 to vector<16xf32>
        %parallel_loop3A_309 = arith.subf %parallel_loop3A_230, %parallel_loop3A_308 : vector<16xf32>
        %parallel_loop3A_310 = vector.broadcast %parallel_loop3A_307 : f32 to vector<16xf32>
        %parallel_loop3A_311 = arith.mulf %parallel_loop3A_309, %parallel_loop3A_310 : vector<16xf32>
        %parallel_loop3A_312 = arith.mulf %parallel_loop3A_311, %get3A_3 : vector<16xf32>
        %parallel_loop3A_313 = arith.addf %parallel_loop3A_312, %get3A_11 : vector<16xf32>
        %parallel_loop3A_314 = arith.constant 1 : i32
        %parallel_loop3A_315 = arith.shrui %parallel_loop3A_219, %parallel_loop3A_314 : i32
        %parallel_loop3A_316 = arith.constant 2 : i32
        %parallel_loop3A_317 = arith.constant 0 : i32
        %parallel_loop3A_318 = arith.cmpi eq, %parallel_loop3A_316, %parallel_loop3A_317 : i32
        %parallel_loop3A_319 = arith.constant 1 : i32
        %parallel_loop3A_320 = arith.select %parallel_loop3A_318, %parallel_loop3A_319, %parallel_loop3A_316 : i32
        %parallel_loop3A_321 = arith.remsi %parallel_loop3A_219, %parallel_loop3A_320 : i32
        %parallel_loop3A_322 = arith.constant 0 : i32
        %parallel_loop3A_323 = arith.cmpi ne, %parallel_loop3A_321, %parallel_loop3A_322 : i32
        %parallel_loop3A_324 = arith.constant 0 : i32
        %parallel_loop3A_325 = arith.cmpi slt, %parallel_loop3A_321, %parallel_loop3A_324 : i32
        %parallel_loop3A_326 = arith.constant 0 : i32
        %parallel_loop3A_327 = arith.cmpi slt, %parallel_loop3A_320, %parallel_loop3A_326 : i32
        %parallel_loop3A_328 = arith.xori %parallel_loop3A_325, %parallel_loop3A_327 : i1
        %parallel_loop3A_329 = arith.andi %parallel_loop3A_328, %parallel_loop3A_323 : i1
        %parallel_loop3A_330 = arith.addi %parallel_loop3A_321, %parallel_loop3A_320 : i32
        %parallel_loop3A_331 = arith.select %parallel_loop3A_329, %parallel_loop3A_330, %parallel_loop3A_321 : i32
        %parallel_loop3A_332 = arith.constant 64 : i32
        %parallel_loop3A_333 = arith.muli %parallel_loop3A_332, %parallel_loop3A_331 : i32
        %parallel_loop3A_334 = arith.constant 0 : i32
        %parallel_loop3A_335 = arith.addi %parallel_loop3A_333, %parallel_loop3A_334 : i32
        %parallel_loop3A_336 = arith.index_cast %parallel_loop3A_315 : i32 to index
        %parallel_loop3A_337 = arith.index_cast %parallel_loop3A_335 : i32 to index
        %parallel_loop3A_338 = tpu.vector_load %arg15[%parallel_loop3A_336, %parallel_loop3A_337] {strides = array<i32>} : memref<100x128xf32, #tpu.memory_space<vmem>>, vector<16xf32>,
        tpu.vector_store %arg15[%parallel_loop3A_336, %parallel_loop3A_337], %parallel_loop3A_313 {strides = array<i32>} : memref<100x128xf32, #tpu.memory_space<vmem>>, vector<16xf32>,
        %parallel_loop3A_339 = vector.broadcast %parallel_loop3A_283 : f32 to vector<16xf32>
        %parallel_loop3A_340 = arith.subf %parallel_loop3A_241, %parallel_loop3A_339 : vector<16xf32>
        %parallel_loop3A_341 = vector.broadcast %parallel_loop3A_307 : f32 to vector<16xf32>
        %parallel_loop3A_342 = arith.mulf %parallel_loop3A_340, %parallel_loop3A_341 : vector<16xf32>
        %parallel_loop3A_343 = arith.mulf %parallel_loop3A_342, %get3A_5 : vector<16xf32>
        %parallel_loop3A_344 = arith.addf %parallel_loop3A_343, %get3A_13 : vector<16xf32>
        %parallel_loop3A_345 = arith.constant 1 : i32
        %parallel_loop3A_346 = arith.shrui %parallel_loop3A_219, %parallel_loop3A_345 : i32
        %parallel_loop3A_347 = arith.constant 2 : i32
        %parallel_loop3A_348 = arith.constant 0 : i32
        %parallel_loop3A_349 = arith.cmpi eq, %parallel_loop3A_347, %parallel_loop3A_348 : i32
        %parallel_loop3A_350 = arith.constant 1 : i32
        %parallel_loop3A_351 = arith.select %parallel_loop3A_349, %parallel_loop3A_350, %parallel_loop3A_347 : i32
        %parallel_loop3A_352 = arith.remsi %parallel_loop3A_219, %parallel_loop3A_351 : i32
        %parallel_loop3A_353 = arith.constant 0 : i32
        %parallel_loop3A_354 = arith.cmpi ne, %parallel_loop3A_352, %parallel_loop3A_353 : i32
        %parallel_loop3A_355 = arith.constant 0 : i32
        %parallel_loop3A_356 = arith.cmpi slt, %parallel_loop3A_352, %parallel_loop3A_355 : i32
        %parallel_loop3A_357 = arith.constant 0 : i32
        %parallel_loop3A_358 = arith.cmpi slt, %parallel_loop3A_351, %parallel_loop3A_357 : i32
        %parallel_loop3A_359 = arith.xori %parallel_loop3A_356, %parallel_loop3A_358 : i1
        %parallel_loop3A_360 = arith.andi %parallel_loop3A_359, %parallel_loop3A_354 : i1
        %parallel_loop3A_361 = arith.addi %parallel_loop3A_352, %parallel_loop3A_351 : i32
        %parallel_loop3A_362 = arith.select %parallel_loop3A_360, %parallel_loop3A_361, %parallel_loop3A_352 : i32
        %parallel_loop3A_363 = arith.constant 64 : i32
        %parallel_loop3A_364 = arith.muli %parallel_loop3A_363, %parallel_loop3A_362 : i32
        %parallel_loop3A_365 = arith.constant 16 : i32
        %parallel_loop3A_366 = arith.addi %parallel_loop3A_364, %parallel_loop3A_365 : i32
        %parallel_loop3A_367 = arith.index_cast %parallel_loop3A_346 : i32 to index
        %parallel_loop3A_368 = arith.index_cast %parallel_loop3A_366 : i32 to index
        %parallel_loop3A_369 = tpu.vector_load %arg15[%parallel_loop3A_367, %parallel_loop3A_368] {strides = array<i32>} : memref<100x128xf32, #tpu.memory_space<vmem>>, vector<16xf32>,
        tpu.vector_store %arg15[%parallel_loop3A_367, %parallel_loop3A_368], %parallel_loop3A_344 {strides = array<i32>} : memref<100x128xf32, #tpu.memory_space<vmem>>, vector<16xf32>,
        %parallel_loop3A_370 = vector.broadcast %parallel_loop3A_283 : f32 to vector<16xf32>
        %parallel_loop3A_371 = arith.subf %parallel_loop3A_252, %parallel_loop3A_370 : vector<16xf32>
        %parallel_loop3A_372 = vector.broadcast %parallel_loop3A_307 : f32 to vector<16xf32>
        %parallel_loop3A_373 = arith.mulf %parallel_loop3A_371, %parallel_loop3A_372 : vector<16xf32>
        %parallel_loop3A_374 = arith.mulf %parallel_loop3A_373, %get3A_7 : vector<16xf32>
        %parallel_loop3A_375 = arith.addf %parallel_loop3A_374, %get3A_15 : vector<16xf32>
        %parallel_loop3A_376 = arith.constant 1 : i32
        %parallel_loop3A_377 = arith.shrui %parallel_loop3A_219, %parallel_loop3A_376 : i32
        %parallel_loop3A_378 = arith.constant 2 : i32
        %parallel_loop3A_379 = arith.constant 0 : i32
        %parallel_loop3A_380 = arith.cmpi eq, %parallel_loop3A_378, %parallel_loop3A_379 : i32
        %parallel_loop3A_381 = arith.constant 1 : i32
        %parallel_loop3A_382 = arith.select %parallel_loop3A_380, %parallel_loop3A_381, %parallel_loop3A_378 : i32
        %parallel_loop3A_383 = arith.remsi %parallel_loop3A_219, %parallel_loop3A_382 : i32
        %parallel_loop3A_384 = arith.constant 0 : i32
        %parallel_loop3A_385 = arith.cmpi ne, %parallel_loop3A_383, %parallel_loop3A_384 : i32
        %parallel_loop3A_386 = arith.constant 0 : i32
        %parallel_loop3A_387 = arith.cmpi slt, %parallel_loop3A_383, %parallel_loop3A_386 : i32
        %parallel_loop3A_388 = arith.constant 0 : i32
        %parallel_loop3A_389 = arith.cmpi slt, %parallel_loop3A_382, %parallel_loop3A_388 : i32
        %parallel_loop3A_390 = arith.xori %parallel_loop3A_387, %parallel_loop3A_389 : i1
        %parallel_loop3A_391 = arith.andi %parallel_loop3A_390, %parallel_loop3A_385 : i1
        %parallel_loop3A_392 = arith.addi %parallel_loop3A_383, %parallel_loop3A_382 : i32
        %parallel_loop3A_393 = arith.select %parallel_loop3A_391, %parallel_loop3A_392, %parallel_loop3A_383 : i32
        %parallel_loop3A_394 = arith.constant 64 : i32
        %parallel_loop3A_395 = arith.muli %parallel_loop3A_394, %parallel_loop3A_393 : i32
        %parallel_loop3A_396 = arith.constant 32 : i32
        %parallel_loop3A_397 = arith.addi %parallel_loop3A_395, %parallel_loop3A_396 : i32
        %parallel_loop3A_398 = arith.index_cast %parallel_loop3A_377 : i32 to index
        %parallel_loop3A_399 = arith.index_cast %parallel_loop3A_397 : i32 to index
        %parallel_loop3A_400 = tpu.vector_load %arg15[%parallel_loop3A_398, %parallel_loop3A_399] {strides = array<i32>} : memref<100x128xf32, #tpu.memory_space<vmem>>, vector<16xf32>,
        tpu.vector_store %arg15[%parallel_loop3A_398, %parallel_loop3A_399], %parallel_loop3A_375 {strides = array<i32>} : memref<100x128xf32, #tpu.memory_space<vmem>>, vector<16xf32>,
        %parallel_loop3A_401 = vector.broadcast %parallel_loop3A_283 : f32 to vector<16xf32>
        %parallel_loop3A_402 = arith.subf %parallel_loop3A_263, %parallel_loop3A_401 : vector<16xf32>
        %parallel_loop3A_403 = vector.broadcast %parallel_loop3A_307 : f32 to vector<16xf32>
        %parallel_loop3A_404 = arith.mulf %parallel_loop3A_402, %parallel_loop3A_403 : vector<16xf32>
        %parallel_loop3A_405 = arith.mulf %parallel_loop3A_404, %get3A_9 : vector<16xf32>
        %parallel_loop3A_406 = arith.addf %parallel_loop3A_405, %get3A_17 : vector<16xf32>
        %parallel_loop3A_407 = arith.constant 1 : i32
        %parallel_loop3A_408 = arith.shrui %parallel_loop3A_219, %parallel_loop3A_407 : i32
        %parallel_loop3A_409 = arith.constant 2 : i32
        %parallel_loop3A_410 = arith.constant 0 : i32
        %parallel_loop3A_411 = arith.cmpi eq, %parallel_loop3A_409, %parallel_loop3A_410 : i32
        %parallel_loop3A_412 = arith.constant 1 : i32
        %parallel_loop3A_413 = arith.select %parallel_loop3A_411, %parallel_loop3A_412, %parallel_loop3A_409 : i32
        %parallel_loop3A_414 = arith.remsi %parallel_loop3A_219, %parallel_loop3A_413 : i32
        %parallel_loop3A_415 = arith.constant 0 : i32
        %parallel_loop3A_416 = arith.cmpi ne, %parallel_loop3A_414, %parallel_loop3A_415 : i32
        %parallel_loop3A_417 = arith.constant 0 : i32
        %parallel_loop3A_418 = arith.cmpi slt, %parallel_loop3A_414, %parallel_loop3A_417 : i32
        %parallel_loop3A_419 = arith.constant 0 : i32
        %parallel_loop3A_420 = arith.cmpi slt, %parallel_loop3A_413, %parallel_loop3A_419 : i32
        %parallel_loop3A_421 = arith.xori %parallel_loop3A_418, %parallel_loop3A_420 : i1
        %parallel_loop3A_422 = arith.andi %parallel_loop3A_421, %parallel_loop3A_416 : i1
        %parallel_loop3A_423 = arith.addi %parallel_loop3A_414, %parallel_loop3A_413 : i32
        %parallel_loop3A_424 = arith.select %parallel_loop3A_422, %parallel_loop3A_423, %parallel_loop3A_414 : i32
        %parallel_loop3A_425 = arith.constant 64 : i32
        %parallel_loop3A_426 = arith.muli %parallel_loop3A_425, %parallel_loop3A_424 : i32
        %parallel_loop3A_427 = arith.constant 48 : i32
        %parallel_loop3A_428 = arith.addi %parallel_loop3A_426, %parallel_loop3A_427 : i32
        %parallel_loop3A_429 = arith.index_cast %parallel_loop3A_408 : i32 to index
        %parallel_loop3A_430 = arith.index_cast %parallel_loop3A_428 : i32 to index
        %parallel_loop3A_431 = tpu.vector_load %arg15[%parallel_loop3A_429, %parallel_loop3A_430] {strides = array<i32>} : memref<100x128xf32, #tpu.memory_space<vmem>>, vector<16xf32>,
        tpu.vector_store %arg15[%parallel_loop3A_429, %parallel_loop3A_430], %parallel_loop3A_406 {strides = array<i32>} : memref<100x128xf32, #tpu.memory_space<vmem>>, vector<16xf32>,
      } {sc.loop_unroll_factor = 4 : i64, sc.parallel_access}
      %add3A_148 = arith.addi %mul3A_2, %add3A_110 : i32
      %mul3A_149 = arith.constant 100 : i32
      %mul3A_150 = arith.muli %add3A_148, %mul3A_149 : i32
      %dma_start3A_151 = arith.constant 0 : i32
      %dma_start3A_152 = tpu.memref_slice %arg7[%mul3A_150, %dma_start3A_151] : memref<409600x128xf32, #tpu.memory_space<hbm>> -> memref<100x128xf32, #tpu.memory_space<hbm>>
      %dma_start3A_153 = arith.constant 0 : i32
      %dma_start3A_154 = tpu.memref_slice %arg7[%mul3A_150, %dma_start3A_153] : memref<409600x128xf32, #tpu.memory_space<hbm>> -> memref<100x128xf32, #tpu.memory_space<hbm>>
      tpu.enqueue_dma source(%arg15 : memref<100x128xf32, #tpu.memory_space<vmem>>) target(%dma_start3A_154 : memref<100x128xf32, #tpu.memory_space<hbm>>) target_semaphore(%arg17 : memref<!tpu.dma_semaphore, #tpu.memory_space<semaphore_mem>>)
      %add3A_155 = arith.constant 2 : i32
      %add3A_156 = arith.addi %add3A_110, %add3A_155 : i32
      %lt3A = arith.constant 128 : i32
      %lt3A_157 = arith.cmpi slt, %add3A_156, %lt3A : i32
      %convert_element_type3A_158 = arith.extui %lt3A_157 : i1 to i32
      %cond3A_159 = arith.constant 0 : i32
      %cond3A_160 = arith.cmpi ne, %convert_element_type3A_158, %cond3A_159 : i32
      scf.if %cond3A_160 {
        %add3A_219 = arith.constant 2 : i32
        %add3A_220 = arith.addi %add3A_110, %add3A_219 : i32
        %parallel_loop3A_221 = arith.constant 0 : i32
        %parallel_loop3A_222 = arith.constant 13 : i32
        %parallel_loop3A_223 = arith.constant 1 : i32
        scf.for %parallel_loop3A_258 = %parallel_loop3A_221 to %parallel_loop3A_222 step %parallel_loop3A_223  : i32 {
          %parallel_loop3A_259 = arith.constant 16 : i32
          %parallel_loop3A_260 = arith.muli %parallel_loop3A_259, %parallel_loop3A_258 : i32
          %parallel_loop3A_261 = arith.constant 184 : i32
          %parallel_loop3A_262 = arith.minsi %parallel_loop3A_260, %parallel_loop3A_261 : i32
          %parallel_loop3A_263 = arith.index_cast %add3A_220 : i32 to index
          %parallel_loop3A_264 = arith.index_cast %parallel_loop3A_262 : i32 to index
          %parallel_loop3A_265 = tpu.vector_load %arg12[%parallel_loop3A_263, %parallel_loop3A_264] {strides = array<i32>} : memref<128x200xi32, #tpu.memory_space<vmem>>, vector<16xi32>,
          %parallel_loop3A_266 = tpu.iota {dimensions = array<i32: 0>} : vector<16xi32>
          %parallel_loop3A_267 = arith.constant 2 : i32
          %parallel_loop3A_268 = vector.broadcast %parallel_loop3A_267 : i32 to vector<16xi32>
          %parallel_loop3A_269 = arith.muli %parallel_loop3A_266, %parallel_loop3A_268 : vector<16xi32>
          %parallel_loop3A_270 = arith.constant 2 : i32
          %parallel_loop3A_271 = arith.muli %parallel_loop3A_270, %parallel_loop3A_262 : i32
          %parallel_loop3A_272 = vector.broadcast %parallel_loop3A_271 : i32 to vector<16xi32>
          %parallel_loop3A_273 = arith.addi %parallel_loop3A_269, %parallel_loop3A_272 : vector<16xi32>
          %parallel_loop3A_274 = arith.constant 2 : i32
          %parallel_loop3A_275 = vector.broadcast %parallel_loop3A_274 : i32 to vector<16xi32>
          %parallel_loop3A_276 = arith.muli %parallel_loop3A_265, %parallel_loop3A_275 : vector<16xi32>
          tpu.vector_store_idx %arg13[%parallel_loop3A_273], %parallel_loop3A_276 : memref<400xi32, #tpu.memory_space<vmem>>[vector<16xi32>], vector<16xi32>,
          %parallel_loop3A_277 = arith.constant 1 : i32
          %parallel_loop3A_278 = vector.broadcast %parallel_loop3A_277 : i32 to vector<16xi32>
          %parallel_loop3A_279 = arith.addi %parallel_loop3A_273, %parallel_loop3A_278 : vector<16xi32>
          %parallel_loop3A_280 = arith.constant 2 : i32
          %parallel_loop3A_281 = vector.broadcast %parallel_loop3A_280 : i32 to vector<16xi32>
          %parallel_loop3A_282 = arith.muli %parallel_loop3A_265, %parallel_loop3A_281 : vector<16xi32>
          %parallel_loop3A_283 = arith.constant 1 : i32
          %parallel_loop3A_284 = vector.broadcast %parallel_loop3A_283 : i32 to vector<16xi32>
          %parallel_loop3A_285 = arith.addi %parallel_loop3A_282, %parallel_loop3A_284 : vector<16xi32>
          tpu.vector_store_idx %arg13[%parallel_loop3A_279], %parallel_loop3A_285 : memref<400xi32, #tpu.memory_space<vmem>>[vector<16xi32>], vector<16xi32>,
        } {sc.loop_unroll_factor = 2 : i64, sc.parallel_access}
        %add3A_224 = arith.constant 2 : i32
        %add3A_225 = arith.addi %add3A_110, %add3A_224 : i32
        %dma_start3A_226 = arith.constant 0 : i32
        %dma_start3A_227 = arith.constant 0 : i32
        %dma_start3A_228 = tpu.memref_slice %arg20[%dma_start3A_226, %dma_start3A_227] : memref<400x32xf32, #tpu.memory_space<vmem>> -> memref<128x32xf32, #tpu.memory_space<vmem>>
        %dma_start3A_229 = arith.constant 0 : i32
        %dma_start3A_230 = tpu.memref_slice %arg13[%dma_start3A_229] : memref<400xi32, #tpu.memory_space<vmem>> -> memref<128xi32, #tpu.memory_space<vmem>>
        %dma_start3A_231 = arith.constant 0 : i32
        %dma_start3A_232 = arith.constant 0 : i32
        %dma_start3A_233 = tpu.memref_slice %arg3[%dma_start3A_231, %dma_start3A_232] : memref<2000000x32xf32, #tpu.memory_space<hbm>> -> memref<2000000x32xf32, #tpu.memory_space<hbm>>
        tpu.enqueue_indirect_dma source(%dma_start3A_233 : memref<2000000x32xf32, #tpu.memory_space<hbm>>) target(%dma_start3A_228 : memref<128x32xf32, #tpu.memory_space<vmem>>) offsets(%dma_start3A_230 : memref<128xi32, #tpu.memory_space<vmem>>) semaphore(%arg10 : memref<!tpu.dma_semaphore, #tpu.memory_space<semaphore_mem>>)
        %dma_start3A_234 = arith.constant 128 : i32
        %dma_start3A_235 = arith.constant 0 : i32
        %dma_start3A_236 = tpu.memref_slice %arg20[%dma_start3A_234, %dma_start3A_235] : memref<400x32xf32, #tpu.memory_space<vmem>> -> memref<128x32xf32, #tpu.memory_space<vmem>>
        %dma_start3A_237 = arith.constant 128 : i32
        %dma_start3A_238 = tpu.memref_slice %arg13[%dma_start3A_237] : memref<400xi32, #tpu.memory_space<vmem>> -> memref<128xi32, #tpu.memory_space<vmem>>
        %dma_start3A_239 = arith.constant 0 : i32
        %dma_start3A_240 = arith.constant 0 : i32
        %dma_start3A_241 = tpu.memref_slice %arg3[%dma_start3A_239, %dma_start3A_240] : memref<2000000x32xf32, #tpu.memory_space<hbm>> -> memref<2000000x32xf32, #tpu.memory_space<hbm>>
        tpu.enqueue_indirect_dma source(%dma_start3A_241 : memref<2000000x32xf32, #tpu.memory_space<hbm>>) target(%dma_start3A_236 : memref<128x32xf32, #tpu.memory_space<vmem>>) offsets(%dma_start3A_238 : memref<128xi32, #tpu.memory_space<vmem>>) semaphore(%arg10 : memref<!tpu.dma_semaphore, #tpu.memory_space<semaphore_mem>>)
        %dma_start3A_242 = arith.constant 256 : i32
        %dma_start3A_243 = arith.constant 0 : i32
        %dma_start3A_244 = tpu.memref_slice %arg20[%dma_start3A_242, %dma_start3A_243] : memref<400x32xf32, #tpu.memory_space<vmem>> -> memref<128x32xf32, #tpu.memory_space<vmem>>
        %dma_start3A_245 = arith.constant 256 : i32
        %dma_start3A_246 = tpu.memref_slice %arg13[%dma_start3A_245] : memref<400xi32, #tpu.memory_space<vmem>> -> memref<128xi32, #tpu.memory_space<vmem>>
        %dma_start3A_247 = arith.constant 0 : i32
        %dma_start3A_248 = arith.constant 0 : i32
        %dma_start3A_249 = tpu.memref_slice %arg3[%dma_start3A_247, %dma_start3A_248] : memref<2000000x32xf32, #tpu.memory_space<hbm>> -> memref<2000000x32xf32, #tpu.memory_space<hbm>>
        tpu.enqueue_indirect_dma source(%dma_start3A_249 : memref<2000000x32xf32, #tpu.memory_space<hbm>>) target(%dma_start3A_244 : memref<128x32xf32, #tpu.memory_space<vmem>>) offsets(%dma_start3A_246 : memref<128xi32, #tpu.memory_space<vmem>>) semaphore(%arg10 : memref<!tpu.dma_semaphore, #tpu.memory_space<semaphore_mem>>)
        %dma_start3A_250 = arith.constant 384 : i32
        %dma_start3A_251 = arith.constant 0 : i32
        %dma_start3A_252 = tpu.memref_slice %arg20[%dma_start3A_250, %dma_start3A_251] : memref<400x32xf32, #tpu.memory_space<vmem>> -> memref<16x32xf32, #tpu.memory_space<vmem>>
        %dma_start3A_253 = arith.constant 384 : i32
        %dma_start3A_254 = tpu.memref_slice %arg13[%dma_start3A_253] : memref<400xi32, #tpu.memory_space<vmem>> -> memref<16xi32, #tpu.memory_space<vmem>>
        %dma_start3A_255 = arith.constant 0 : i32
        %dma_start3A_256 = arith.constant 0 : i32
        %dma_start3A_257 = tpu.memref_slice %arg3[%dma_start3A_255, %dma_start3A_256] : memref<2000000x32xf32, #tpu.memory_space<hbm>> -> memref<2000000x32xf32, #tpu.memory_space<hbm>>
        tpu.enqueue_indirect_dma source(%dma_start3A_257 : memref<2000000x32xf32, #tpu.memory_space<hbm>>) target(%dma_start3A_252 : memref<16x32xf32, #tpu.memory_space<vmem>>) offsets(%dma_start3A_254 : memref<16xi32, #tpu.memory_space<vmem>>) semaphore(%arg10 : memref<!tpu.dma_semaphore, #tpu.memory_space<semaphore_mem>>)
      } else {
      }
      %mul3A_161 = arith.constant 2 : i32
      %mul3A_162 = arith.muli %scan3A_106, %mul3A_161 : i32
      %add3A_163 = arith.constant 1 : i32
      %add3A_164 = arith.addi %mul3A_162, %add3A_163 : i32
      %dma_wait3A_165 = arith.constant 0 : i32
      %dma_wait3A_166 = arith.constant 0 : i32
      %dma_wait3A_167 = tpu.memref_slice %arg21[%dma_wait3A_165, %dma_wait3A_166] : memref<400x32xf32, #tpu.memory_space<vmem>> -> memref<128x32xf32, #tpu.memory_space<vmem>>
      %dma_wait3A_168 = arith.constant 0 : i32
      %dma_wait3A_169 = tpu.memref_slice %arg14[%dma_wait3A_168] : memref<400xi32, #tpu.memory_space<vmem>> -> memref<128xi32, #tpu.memory_space<vmem>>
      %dma_wait3A_170 = arith.constant 0 : i32
      %dma_wait3A_171 = arith.constant 0 : i32
      %dma_wait3A_172 = tpu.memref_slice %arg3[%dma_wait3A_170, %dma_wait3A_171] : memref<2000000x32xf32, #tpu.memory_space<hbm>> -> memref<2000000x32xf32, #tpu.memory_space<hbm>>
      tpu.wait_indirect_dma semaphore(%arg11 : memref<!tpu.dma_semaphore, #tpu.memory_space<semaphore_mem>>) src(%dma_wait3A_172 : memref<2000000x32xf32, #tpu.memory_space<hbm>>) dst(%dma_wait3A_167 : memref<128x32xf32, #tpu.memory_space<vmem>>)
      %dma_wait3A_173 = arith.constant 128 : i32
      %dma_wait3A_174 = arith.constant 0 : i32
      %dma_wait3A_175 = tpu.memref_slice %arg21[%dma_wait3A_173, %dma_wait3A_174] : memref<400x32xf32, #tpu.memory_space<vmem>> -> memref<128x32xf32, #tpu.memory_space<vmem>>
      %dma_wait3A_176 = arith.constant 128 : i32
      %dma_wait3A_177 = tpu.memref_slice %arg14[%dma_wait3A_176] : memref<400xi32, #tpu.memory_space<vmem>> -> memref<128xi32, #tpu.memory_space<vmem>>
      %dma_wait3A_178 = arith.constant 0 : i32
      %dma_wait3A_179 = arith.constant 0 : i32
      %dma_wait3A_180 = tpu.memref_slice %arg3[%dma_wait3A_178, %dma_wait3A_179] : memref<2000000x32xf32, #tpu.memory_space<hbm>> -> memref<2000000x32xf32, #tpu.memory_space<hbm>>
      tpu.wait_indirect_dma semaphore(%arg11 : memref<!tpu.dma_semaphore, #tpu.memory_space<semaphore_mem>>) src(%dma_wait3A_180 : memref<2000000x32xf32, #tpu.memory_space<hbm>>) dst(%dma_wait3A_175 : memref<128x32xf32, #tpu.memory_space<vmem>>)
      %dma_wait3A_181 = arith.constant 256 : i32
      %dma_wait3A_182 = arith.constant 0 : i32
      %dma_wait3A_183 = tpu.memref_slice %arg21[%dma_wait3A_181, %dma_wait3A_182] : memref<400x32xf32, #tpu.memory_space<vmem>> -> memref<128x32xf32, #tpu.memory_space<vmem>>
      %dma_wait3A_184 = arith.constant 256 : i32
      %dma_wait3A_185 = tpu.memref_slice %arg14[%dma_wait3A_184] : memref<400xi32, #tpu.memory_space<vmem>> -> memref<128xi32, #tpu.memory_space<vmem>>
      %dma_wait3A_186 = arith.constant 0 : i32
      %dma_wait3A_187 = arith.constant 0 : i32
      %dma_wait3A_188 = tpu.memref_slice %arg3[%dma_wait3A_186, %dma_wait3A_187] : memref<2000000x32xf32, #tpu.memory_space<hbm>> -> memref<2000000x32xf32, #tpu.memory_space<hbm>>
      tpu.wait_indirect_dma semaphore(%arg11 : memref<!tpu.dma_semaphore, #tpu.memory_space<semaphore_mem>>) src(%dma_wait3A_188 : memref<2000000x32xf32, #tpu.memory_space<hbm>>) dst(%dma_wait3A_183 : memref<128x32xf32, #tpu.memory_space<vmem>>)
      %dma_wait3A_189 = arith.constant 384 : i32
      %dma_wait3A_190 = arith.constant 0 : i32
      %dma_wait3A_191 = tpu.memref_slice %arg21[%dma_wait3A_189, %dma_wait3A_190] : memref<400x32xf32, #tpu.memory_space<vmem>> -> memref<16x32xf32, #tpu.memory_space<vmem>>
      %dma_wait3A_192 = arith.constant 384 : i32
      %dma_wait3A_193 = tpu.memref_slice %arg14[%dma_wait3A_192] : memref<400xi32, #tpu.memory_space<vmem>> -> memref<16xi32, #tpu.memory_space<vmem>>
      %dma_wait3A_194 = arith.constant 0 : i32
      %dma_wait3A_195 = arith.constant 0 : i32
      %dma_wait3A_196 = tpu.memref_slice %arg3[%dma_wait3A_194, %dma_wait3A_195] : memref<2000000x32xf32, #tpu.memory_space<hbm>> -> memref<2000000x32xf32, #tpu.memory_space<hbm>>
      tpu.wait_indirect_dma semaphore(%arg11 : memref<!tpu.dma_semaphore, #tpu.memory_space<semaphore_mem>>) src(%dma_wait3A_196 : memref<2000000x32xf32, #tpu.memory_space<hbm>>) dst(%dma_wait3A_191 : memref<16x32xf32, #tpu.memory_space<vmem>>)
      %ge3A_197 = arith.constant 2 : i32
      %ge3A_198 = arith.cmpi sge, %add3A_164, %ge3A_197 : i32
      %convert_element_type3A_199 = arith.extui %ge3A_198 : i1 to i32
      %cond3A_200 = arith.constant 0 : i32
      %cond3A_201 = arith.cmpi ne, %convert_element_type3A_199, %cond3A_200 : i32
      scf.if %cond3A_201 {
        %sub3A = arith.constant 2 : i32
        %sub3A_219 = arith.subi %add3A_164, %sub3A : i32
        %add3A_220 = arith.addi %mul3A_2, %sub3A_219 : i32
        %mul3A_221 = arith.constant 100 : i32
        %mul3A_222 = arith.muli %add3A_220, %mul3A_221 : i32
        %dma_wait3A_223 = arith.constant 0 : i32
        %dma_wait3A_224 = tpu.memref_slice %arg7[%mul3A_222, %dma_wait3A_223] : memref<409600x128xf32, #tpu.memory_space<hbm>> -> memref<100x128xf32, #tpu.memory_space<hbm>>
        %dma_wait3A_225 = arith.constant 0 : i32
        %dma_wait3A_226 = tpu.memref_slice %arg7[%mul3A_222, %dma_wait3A_225] : memref<409600x128xf32, #tpu.memory_space<hbm>> -> memref<100x128xf32, #tpu.memory_space<hbm>>
        tpu.wait_dma2 semaphore(%arg18 : memref<!tpu.dma_semaphore, #tpu.memory_space<semaphore_mem>>) src(%arg16 : memref<100x128xf32, #tpu.memory_space<vmem>>) dst(%dma_wait3A_226 : memref<100x128xf32, #tpu.memory_space<hbm>>)
      } else {
      }
      %parallel_loop3A_202 = arith.constant 0 : i32
      %parallel_loop3A_203 = arith.constant 200 : i32
      %parallel_loop3A_204 = arith.constant 1 : i32
      scf.for %parallel_loop3A_219 = %parallel_loop3A_202 to %parallel_loop3A_203 step %parallel_loop3A_204  : i32 {
        %parallel_loop3A_220 = arith.constant 2 : i32
        %parallel_loop3A_221 = arith.muli %parallel_loop3A_220, %parallel_loop3A_219 : i32
        %parallel_loop3A_222 = arith.constant 0 : i32
        %parallel_loop3A_223 = arith.addi %parallel_loop3A_221, %parallel_loop3A_222 : i32
        %parallel_loop3A_224 = arith.index_cast %parallel_loop3A_223 : i32 to index
        %parallel_loop3A_225 = arith.constant 0 : index
        %parallel_loop3A_226 = tpu.vector_load %arg21[%parallel_loop3A_224, %parallel_loop3A_225] {strides = array<i32>} : memref<400x32xf32, #tpu.memory_space<vmem>>, vector<16xf32>,
        %parallel_loop3A_227 = arith.index_cast %parallel_loop3A_219 : i32 to index
        %parallel_loop3A_228 = arith.constant 0 : index
        %parallel_loop3A_229 = tpu.vector_load %arg19[%parallel_loop3A_227, %parallel_loop3A_228] {strides = array<i32>} : memref<200x64xf32, #tpu.memory_space<vmem>>, vector<16xf32>,
        %parallel_loop3A_230 = arith.addf %parallel_loop3A_226, %parallel_loop3A_229 : vector<16xf32>
        %parallel_loop3A_231 = arith.constant 2 : i32
        %parallel_loop3A_232 = arith.muli %parallel_loop3A_231, %parallel_loop3A_219 : i32
        %parallel_loop3A_233 = arith.constant 0 : i32
        %parallel_loop3A_234 = arith.addi %parallel_loop3A_232, %parallel_loop3A_233 : i32
        %parallel_loop3A_235 = arith.index_cast %parallel_loop3A_234 : i32 to index
        %parallel_loop3A_236 = arith.constant 16 : index
        %parallel_loop3A_237 = tpu.vector_load %arg21[%parallel_loop3A_235, %parallel_loop3A_236] {strides = array<i32>} : memref<400x32xf32, #tpu.memory_space<vmem>>, vector<16xf32>,
        %parallel_loop3A_238 = arith.index_cast %parallel_loop3A_219 : i32 to index
        %parallel_loop3A_239 = arith.constant 16 : index
        %parallel_loop3A_240 = tpu.vector_load %arg19[%parallel_loop3A_238, %parallel_loop3A_239] {strides = array<i32>} : memref<200x64xf32, #tpu.memory_space<vmem>>, vector<16xf32>,
        %parallel_loop3A_241 = arith.addf %parallel_loop3A_237, %parallel_loop3A_240 : vector<16xf32>
        %parallel_loop3A_242 = arith.constant 2 : i32
        %parallel_loop3A_243 = arith.muli %parallel_loop3A_242, %parallel_loop3A_219 : i32
        %parallel_loop3A_244 = arith.constant 1 : i32
        %parallel_loop3A_245 = arith.addi %parallel_loop3A_243, %parallel_loop3A_244 : i32
        %parallel_loop3A_246 = arith.index_cast %parallel_loop3A_245 : i32 to index
        %parallel_loop3A_247 = arith.constant 0 : index
        %parallel_loop3A_248 = tpu.vector_load %arg21[%parallel_loop3A_246, %parallel_loop3A_247] {strides = array<i32>} : memref<400x32xf32, #tpu.memory_space<vmem>>, vector<16xf32>,
        %parallel_loop3A_249 = arith.index_cast %parallel_loop3A_219 : i32 to index
        %parallel_loop3A_250 = arith.constant 32 : index
        %parallel_loop3A_251 = tpu.vector_load %arg19[%parallel_loop3A_249, %parallel_loop3A_250] {strides = array<i32>} : memref<200x64xf32, #tpu.memory_space<vmem>>, vector<16xf32>,
        %parallel_loop3A_252 = arith.addf %parallel_loop3A_248, %parallel_loop3A_251 : vector<16xf32>
        %parallel_loop3A_253 = arith.constant 2 : i32
        %parallel_loop3A_254 = arith.muli %parallel_loop3A_253, %parallel_loop3A_219 : i32
        %parallel_loop3A_255 = arith.constant 1 : i32
        %parallel_loop3A_256 = arith.addi %parallel_loop3A_254, %parallel_loop3A_255 : i32
        %parallel_loop3A_257 = arith.index_cast %parallel_loop3A_256 : i32 to index
        %parallel_loop3A_258 = arith.constant 16 : index
        %parallel_loop3A_259 = tpu.vector_load %arg21[%parallel_loop3A_257, %parallel_loop3A_258] {strides = array<i32>} : memref<400x32xf32, #tpu.memory_space<vmem>>, vector<16xf32>,
        %parallel_loop3A_260 = arith.index_cast %parallel_loop3A_219 : i32 to index
        %parallel_loop3A_261 = arith.constant 48 : index
        %parallel_loop3A_262 = tpu.vector_load %arg19[%parallel_loop3A_260, %parallel_loop3A_261] {strides = array<i32>} : memref<200x64xf32, #tpu.memory_space<vmem>>, vector<16xf32>,
        %parallel_loop3A_263 = arith.addf %parallel_loop3A_259, %parallel_loop3A_262 : vector<16xf32>
        %parallel_loop3A_264 = arith.addf %parallel_loop3A_230, %parallel_loop3A_241 : vector<16xf32>
        %parallel_loop3A_265 = arith.addf %parallel_loop3A_252, %parallel_loop3A_263 : vector<16xf32>
        %parallel_loop3A_266 = arith.addf %parallel_loop3A_264, %parallel_loop3A_265 : vector<16xf32>
        %parallel_loop3A_267 = arith.constant true
        %parallel_loop3A_268 = vector.broadcast %parallel_loop3A_267 : i1 to vector<16xi1>
        %parallel_loop3A_269 = tpu.scan <sum>, %parallel_loop3A_266 masked %parallel_loop3A_268 : vector<16xf32>, vector<16xi1> -> vector<16xf32>
        %parallel_loop3A_270 = vector.extract %parallel_loop3A_269[15] : f32 from vector<16xf32>
        %parallel_loop3A_271 = arith.mulf %parallel_loop3A_230, %parallel_loop3A_230 : vector<16xf32>
        %parallel_loop3A_272 = arith.mulf %parallel_loop3A_241, %parallel_loop3A_241 : vector<16xf32>
        %parallel_loop3A_273 = arith.mulf %parallel_loop3A_252, %parallel_loop3A_252 : vector<16xf32>
        %parallel_loop3A_274 = arith.mulf %parallel_loop3A_263, %parallel_loop3A_263 : vector<16xf32>
        %parallel_loop3A_275 = arith.addf %parallel_loop3A_271, %parallel_loop3A_272 : vector<16xf32>
        %parallel_loop3A_276 = arith.addf %parallel_loop3A_273, %parallel_loop3A_274 : vector<16xf32>
        %parallel_loop3A_277 = arith.addf %parallel_loop3A_275, %parallel_loop3A_276 : vector<16xf32>
        %parallel_loop3A_278 = arith.constant true
        %parallel_loop3A_279 = vector.broadcast %parallel_loop3A_278 : i1 to vector<16xi1>
        %parallel_loop3A_280 = tpu.scan <sum>, %parallel_loop3A_277 masked %parallel_loop3A_279 : vector<16xf32>, vector<16xi1> -> vector<16xf32>
        %parallel_loop3A_281 = vector.extract %parallel_loop3A_280[15] : f32 from vector<16xf32>
        %parallel_loop3A_282 = arith.constant 1.562500e-02 : f32
        %parallel_loop3A_283 = arith.mulf %parallel_loop3A_270, %parallel_loop3A_282 : f32
        %parallel_loop3A_284 = arith.constant 1.562500e-02 : f32
        %parallel_loop3A_285 = arith.mulf %parallel_loop3A_281, %parallel_loop3A_284 : f32
        %parallel_loop3A_286 = arith.mulf %parallel_loop3A_283, %parallel_loop3A_283 : f32
        %parallel_loop3A_287 = arith.subf %parallel_loop3A_285, %parallel_loop3A_286 : f32
        %parallel_loop3A_288 = arith.constant 9.99999996E-13 : f32
        %parallel_loop3A_289 = arith.addf %parallel_loop3A_287, %parallel_loop3A_288 : f32
        %parallel_loop3A_290 = arith.bitcast %parallel_loop3A_289 : f32 to i32
        %parallel_loop3A_291 = arith.constant 1 : i32
        %parallel_loop3A_292 = arith.shrui %parallel_loop3A_290, %parallel_loop3A_291 : i32
        %parallel_loop3A_293 = arith.constant 1597463007 : i32
        %parallel_loop3A_294 = arith.subi %parallel_loop3A_293, %parallel_loop3A_292 : i32
        %parallel_loop3A_295 = arith.bitcast %parallel_loop3A_294 : i32 to f32
        %parallel_loop3A_296 = arith.constant 5.000000e-01 : f32
        %parallel_loop3A_297 = arith.mulf %parallel_loop3A_289, %parallel_loop3A_296 : f32
        %parallel_loop3A_298 = arith.mulf %parallel_loop3A_297, %parallel_loop3A_295 : f32
        %parallel_loop3A_299 = arith.mulf %parallel_loop3A_298, %parallel_loop3A_295 : f32
        %parallel_loop3A_300 = arith.constant 1.500000e+00 : f32
        %parallel_loop3A_301 = arith.subf %parallel_loop3A_300, %parallel_loop3A_299 : f32
        %parallel_loop3A_302 = arith.mulf %parallel_loop3A_295, %parallel_loop3A_301 : f32
        %parallel_loop3A_303 = arith.mulf %parallel_loop3A_297, %parallel_loop3A_302 : f32
        %parallel_loop3A_304 = arith.mulf %parallel_loop3A_303, %parallel_loop3A_302 : f32
        %parallel_loop3A_305 = arith.constant 1.500000e+00 : f32
        %parallel_loop3A_306 = arith.subf %parallel_loop3A_305, %parallel_loop3A_304 : f32
        %parallel_loop3A_307 = arith.mulf %parallel_loop3A_302, %parallel_loop3A_306 : f32
        %parallel_loop3A_308 = vector.broadcast %parallel_loop3A_283 : f32 to vector<16xf32>
        %parallel_loop3A_309 = arith.subf %parallel_loop3A_230, %parallel_loop3A_308 : vector<16xf32>
        %parallel_loop3A_310 = vector.broadcast %parallel_loop3A_307 : f32 to vector<16xf32>
        %parallel_loop3A_311 = arith.mulf %parallel_loop3A_309, %parallel_loop3A_310 : vector<16xf32>
        %parallel_loop3A_312 = arith.mulf %parallel_loop3A_311, %get3A_3 : vector<16xf32>
        %parallel_loop3A_313 = arith.addf %parallel_loop3A_312, %get3A_11 : vector<16xf32>
        %parallel_loop3A_314 = arith.constant 1 : i32
        %parallel_loop3A_315 = arith.shrui %parallel_loop3A_219, %parallel_loop3A_314 : i32
        %parallel_loop3A_316 = arith.constant 2 : i32
        %parallel_loop3A_317 = arith.constant 0 : i32
        %parallel_loop3A_318 = arith.cmpi eq, %parallel_loop3A_316, %parallel_loop3A_317 : i32
        %parallel_loop3A_319 = arith.constant 1 : i32
        %parallel_loop3A_320 = arith.select %parallel_loop3A_318, %parallel_loop3A_319, %parallel_loop3A_316 : i32
        %parallel_loop3A_321 = arith.remsi %parallel_loop3A_219, %parallel_loop3A_320 : i32
        %parallel_loop3A_322 = arith.constant 0 : i32
        %parallel_loop3A_323 = arith.cmpi ne, %parallel_loop3A_321, %parallel_loop3A_322 : i32
        %parallel_loop3A_324 = arith.constant 0 : i32
        %parallel_loop3A_325 = arith.cmpi slt, %parallel_loop3A_321, %parallel_loop3A_324 : i32
        %parallel_loop3A_326 = arith.constant 0 : i32
        %parallel_loop3A_327 = arith.cmpi slt, %parallel_loop3A_320, %parallel_loop3A_326 : i32
        %parallel_loop3A_328 = arith.xori %parallel_loop3A_325, %parallel_loop3A_327 : i1
        %parallel_loop3A_329 = arith.andi %parallel_loop3A_328, %parallel_loop3A_323 : i1
        %parallel_loop3A_330 = arith.addi %parallel_loop3A_321, %parallel_loop3A_320 : i32
        %parallel_loop3A_331 = arith.select %parallel_loop3A_329, %parallel_loop3A_330, %parallel_loop3A_321 : i32
        %parallel_loop3A_332 = arith.constant 64 : i32
        %parallel_loop3A_333 = arith.muli %parallel_loop3A_332, %parallel_loop3A_331 : i32
        %parallel_loop3A_334 = arith.constant 0 : i32
        %parallel_loop3A_335 = arith.addi %parallel_loop3A_333, %parallel_loop3A_334 : i32
        %parallel_loop3A_336 = arith.index_cast %parallel_loop3A_315 : i32 to index
        %parallel_loop3A_337 = arith.index_cast %parallel_loop3A_335 : i32 to index
        %parallel_loop3A_338 = tpu.vector_load %arg16[%parallel_loop3A_336, %parallel_loop3A_337] {strides = array<i32>} : memref<100x128xf32, #tpu.memory_space<vmem>>, vector<16xf32>,
        tpu.vector_store %arg16[%parallel_loop3A_336, %parallel_loop3A_337], %parallel_loop3A_313 {strides = array<i32>} : memref<100x128xf32, #tpu.memory_space<vmem>>, vector<16xf32>,
        %parallel_loop3A_339 = vector.broadcast %parallel_loop3A_283 : f32 to vector<16xf32>
        %parallel_loop3A_340 = arith.subf %parallel_loop3A_241, %parallel_loop3A_339 : vector<16xf32>
        %parallel_loop3A_341 = vector.broadcast %parallel_loop3A_307 : f32 to vector<16xf32>
        %parallel_loop3A_342 = arith.mulf %parallel_loop3A_340, %parallel_loop3A_341 : vector<16xf32>
        %parallel_loop3A_343 = arith.mulf %parallel_loop3A_342, %get3A_5 : vector<16xf32>
        %parallel_loop3A_344 = arith.addf %parallel_loop3A_343, %get3A_13 : vector<16xf32>
        %parallel_loop3A_345 = arith.constant 1 : i32
        %parallel_loop3A_346 = arith.shrui %parallel_loop3A_219, %parallel_loop3A_345 : i32
        %parallel_loop3A_347 = arith.constant 2 : i32
        %parallel_loop3A_348 = arith.constant 0 : i32
        %parallel_loop3A_349 = arith.cmpi eq, %parallel_loop3A_347, %parallel_loop3A_348 : i32
        %parallel_loop3A_350 = arith.constant 1 : i32
        %parallel_loop3A_351 = arith.select %parallel_loop3A_349, %parallel_loop3A_350, %parallel_loop3A_347 : i32
        %parallel_loop3A_352 = arith.remsi %parallel_loop3A_219, %parallel_loop3A_351 : i32
        %parallel_loop3A_353 = arith.constant 0 : i32
        %parallel_loop3A_354 = arith.cmpi ne, %parallel_loop3A_352, %parallel_loop3A_353 : i32
        %parallel_loop3A_355 = arith.constant 0 : i32
        %parallel_loop3A_356 = arith.cmpi slt, %parallel_loop3A_352, %parallel_loop3A_355 : i32
        %parallel_loop3A_357 = arith.constant 0 : i32
        %parallel_loop3A_358 = arith.cmpi slt, %parallel_loop3A_351, %parallel_loop3A_357 : i32
        %parallel_loop3A_359 = arith.xori %parallel_loop3A_356, %parallel_loop3A_358 : i1
        %parallel_loop3A_360 = arith.andi %parallel_loop3A_359, %parallel_loop3A_354 : i1
        %parallel_loop3A_361 = arith.addi %parallel_loop3A_352, %parallel_loop3A_351 : i32
        %parallel_loop3A_362 = arith.select %parallel_loop3A_360, %parallel_loop3A_361, %parallel_loop3A_352 : i32
        %parallel_loop3A_363 = arith.constant 64 : i32
        %parallel_loop3A_364 = arith.muli %parallel_loop3A_363, %parallel_loop3A_362 : i32
        %parallel_loop3A_365 = arith.constant 16 : i32
        %parallel_loop3A_366 = arith.addi %parallel_loop3A_364, %parallel_loop3A_365 : i32
        %parallel_loop3A_367 = arith.index_cast %parallel_loop3A_346 : i32 to index
        %parallel_loop3A_368 = arith.index_cast %parallel_loop3A_366 : i32 to index
        %parallel_loop3A_369 = tpu.vector_load %arg16[%parallel_loop3A_367, %parallel_loop3A_368] {strides = array<i32>} : memref<100x128xf32, #tpu.memory_space<vmem>>, vector<16xf32>,
        tpu.vector_store %arg16[%parallel_loop3A_367, %parallel_loop3A_368], %parallel_loop3A_344 {strides = array<i32>} : memref<100x128xf32, #tpu.memory_space<vmem>>, vector<16xf32>,
        %parallel_loop3A_370 = vector.broadcast %parallel_loop3A_283 : f32 to vector<16xf32>
        %parallel_loop3A_371 = arith.subf %parallel_loop3A_252, %parallel_loop3A_370 : vector<16xf32>
        %parallel_loop3A_372 = vector.broadcast %parallel_loop3A_307 : f32 to vector<16xf32>
        %parallel_loop3A_373 = arith.mulf %parallel_loop3A_371, %parallel_loop3A_372 : vector<16xf32>
        %parallel_loop3A_374 = arith.mulf %parallel_loop3A_373, %get3A_7 : vector<16xf32>
        %parallel_loop3A_375 = arith.addf %parallel_loop3A_374, %get3A_15 : vector<16xf32>
        %parallel_loop3A_376 = arith.constant 1 : i32
        %parallel_loop3A_377 = arith.shrui %parallel_loop3A_219, %parallel_loop3A_376 : i32
        %parallel_loop3A_378 = arith.constant 2 : i32
        %parallel_loop3A_379 = arith.constant 0 : i32
        %parallel_loop3A_380 = arith.cmpi eq, %parallel_loop3A_378, %parallel_loop3A_379 : i32
        %parallel_loop3A_381 = arith.constant 1 : i32
        %parallel_loop3A_382 = arith.select %parallel_loop3A_380, %parallel_loop3A_381, %parallel_loop3A_378 : i32
        %parallel_loop3A_383 = arith.remsi %parallel_loop3A_219, %parallel_loop3A_382 : i32
        %parallel_loop3A_384 = arith.constant 0 : i32
        %parallel_loop3A_385 = arith.cmpi ne, %parallel_loop3A_383, %parallel_loop3A_384 : i32
        %parallel_loop3A_386 = arith.constant 0 : i32
        %parallel_loop3A_387 = arith.cmpi slt, %parallel_loop3A_383, %parallel_loop3A_386 : i32
        %parallel_loop3A_388 = arith.constant 0 : i32
        %parallel_loop3A_389 = arith.cmpi slt, %parallel_loop3A_382, %parallel_loop3A_388 : i32
        %parallel_loop3A_390 = arith.xori %parallel_loop3A_387, %parallel_loop3A_389 : i1
        %parallel_loop3A_391 = arith.andi %parallel_loop3A_390, %parallel_loop3A_385 : i1
        %parallel_loop3A_392 = arith.addi %parallel_loop3A_383, %parallel_loop3A_382 : i32
        %parallel_loop3A_393 = arith.select %parallel_loop3A_391, %parallel_loop3A_392, %parallel_loop3A_383 : i32
        %parallel_loop3A_394 = arith.constant 64 : i32
        %parallel_loop3A_395 = arith.muli %parallel_loop3A_394, %parallel_loop3A_393 : i32
        %parallel_loop3A_396 = arith.constant 32 : i32
        %parallel_loop3A_397 = arith.addi %parallel_loop3A_395, %parallel_loop3A_396 : i32
        %parallel_loop3A_398 = arith.index_cast %parallel_loop3A_377 : i32 to index
        %parallel_loop3A_399 = arith.index_cast %parallel_loop3A_397 : i32 to index
        %parallel_loop3A_400 = tpu.vector_load %arg16[%parallel_loop3A_398, %parallel_loop3A_399] {strides = array<i32>} : memref<100x128xf32, #tpu.memory_space<vmem>>, vector<16xf32>,
        tpu.vector_store %arg16[%parallel_loop3A_398, %parallel_loop3A_399], %parallel_loop3A_375 {strides = array<i32>} : memref<100x128xf32, #tpu.memory_space<vmem>>, vector<16xf32>,
        %parallel_loop3A_401 = vector.broadcast %parallel_loop3A_283 : f32 to vector<16xf32>
        %parallel_loop3A_402 = arith.subf %parallel_loop3A_263, %parallel_loop3A_401 : vector<16xf32>
        %parallel_loop3A_403 = vector.broadcast %parallel_loop3A_307 : f32 to vector<16xf32>
        %parallel_loop3A_404 = arith.mulf %parallel_loop3A_402, %parallel_loop3A_403 : vector<16xf32>
        %parallel_loop3A_405 = arith.mulf %parallel_loop3A_404, %get3A_9 : vector<16xf32>
        %parallel_loop3A_406 = arith.addf %parallel_loop3A_405, %get3A_17 : vector<16xf32>
        %parallel_loop3A_407 = arith.constant 1 : i32
        %parallel_loop3A_408 = arith.shrui %parallel_loop3A_219, %parallel_loop3A_407 : i32
        %parallel_loop3A_409 = arith.constant 2 : i32
        %parallel_loop3A_410 = arith.constant 0 : i32
        %parallel_loop3A_411 = arith.cmpi eq, %parallel_loop3A_409, %parallel_loop3A_410 : i32
        %parallel_loop3A_412 = arith.constant 1 : i32
        %parallel_loop3A_413 = arith.select %parallel_loop3A_411, %parallel_loop3A_412, %parallel_loop3A_409 : i32
        %parallel_loop3A_414 = arith.remsi %parallel_loop3A_219, %parallel_loop3A_413 : i32
        %parallel_loop3A_415 = arith.constant 0 : i32
        %parallel_loop3A_416 = arith.cmpi ne, %parallel_loop3A_414, %parallel_loop3A_415 : i32
        %parallel_loop3A_417 = arith.constant 0 : i32
        %parallel_loop3A_418 = arith.cmpi slt, %parallel_loop3A_414, %parallel_loop3A_417 : i32
        %parallel_loop3A_419 = arith.constant 0 : i32
        %parallel_loop3A_420 = arith.cmpi slt, %parallel_loop3A_413, %parallel_loop3A_419 : i32
        %parallel_loop3A_421 = arith.xori %parallel_loop3A_418, %parallel_loop3A_420 : i1
        %parallel_loop3A_422 = arith.andi %parallel_loop3A_421, %parallel_loop3A_416 : i1
        %parallel_loop3A_423 = arith.addi %parallel_loop3A_414, %parallel_loop3A_413 : i32
        %parallel_loop3A_424 = arith.select %parallel_loop3A_422, %parallel_loop3A_423, %parallel_loop3A_414 : i32
        %parallel_loop3A_425 = arith.constant 64 : i32
        %parallel_loop3A_426 = arith.muli %parallel_loop3A_425, %parallel_loop3A_424 : i32
        %parallel_loop3A_427 = arith.constant 48 : i32
        %parallel_loop3A_428 = arith.addi %parallel_loop3A_426, %parallel_loop3A_427 : i32
        %parallel_loop3A_429 = arith.index_cast %parallel_loop3A_408 : i32 to index
        %parallel_loop3A_430 = arith.index_cast %parallel_loop3A_428 : i32 to index
        %parallel_loop3A_431 = tpu.vector_load %arg16[%parallel_loop3A_429, %parallel_loop3A_430] {strides = array<i32>} : memref<100x128xf32, #tpu.memory_space<vmem>>, vector<16xf32>,
        tpu.vector_store %arg16[%parallel_loop3A_429, %parallel_loop3A_430], %parallel_loop3A_406 {strides = array<i32>} : memref<100x128xf32, #tpu.memory_space<vmem>>, vector<16xf32>,
      } {sc.loop_unroll_factor = 4 : i64, sc.parallel_access}
      %add3A_205 = arith.addi %mul3A_2, %add3A_164 : i32
      %mul3A_206 = arith.constant 100 : i32
      %mul3A_207 = arith.muli %add3A_205, %mul3A_206 : i32
      %dma_start3A_208 = arith.constant 0 : i32
      %dma_start3A_209 = tpu.memref_slice %arg7[%mul3A_207, %dma_start3A_208] : memref<409600x128xf32, #tpu.memory_space<hbm>> -> memref<100x128xf32, #tpu.memory_space<hbm>>
      %dma_start3A_210 = arith.constant 0 : i32
      %dma_start3A_211 = tpu.memref_slice %arg7[%mul3A_207, %dma_start3A_210] : memref<409600x128xf32, #tpu.memory_space<hbm>> -> memref<100x128xf32, #tpu.memory_space<hbm>>
      tpu.enqueue_dma source(%arg16 : memref<100x128xf32, #tpu.memory_space<vmem>>) target(%dma_start3A_211 : memref<100x128xf32, #tpu.memory_space<hbm>>) target_semaphore(%arg18 : memref<!tpu.dma_semaphore, #tpu.memory_space<semaphore_mem>>)
      %add3A_212 = arith.constant 2 : i32
      %add3A_213 = arith.addi %add3A_164, %add3A_212 : i32
      %lt3A_214 = arith.constant 128 : i32
      %lt3A_215 = arith.cmpi slt, %add3A_213, %lt3A_214 : i32
      %convert_element_type3A_216 = arith.extui %lt3A_215 : i1 to i32
      %cond3A_217 = arith.constant 0 : i32
      %cond3A_218 = arith.cmpi ne, %convert_element_type3A_216, %cond3A_217 : i32
      scf.if %cond3A_218 {
        %add3A_219 = arith.constant 2 : i32
        %add3A_220 = arith.addi %add3A_164, %add3A_219 : i32
        %parallel_loop3A_221 = arith.constant 0 : i32
        %parallel_loop3A_222 = arith.constant 13 : i32
        %parallel_loop3A_223 = arith.constant 1 : i32
        scf.for %parallel_loop3A_258 = %parallel_loop3A_221 to %parallel_loop3A_222 step %parallel_loop3A_223  : i32 {
          %parallel_loop3A_259 = arith.constant 16 : i32
          %parallel_loop3A_260 = arith.muli %parallel_loop3A_259, %parallel_loop3A_258 : i32
          %parallel_loop3A_261 = arith.constant 184 : i32
          %parallel_loop3A_262 = arith.minsi %parallel_loop3A_260, %parallel_loop3A_261 : i32
          %parallel_loop3A_263 = arith.index_cast %add3A_220 : i32 to index
          %parallel_loop3A_264 = arith.index_cast %parallel_loop3A_262 : i32 to index
          %parallel_loop3A_265 = tpu.vector_load %arg12[%parallel_loop3A_263, %parallel_loop3A_264] {strides = array<i32>} : memref<128x200xi32, #tpu.memory_space<vmem>>, vector<16xi32>,
          %parallel_loop3A_266 = tpu.iota {dimensions = array<i32: 0>} : vector<16xi32>
          %parallel_loop3A_267 = arith.constant 2 : i32
          %parallel_loop3A_268 = vector.broadcast %parallel_loop3A_267 : i32 to vector<16xi32>
          %parallel_loop3A_269 = arith.muli %parallel_loop3A_266, %parallel_loop3A_268 : vector<16xi32>
          %parallel_loop3A_270 = arith.constant 2 : i32
          %parallel_loop3A_271 = arith.muli %parallel_loop3A_270, %parallel_loop3A_262 : i32
          %parallel_loop3A_272 = vector.broadcast %parallel_loop3A_271 : i32 to vector<16xi32>
          %parallel_loop3A_273 = arith.addi %parallel_loop3A_269, %parallel_loop3A_272 : vector<16xi32>
          %parallel_loop3A_274 = arith.constant 2 : i32
          %parallel_loop3A_275 = vector.broadcast %parallel_loop3A_274 : i32 to vector<16xi32>
          %parallel_loop3A_276 = arith.muli %parallel_loop3A_265, %parallel_loop3A_275 : vector<16xi32>
          tpu.vector_store_idx %arg14[%parallel_loop3A_273], %parallel_loop3A_276 : memref<400xi32, #tpu.memory_space<vmem>>[vector<16xi32>], vector<16xi32>,
          %parallel_loop3A_277 = arith.constant 1 : i32
          %parallel_loop3A_278 = vector.broadcast %parallel_loop3A_277 : i32 to vector<16xi32>
          %parallel_loop3A_279 = arith.addi %parallel_loop3A_273, %parallel_loop3A_278 : vector<16xi32>
          %parallel_loop3A_280 = arith.constant 2 : i32
          %parallel_loop3A_281 = vector.broadcast %parallel_loop3A_280 : i32 to vector<16xi32>
          %parallel_loop3A_282 = arith.muli %parallel_loop3A_265, %parallel_loop3A_281 : vector<16xi32>
          %parallel_loop3A_283 = arith.constant 1 : i32
          %parallel_loop3A_284 = vector.broadcast %parallel_loop3A_283 : i32 to vector<16xi32>
          %parallel_loop3A_285 = arith.addi %parallel_loop3A_282, %parallel_loop3A_284 : vector<16xi32>
          tpu.vector_store_idx %arg14[%parallel_loop3A_279], %parallel_loop3A_285 : memref<400xi32, #tpu.memory_space<vmem>>[vector<16xi32>], vector<16xi32>,
        } {sc.loop_unroll_factor = 2 : i64, sc.parallel_access}
        %add3A_224 = arith.constant 2 : i32
        %add3A_225 = arith.addi %add3A_164, %add3A_224 : i32
        %dma_start3A_226 = arith.constant 0 : i32
        %dma_start3A_227 = arith.constant 0 : i32
        %dma_start3A_228 = tpu.memref_slice %arg21[%dma_start3A_226, %dma_start3A_227] : memref<400x32xf32, #tpu.memory_space<vmem>> -> memref<128x32xf32, #tpu.memory_space<vmem>>
        %dma_start3A_229 = arith.constant 0 : i32
        %dma_start3A_230 = tpu.memref_slice %arg14[%dma_start3A_229] : memref<400xi32, #tpu.memory_space<vmem>> -> memref<128xi32, #tpu.memory_space<vmem>>
        %dma_start3A_231 = arith.constant 0 : i32
        %dma_start3A_232 = arith.constant 0 : i32
        %dma_start3A_233 = tpu.memref_slice %arg3[%dma_start3A_231, %dma_start3A_232] : memref<2000000x32xf32, #tpu.memory_space<hbm>> -> memref<2000000x32xf32, #tpu.memory_space<hbm>>
        tpu.enqueue_indirect_dma source(%dma_start3A_233 : memref<2000000x32xf32, #tpu.memory_space<hbm>>) target(%dma_start3A_228 : memref<128x32xf32, #tpu.memory_space<vmem>>) offsets(%dma_start3A_230 : memref<128xi32, #tpu.memory_space<vmem>>) semaphore(%arg11 : memref<!tpu.dma_semaphore, #tpu.memory_space<semaphore_mem>>)
        %dma_start3A_234 = arith.constant 128 : i32
        %dma_start3A_235 = arith.constant 0 : i32
        %dma_start3A_236 = tpu.memref_slice %arg21[%dma_start3A_234, %dma_start3A_235] : memref<400x32xf32, #tpu.memory_space<vmem>> -> memref<128x32xf32, #tpu.memory_space<vmem>>
        %dma_start3A_237 = arith.constant 128 : i32
        %dma_start3A_238 = tpu.memref_slice %arg14[%dma_start3A_237] : memref<400xi32, #tpu.memory_space<vmem>> -> memref<128xi32, #tpu.memory_space<vmem>>
        %dma_start3A_239 = arith.constant 0 : i32
        %dma_start3A_240 = arith.constant 0 : i32
        %dma_start3A_241 = tpu.memref_slice %arg3[%dma_start3A_239, %dma_start3A_240] : memref<2000000x32xf32, #tpu.memory_space<hbm>> -> memref<2000000x32xf32, #tpu.memory_space<hbm>>
        tpu.enqueue_indirect_dma source(%dma_start3A_241 : memref<2000000x32xf32, #tpu.memory_space<hbm>>) target(%dma_start3A_236 : memref<128x32xf32, #tpu.memory_space<vmem>>) offsets(%dma_start3A_238 : memref<128xi32, #tpu.memory_space<vmem>>) semaphore(%arg11 : memref<!tpu.dma_semaphore, #tpu.memory_space<semaphore_mem>>)
        %dma_start3A_242 = arith.constant 256 : i32
        %dma_start3A_243 = arith.constant 0 : i32
        %dma_start3A_244 = tpu.memref_slice %arg21[%dma_start3A_242, %dma_start3A_243] : memref<400x32xf32, #tpu.memory_space<vmem>> -> memref<128x32xf32, #tpu.memory_space<vmem>>
        %dma_start3A_245 = arith.constant 256 : i32
        %dma_start3A_246 = tpu.memref_slice %arg14[%dma_start3A_245] : memref<400xi32, #tpu.memory_space<vmem>> -> memref<128xi32, #tpu.memory_space<vmem>>
        %dma_start3A_247 = arith.constant 0 : i32
        %dma_start3A_248 = arith.constant 0 : i32
        %dma_start3A_249 = tpu.memref_slice %arg3[%dma_start3A_247, %dma_start3A_248] : memref<2000000x32xf32, #tpu.memory_space<hbm>> -> memref<2000000x32xf32, #tpu.memory_space<hbm>>
        tpu.enqueue_indirect_dma source(%dma_start3A_249 : memref<2000000x32xf32, #tpu.memory_space<hbm>>) target(%dma_start3A_244 : memref<128x32xf32, #tpu.memory_space<vmem>>) offsets(%dma_start3A_246 : memref<128xi32, #tpu.memory_space<vmem>>) semaphore(%arg11 : memref<!tpu.dma_semaphore, #tpu.memory_space<semaphore_mem>>)
        %dma_start3A_250 = arith.constant 384 : i32
        %dma_start3A_251 = arith.constant 0 : i32
        %dma_start3A_252 = tpu.memref_slice %arg21[%dma_start3A_250, %dma_start3A_251] : memref<400x32xf32, #tpu.memory_space<vmem>> -> memref<16x32xf32, #tpu.memory_space<vmem>>
        %dma_start3A_253 = arith.constant 384 : i32
        %dma_start3A_254 = tpu.memref_slice %arg14[%dma_start3A_253] : memref<400xi32, #tpu.memory_space<vmem>> -> memref<16xi32, #tpu.memory_space<vmem>>
        %dma_start3A_255 = arith.constant 0 : i32
        %dma_start3A_256 = arith.constant 0 : i32
        %dma_start3A_257 = tpu.memref_slice %arg3[%dma_start3A_255, %dma_start3A_256] : memref<2000000x32xf32, #tpu.memory_space<hbm>> -> memref<2000000x32xf32, #tpu.memory_space<hbm>>
        tpu.enqueue_indirect_dma source(%dma_start3A_257 : memref<2000000x32xf32, #tpu.memory_space<hbm>>) target(%dma_start3A_252 : memref<16x32xf32, #tpu.memory_space<vmem>>) offsets(%dma_start3A_254 : memref<16xi32, #tpu.memory_space<vmem>>) semaphore(%arg11 : memref<!tpu.dma_semaphore, #tpu.memory_space<semaphore_mem>>)
      } else {
      }
    }
    %scan3A_90 = arith.constant 64 : i32
    %add3A_91 = arith.constant 126 : i32
    %add3A_92 = arith.addi %mul3A_2, %add3A_91 : i32
    %mul3A_93 = arith.constant 100 : i32
    %mul3A_94 = arith.muli %add3A_92, %mul3A_93 : i32
    %dma_wait3A = arith.constant 0 : i32
    %dma_wait3A_95 = tpu.memref_slice %arg7[%mul3A_94, %dma_wait3A] : memref<409600x128xf32, #tpu.memory_space<hbm>> -> memref<100x128xf32, #tpu.memory_space<hbm>>
    %dma_wait3A_96 = arith.constant 0 : i32
    %dma_wait3A_97 = tpu.memref_slice %arg7[%mul3A_94, %dma_wait3A_96] : memref<409600x128xf32, #tpu.memory_space<hbm>> -> memref<100x128xf32, #tpu.memory_space<hbm>>
    tpu.wait_dma2 semaphore(%arg17 : memref<!tpu.dma_semaphore, #tpu.memory_space<semaphore_mem>>) src(%arg15 : memref<100x128xf32, #tpu.memory_space<vmem>>) dst(%dma_wait3A_97 : memref<100x128xf32, #tpu.memory_space<hbm>>)
    %add3A_98 = arith.constant 127 : i32
    %add3A_99 = arith.addi %mul3A_2, %add3A_98 : i32
    %mul3A_100 = arith.constant 100 : i32
    %mul3A_101 = arith.muli %add3A_99, %mul3A_100 : i32
    %dma_wait3A_102 = arith.constant 0 : i32
    %dma_wait3A_103 = tpu.memref_slice %arg7[%mul3A_101, %dma_wait3A_102] : memref<409600x128xf32, #tpu.memory_space<hbm>> -> memref<100x128xf32, #tpu.memory_space<hbm>>
    %dma_wait3A_104 = arith.constant 0 : i32
    %dma_wait3A_105 = tpu.memref_slice %arg7[%mul3A_101, %dma_wait3A_104] : memref<409600x128xf32, #tpu.memory_space<hbm>> -> memref<100x128xf32, #tpu.memory_space<hbm>>
    tpu.wait_dma2 semaphore(%arg18 : memref<!tpu.dma_semaphore, #tpu.memory_space<semaphore_mem>>) src(%arg16 : memref<100x128xf32, #tpu.memory_space<vmem>>) dst(%dma_wait3A_105 : memref<100x128xf32, #tpu.memory_space<hbm>>)
    return
  }
}

</mosaic_0001>

<sc_bundles>
// kernel: kernel.3.cloned.1.call-start
scs
__scs_entry_jumppad:
0x0: {  	(pc) =	sbr.rel $0x88, $3  }
0x1: {  	(tag) =	ssettag $0x0;
	lr =	simm.s32 $0x1  }
0x2: {  	[smem:$0x3F9D] =	sst lr;
	_ =	strace $0xD0000000  }
0x3: {  	_ = 	snop  }
0x4: {  	_ = 	snop  }
0x5: {  	_ = 	snop  }
0x6: {  	_ = 	snop  }
0x7: {  	_ = 	snop  }
__scs_overlays_trampoline_lowered:
0x8: {  	[smem:$0x3FAC] =	sst s0  }
0x9: {  	[smem:$0x3FAD] =	sst s1  }
0xa: {  	[smem:$0x3FAE] =	sst s2  }
0xb: {  	[smem:$0x3FAF] =	sst s3  }
0xc: {  	[smem:$0x3FB0] =	sst s4  }
0xd: {  	[smem:$0x3FB1] =	sst s5  }
0xe: {  	[smem:$0x3FB2] =	sst s6  }
0xf: {  	[smem:$0x3FB3] =	sst s7  }
0x10: {  	[smem:$0x3FB4] =	sst s8  }
0x11: {  	[smem:$0x3FB5] =	sst s9;
	s0 =	simm.s32 @!p0 $0x0  }
0x12: {  	s1 =	sld [smem:$0x3F9B];
	s0 =	simm.s32 @p0 $0x1  }
0x13: {  	[smem:$0x3FB6] =	sst s0;
	s0 =	simm.s32 @!p1 $0x0  }
0x14: {  	s2 =	sld [smem:$0x3F9A];
	s0 =	simm.s32 @p1 $0x1  }
0x15: {  	[smem:$0x3FB7] =	sst s0;
	s0 =	simm.s32 @!p2 $0x0  }
0x16: {  	s3 =	sld [smem:$0x3FDB];
	s0 =	simm.s32 @p2 $0x1  }
0x17: {  	s4 =	simm.s32 $0x1BF5;
	[smem:$0x3FB9] =	sst s0  }
0x18: {  	s0 =	sld [smem:$0x3F9C];
	_ =	swait.ge [sflag:s4], $0x0  }
0x19: {  	s7 =	sld [smem:$0x3F9D]  }
0x1a: {  	s8 =	sadd.s32 $0xFFFFE003, lr  }
0x1b: {  	s9 =	sadd.s32 $0xFFFFFEF7, lr;
	s5 =	simm.s32 $0xFFFFFFFF;
	p2 =	slt.u32 s8, $0xFFFFF086  }
0x1c: {  	p1 =	slt.u32 s9, $0xF7A;
	s5 =	simm.s32 @!p2 $0x0  }
0x1d: {  	s5 =	simm.s32 @p1 $0x1;
	p0 =	seq.s32 s7, s2  }
0x1e: {  	s7 =	smul.u32 @!p0 $0xF7A, s2;
	p2 =	seq.s32 @!p0 s5, $0x0  }
0x1f: {  	s9 =	smul.u32 $0xF7A, s1;
	s8 =	simm.s32 @!p0 $0x1BF5;
	p2 =	por !p2, p0  }
0x20: {  	[sflag:s8] =	ssyncset.s32 @!p0 $0xFFFFF086;
	s6 =	sadd.s32 @!p0 s3, s7;
	s7 =	simm.s32 @!p0 $0x108  }
0x21: {  	s3 =	sadd.s32 s3, s9;
	s6 =	sadd.s32 @!p0 $0x88, s6;
	s7 =	simm.s32 @p2 $0x1082  }
0x22: {  	[simem:s7], [sflag:s8] =	dma.local @!p0 [hbm:s6], $0xF7A  }
0x23: {  	s9 =	sor.u32 $0xD0000000, s2;
	s6 =	simm.s32 $0x108;
	_ =	swait.ge @!p0 [sflag:s8], $0x0  }
0x24: {  	s3 =	sadd.s32 $0x88, s3;
	s6 =	simm.s32 @!p1 $0x1082;
	[sflag:s4] =	ssyncset.s32 $0xFFFFF086  }
0x25: {  	[simem:s6], [sflag:s4] =	dma.local [hbm:s3], $0xF7A  }
0x26: {  	[smem:$0x3F9D] =	sst s1;
	(tag) =	ssettag s2;
	_ =	strace s9  }
0x27: {  	s1 =	sld [smem:$0x3FAD]  }
0x28: {  	s2 =	sld [smem:$0x3FAE]  }
0x29: {  	s4 =	sld [smem:$0x3FB0]  }
0x2a: {  	p0 =	seq.s32 s5, $0x0;
	s5 =	sld [smem:$0x3FB1]  }
0x2b: {  	s6 =	sld [smem:$0x3FB2]  }
0x2c: {  	s7 =	sld [smem:$0x3FB3]  }
0x2d: {  	s3 =	simm.s32 $0x108;
	s8 =	sld [smem:$0x3FB4]  }
0x2e: {  	s3 =	simm.s32 @!p0 $0x1082;
	s9 =	sld [smem:$0x3FB5]  }
0x2f: {  	lr =	sadd.s32 s0, s3;
	s0 =	sld [smem:$0x3FAC]  }
0x30: {  	s3 =	sld [smem:$0x3FAF]  }
0x31: {  	[smem:$0x3FB8] =	sst s10  }
0x32: {  	s10 =	sld [smem:$0x3FB6];
	_ =	sdelay $0x3  }
0x33: {  	p0 =	seq.s32 s10, $0x1;
	s10 =	sld [smem:$0x3FB8];
	_ =	sdelay $0x3  }
0x34: {  	[smem:$0x3FB8] =	sst s10  }
0x35: {  	s10 =	sld [smem:$0x3FB7];
	_ =	sdelay $0x3  }
0x36: {  	p1 =	seq.s32 s10, $0x1;
	s10 =	sld [smem:$0x3FB8];
	_ =	sdelay $0x3  }
0x37: {  	[smem:$0x3FB8] =	sst s10  }
0x38: {  	s10 =	sld [smem:$0x3FB9]  }
0x39: {  	_ = 	snop;
	(pc) =	sbr.ind lr, $3  }
0x3a: {  	_ = 	snop  }
0x3b: {  	_ = 	snop  }
0x3c: {  	p2 =	seq.s32 s10, $0x1;
	s10 =	sld [smem:$0x3FB8]  }
0x3d: {  	_ =	shalt  }
0x3e: {  	_ =	shalt  }
0x3f: {  	_ =	shalt  }
0x40: {  	_ =	shalt  }
0x41: {  	_ =	shalt  }
0x42: {  	_ =	shalt  }
0x43: {  	_ =	shalt  }
0x44: {  	_ =	shalt  }
0x45: {  	_ =	shalt  }
0x46: {  	_ =	shalt  }
0x47: {  	_ =	shalt  }
0x48: {  	_ =	shalt  }
0x49: {  	_ =	shalt  }
0x4a: {  	_ =	shalt  }
0x4b: {  	_ =	shalt  }
0x4c: {  	_ =	shalt  }
0x4d: {  	_ =	shalt  }
0x4e: {  	_ =	shalt  }
0x4f: {  	_ =	shalt  }
0x50: {  	_ =	shalt  }
0x51: {  	_ =	shalt  }
0x52: {  	_ =	shalt  }
0x53: {  	_ =	shalt  }
0x54: {  	_ =	shalt  }
0x55: {  	_ =	shalt  }
0x56: {  	_ =	shalt  }
0x57: {  	_ =	shalt  }
0x58: {  	_ =	shalt  }
0x59: {  	_ =	shalt  }
0x5a: {  	_ =	shalt  }
0x5b: {  	_ =	shalt  }
0x5c: {  	_ =	shalt  }
0x5d: {  	_ =	shalt  }
0x5e: {  	_ =	shalt  }
0x5f: {  	_ =	shalt  }
0x60: {  	_ =	shalt  }
0x61: {  	_ =	shalt  }
0x62: {  	_ =	shalt  }
0x63: {  	_ =	shalt  }
0x64: {  	_ =	shalt  }
0x65: {  	_ =	shalt  }
0x66: {  	_ =	shalt  }
0x67: {  	_ =	shalt  }
0x68: {  	_ =	shalt  }
0x69: {  	_ =	shalt  }
0x6a: {  	_ =	shalt  }
0x6b: {  	_ =	shalt  }
0x6c: {  	_ =	shalt  }
0x6d: {  	_ =	shalt  }
0x6e: {  	_ =	shalt  }
0x6f: {  	_ =	shalt  }
0x70: {  	_ =	shalt  }
0x71: {  	_ =	shalt  }
0x72: {  	_ =	shalt  }
0x73: {  	_ =	shalt  }
0x74: {  	_ =	shalt  }
0x75: {  	_ =	shalt  }
0x76: {  	_ =	shalt  }
0x77: {  	_ =	shalt  }
0x78: {  	_ =	shalt  }
0x79: {  	_ =	shalt  }
0x7a: {  	_ =	shalt  }
0x7b: {  	_ =	shalt  }
0x7c: {  	_ =	shalt  }
0x7d: {  	_ =	shalt  }
0x7e: {  	_ =	shalt  }
0x7f: {  	_ =	shalt  }
0x80: {  	_ =	shalt  }
0x81: {  	_ =	shalt  }
0x82: {  	_ =	shalt  }
0x83: {  	_ =	shalt  }
0x84: {  	_ =	shalt  }
0x85: {  	_ =	shalt  }
0x86: {  	_ =	shalt  }
0x87: {  	_ =	shalt  }
.Lfunc_end0:
.L_simem_size_0:
called_computation.1_lowered:
.L_overlay_start_0:
0x88: {  	s2 =	sld [smem:$0x3FD9]  }
0x89: {  	s3 =	sld [smem:$0x3FFE];
	_ =	sdelay $0x1  }
0x8a: {  	s1 =	srdreg.scid  }
0x8b: {  	s0 =	sand.u32 $0x1, s1  }
0x8c: {  	s17 =	sshll.u32 s0, $0xA;
	s2 =	sadd.s32 s3, s2  }
0x8d: {  	s2 =	sadd.s32 s2, s17  }
0x8e: {  	[smem:$0x3FC4] =	sst s2  }
0x8f: {  	_ = 	snop  }
0x90: {  	s2 =	sld [smem:$0x3FC7]  }
0x91: {  	s18 =	sld [smem:$0x3FC6]  }
0x92: {  	s4 =	sld [smem:$0x3FD0];
	(tm) =	ssettm $0x1  }
0x93: {  	s5 =	sld [smem:$0x3FFB];
	_ =	sdelay $0x3  }
0x94: {  	_ =	strace s5  }
0x95: {  	s5 =	sld [smem:$0x3FFC];
	_ =	sdelay $0x3  }
0x96: {  	_ =	strace s5  }
0x97: {  	s5 =	sld [smem:$0x3FFD];
	_ =	sdelay $0x3  }
0x98: {  	_ =	strace s5  }
0x99: {  	_ =	strace $0x8FFFFFFF  }
0x9a: {  	s19 =	sld [smem:$0x3FDB];
	_ =	sdelay $0x1  }
0x9b: {  	s6 =	simm.s32 $_scs_section_size  }
0x9c: {  	s7 =	simm.s32 $_size__tile_overlayer_lowered;
	s8 =	simm.s32 $_tile_overlayer_lowered  }
0x9d: {  	s22 =	simm.s32 $0x1BFF;
	s21 =	sshll.u32 s8, $0x1;
	s5 =	sadd.s32 s6, s19  }
0x9e: {  	s9 =	simm.s32 $0x0;
	s20 =	sshll.u32 s7, $0x1;
	s7 =	sadd.s32 s21, s5  }
0x9f: {  	[timem:s9], [sflag:s22] =	dma.local [hbm:s7], s20  }
0xa0: {  	_ =	swait.ge [sflag:s22], s20  }
0xa1: {  	s6 =	ssub.s32 $0x0, s20;
	[sflag:s22] =	ssyncset.done $0x0  }
0xa2: {  	[sflag:s22] =	ssyncadd.s32 s6;
	_ =	sdelay $0x1  }
0xa3: {  	s23 =	simm.s32 $0x1B8B  }
0xa4: {  	_ =	swait.ge [sflag:s23], $0x1  }
0xa5: {  	[sflag:s23] =	ssyncset.done $0x0  }
0xa6: {  	s25 =	simm.s32 $0x1B8E;
	s24 =	sld [smem:$0x3FFE];
	[sflag:s23] =	ssyncadd.s32 $0xFFFFFFFF  }
0xa7: {  	s26 =	simm.s32 $execute0_lowered;
	[smem:$0x3FD2] =	sst s25  }
0xa8: {  	s7 =	sshll.u32 s26, $0x1;
	_ =	strace $0x80000046;
	[dreg:$0x1] =	wrdreg $0xFFFFFFFF  }
0xa9: {  	s28 =	simm.s32 $_size_execute0_lowered;
	s5 =	sadd.s32 s5, s7;
	[dreg:$0x0] =	wrdreg $0x0  }
0xaa: {  	s7 =	sshll.u32 s28, $0x1;
	[dreg:$0x2] =	wrdreg s5  }
0xab: {  	[dreg:$0x3] =	wrdreg s7  }
0xac: {  	[dreg:$0x4] =	wrdreg $0xC0  }
0xad: {  	_ =	task [dreg:s9], $0x5FFFF  }
0xae: {  	[dreg:$0x1] =	wrdreg $0xFFFFFFFF  }
0xaf: {  	[dreg:$0x0] =	wrdreg $0x60  }
0xb0: {  	[dreg:$0x2] =	wrdreg s24  }
0xb1: {  	[dreg:$0x3] =	wrdreg s2  }
0xb2: {  	[dreg:$0x4] =	wrdreg s18  }
0xb3: {  	[dreg:$0x5] =	wrdreg s4  }
0xb4: {  	[dreg:$0x6] =	wrdreg $0x9  }
0xb5: {  	_ =	task.clear_ibuf [dreg:s9], $0x7FFFF;
	_ =	strace $0x90000046  }
0xb6: {  	s29 =	simm.s32 $0x9;
	_ =	strace $0x80000048  }
0xb7: {  	_ =	swait.ge [sflag:s29], $0x1  }
0xb8: {  	[sflag:s29] =	ssyncadd.s32 $0xFFFFFFFF  }
0xb9: {  	_ =	strace $0x90000048  }
0xba: {  	_ =	sfence  }
0xbb: {  	s30 =	sld [smem:$0x0];
	_ =	sdelay $0x2  }
0xbc: {  	s31 =	sshll.u32 s1, $0xD;
	s1 =	sshrl.u32 s1, $0x2  }
0xbd: {  	s3 =	sand.u32 $0x4000, s31;
	s1 =	sadd.s32 s1, s30  }
0xbe: {  	s0 =	sor.u32 s3, s0;
	s1 =	sshll.u32 s1, $0x11  }
0xbf: {  	s0 =	sor.u32 s1, s0  }
0xc0: {  	s0 =	sadd.s32 $0x8F2B, s0  }
0xc1: {  	[sflag:s0] =	ssyncadd.remote.s32 $0x1  }
0xc2: {  	_ =	sfence.sel $0xFFFF  }
0xc3: {  	[dreg:$0x0] =	wrdreg $0xFFFFFFFF;
	(pc) =	sbr.abs _section_cstart, $3  }
0xc4: {  	[dreg:$0x1] =	wrdreg $0xFFFFFFFF  }
0xc5: {  	_ =	task.clear_ibuf [dreg:s9], $0x2FFFF;
	_ =	strace $0x9FFFFFFF  }
0xc6: {  	(tm) =	ssettm $0x7FFFFFFF  }
0xc7: {  	_ =	shalt  }
tec
execute0_lowered:
.L_overlay_start_1:
0x0: {  	(tag) =	ssettag $0x1  }
0x1: {  	s0 =	rddreg [dreg:$0x0];
	s1 =	srdreg.scid  }
0x2: {  	s2 =	stileid.u32;
	s4 =	rddreg [dreg:$0x3]  }
0x3: {  	s6 =	simm.s32 $0x0;
	s11 =	simm.s32 $0x80;
	s1 =	sand.u32 $0x1, s1  }
0x4: {  	s15 =	simm.s32 $0x6480;
	s2 =	sshll.u32 s2, $0x8;
	s3 =	sshll.u32 s1, $0x7  }
0x5: {  	s21 =	simm.s32 $0x10;
	s24 =	simm.s32 $0x6610;
	v0 =	vlaneseq.u32;
	s5 =	sor.u32 s3, s2  }
0x6: {  	[smem:$0x7FF] =	sst s6;
	s7 =	sadd.s32 $0xF43000, s0;
	v6 =	vmul.u32 $0x2, v0;
	s2 =	smul.u32 $0x19, s5  }
.Ltmp0:
0x7: {  	s1 =	ssub.s32 $0x2, s1;
	_ =	strace $0x80000047;
	(pc) =	sbr.rel .LBB2_1-.Ltmp0, $4  }
0x8: {  	s29 =	sshrl.u32 s1, $0x1;
	v1 =	vadd.s32 $0x170, v6;
	[tilespmem:$0x1FFE0] =	vst v6;
	s2 =	sadd.s32 s2, s0;
	s0 =	sadd.s32 $0x19C00, s0  }
0x9: {  	v0 =	vor.u32 $0x1, v6;
	s30 =	ssub.s32 s1, s29;
	[tilespmem:$0x1FFC0] =	vst v1;
	[dreg:$0x5] =	wrdreg s0;
	s31 =	sadd.s32 $0xC00, s2  }
0xa: {  	s8 =	simm.s32 $0x0;
	v1 =	vadd.s32 $0x171, v6;
	[tilespmem:$0x1FFF0] =	vst v0;
	s0 =	smax.u32 s30, $0x1;
	[dreg:$0x6] =	wrdreg s31  }
0xb: {  	s3 =	simm.s32 $0x2;
	[tilespmem:$0x1FFD0] =	vst v1;
	[dreg:$0x7] =	wrdreg s0;
	s0 =	simm.s32 $0x1  }
.LBB2_18:
0xc: {  	s1 =	simm.s32 $0x3  }
0xd: {  	_ =	swait.ge [sflag:s1], $0x3200  }
0xe: {  	[sflag:s1] =	ssyncset.done $0x0  }
0xf: {  	s2 =	simm.s32 $0x4;
	[sflag:s1] =	ssyncadd.s32 $0xFFFFCE00  }
0x10: {  	_ =	swait.ge [sflag:s2], $0x3200  }
0x11: {  	s8 =	rddreg [dreg:$0x8]  }
0x12: {  	s31 =	rddreg [dreg:$0x7];
	s8 =	sadd.s32 $0x1, s8  }
0x13: {  	p0 =	sne.s32 s8, s31  }
.Ltmp1:
0x14: {  	_ = 	snop;
	(pc) =	sbr.rel @!p0 .LBB2_19-.Ltmp1, $4  }
0x15: {  	v6 =	vld [tilespmem:$0x1FFE0]  }
0x16: {  	v0 =	vld [tilespmem:$0x1FFF0]  }
0x17: {  	[sflag:s2] =	ssyncset.done $0x0  }
0x18: {  	[sflag:s2] =	ssyncadd.s32 $0xFFFFCE00  }
.LBB2_1:
0x19: {  	[dreg:$0x8] =	wrdreg s8  }
0x1a: {  	s1 =	rddreg [dreg:$0x6];
	s2 =	simm.s32 $0x5  }
0x1b: {  	[tilespmem:s11], [sflag:$0x5] =	stream.linear.gather [hbm4b:s1+s6], $0x6400, $0x38;
	[tilespmem:$0x161A0] =	vst v63  }
0x1c: {  	_ =	swait.ge [sflag:s2], $0x6400  }
0x1d: {  	[sflag:s2] =	ssyncset.done $0x0  }
0x1e: {  	s26 =	simm.s32 $0xCBA0;
	s25 =	rddreg [dreg:$0x5];
	[sflag:s2] =	ssyncadd.s32 $0xFFFF9C00  }
0x1f: {  	[tilespmem:s26], [sflag:$0x5] =	stream.linear.gather [hbm4b:s25+s6], $0x3200, $0x38;
	[tilespmem:$0x161A0] =	vst v63  }
0x20: {  	_ =	swait.ge [sflag:s2], $0x3200  }
0x21: {  	[sflag:s2] =	ssyncset.done $0x0  }
0x22: {  	[sflag:s2] =	ssyncadd.s32 $0xFFFFCE00  }
0x23: {  	s29 =	simm.s32 $0x40;
	s28 =	rddreg [dreg:$0x1]  }
0x24: {  	[tilespmem:s29], [sflag:$0x5] =	stream.linear.gather [hbm4b:s28+s6], $0x40, $0x38;
	[tilespmem:$0x161A0] =	vst v63  }
0x25: {  	_ =	swait.ge [sflag:s2], $0x40  }
0x26: {  	[sflag:s2] =	ssyncset.done $0x0  }
0x27: {  	[sflag:s2] =	ssyncadd.s32 $0xFFFFFFC0  }
0x28: {  	s30 =	rddreg [dreg:$0x2]  }
0x29: {  	[tilespmem:s6], [sflag:$0x5] =	stream.linear.gather [hbm4b:s30+s6], $0x40, $0x38;
	[tilespmem:$0x161A0] =	vst v63  }
0x2a: {  	_ =	swait.ge [sflag:s2], $0x40  }
0x2b: {  	[sflag:s2] =	ssyncset.done $0x0  }
0x2c: {  	[sflag:s2] =	ssyncadd.s32 $0xFFFFFFC0  }
0x2d: {  	v1 =	vld [tilespmem:$0x40]  }
0x2e: {  	v2 =	vld [tilespmem:$0x50]  }
0x2f: {  	s31 =	simm.s32 $0x90;
	v3 =	vld [tilespmem:$0x60]  }
0x30: {  	v15 =	vld [tilespmem:s31+$0xFFFFFFF0]  }
0x31: {  	v5 =	vld [tilespmem:$0x0]  }
0x32: {  	s9 =	simm.s32 $0x0;
	v16 =	vld [tilespmem:s31+$0x0]  }
0x33: {  	v18 =	vor.u32 s9, v6;
	v4 =	vld [tilespmem:$0x70]  }
0x34: {  	v9 =	vld [tilespmem:$0x10]  }
0x35: {  	s12 =	simm.s32 $0x20;
	v14 =	vor.u32 s9, v0;
	v10 =	vld [tilespmem:$0x20]  }
0x36: {  	s8 =	simm.s32 $0xB0;
	v13 =	vor.u32 s12, v6;
	v11 =	vld [tilespmem:$0x30];
	[tilespmem:$0x1FFB0] =	vst v5  }
0x37: {  	v19 =	vshll.u32 v15, $0x1;
	v17 =	vshll.u32 v16, $0x1;
	v15 =	vor.u32 s12, v0;
	v12 =	vld [tilespmem:s8+$0xFFFFFFF0]  }
0x38: {  	s10 =	simm.s32 $0x2;
	s9 =	simm.s32 $0x60;
	s12 =	simm.s32 $0x40;
	v16 =	vld [tilespmem:s8+$0x0];
	[tilespmem:v18+s15+$0x0] =	vst.idx.msk $0xffff, v19;
	v19 =	vor.u32 $0x1, v19;
	v18 =	vor.u32 $0x1, v17  }
.LBB2_2:
0x39: {  	s10 =	sadd.s32 $0x2, s10  }
0x3a: {  	v20 =	vor.u32 s12, v6;
	[tilespmem:v14+s15+$0x0] =	vst.idx.msk $0xffff, v19;
	p0 =	slt.u32 s10, $0xA  }
.Ltmp2:
0x3b: {  	v14 =	vor.u32 s12, v0;
	v19 =	vor.u32 s9, v0;
	[tilespmem:v13+s15+$0x0] =	vst.idx.msk $0xffff, v17;
	v13 =	vor.u32 s9, v6;
	(pc) =	sbr.rel @p0 .LBB2_2-.Ltmp2, $4  }
0x3c: {  	[tilespmem:v15+s15+$0x0] =	vst.idx.msk $0xffff, v18;
	v15 =	vmov v19  }
0x3d: {  	s8 =	sadd.s32 $0x20, s8  }
0x3e: {  	s9 =	sadd.s32 $0x40, s9;
	v18 =	vshll.u32 v12, $0x1;
	v12 =	vld [tilespmem:s8+$0xFFFFFFF0];
	v17 =	vshll.u32 v16, $0x1  }
0x3f: {  	s12 =	sadd.s32 $0xFFFFFFE0, s9;
	v19 =	vor.u32 $0x1, v18;
	v16 =	vld [tilespmem:s8+$0x0];
	[tilespmem:v20+s15+$0x0] =	vst.idx.msk $0xffff, v18;
	v18 =	vor.u32 $0x1, v17  }
0x40: {  	[tilespmem:$0x1FF70] =	vst v4  }
0x41: {  	[tilespmem:$0x1FF80] =	vst v3  }
0x42: {  	[tilespmem:$0x1FF90] =	vst v2;
	v20 =	vor.u32 s12, v6  }
0x43: {  	[tilespmem:$0x1FFA0] =	vst v1;
	v21 =	vor.u32 s12, v0  }
0x44: {  	[tilespmem:v14+s15+$0x0] =	vst.idx.msk $0xffff, v19;
	v14 =	vor.u32 s9, v6  }
0x45: {  	v19 =	vor.u32 s9, v0;
	[tilespmem:v13+s15+$0x0] =	vst.idx.msk $0xffff, v17  }
0x46: {  	[tilespmem:v15+s15+$0x0] =	vst.idx.msk $0xffff, v18;
	v12 =	vshll.u32 v12, $0x1  }
0x47: {  	[tilespmem:v20+s15+$0x0] =	vst.idx.msk $0xffff, v12;
	v12 =	vor.u32 $0x1, v12  }
0x48: {  	v13 =	vshll.u32 v16, $0x1;
	[tilespmem:v21+s15+$0x0] =	vst.idx.msk $0xffff, v12  }
0x49: {  	v12 =	vor.u32 $0x1, v13;
	[tilespmem:v14+s15+$0x0] =	vst.idx.msk $0xffff, v13  }
0x4a: {  	[tilespmem:v19+s15+$0x0] =	vst.idx.msk $0xffff, v12  }
0x4b: {  	v1 =	vld [tilespmem:$0x1FFC0];
	_ =	sdelay $0x1  }
0x4c: {  	v12 =	vld [tilespmem:$0x138];
	_ =	sdelay $0x4  }
0x4d: {  	v12 =	vshll.u32 v12, $0x1  }
0x4e: {  	[tilespmem:v1+s15+$0x0] =	vst.idx.msk $0xffff, v12;
	v1 =	vld [tilespmem:$0x1FFD0];
	_ =	sdelay $0x6  }
0x4f: {  	v12 =	vor.u32 $0x1, v12  }
0x50: {  	s1 =	simm.s32 $0xFDA0;
	[tilespmem:v1+s15+$0x0] =	vst.idx.msk $0xffff, v12  }
0x51: {  	[tilespmem:s1], [sflag:$0x1] =	stream.indirect.gather [hbm4b:s7+s11], $0x20, s15, s11, $0xb8;
	[tilespmem:$0x161A0] =	vst v63  }
0x52: {  	s23 =	simm.s32 $0x6500;
	s2 =	simm.s32 $0x10DA0  }
0x53: {  	[tilespmem:s2], [sflag:$0x1] =	stream.indirect.gather [hbm4b:s7+s11], $0x20, s23, s11, $0xb8;
	[tilespmem:$0x161A0] =	vst v63  }
0x54: {  	s25 =	simm.s32 $0x6580;
	s26 =	simm.s32 $0x11DA0  }
0x55: {  	[tilespmem:s26], [sflag:$0x1] =	stream.indirect.gather [hbm4b:s7+s11], $0x20, s25, s11, $0xb8;
	[tilespmem:$0x161A0] =	vst v63  }
0x56: {  	s28 =	simm.s32 $0x6600;
	s29 =	simm.s32 $0x12DA0;
	s8 =	simm.s32 $0x158  }
0x57: {  	[tilespmem:s29], [sflag:$0x1] =	stream.indirect.gather [hbm4b:s7+s21], $0x20, s28, s21, $0xb8;
	[tilespmem:$0x161A0] =	vst v63  }
0x58: {  	v15 =	vld [tilespmem:s8+$0xFFFFFFF0]  }
0x59: {  	s30 =	simm.s32 $0x0;
	v16 =	vld [tilespmem:s8+$0x0]  }
0x5a: {  	v18 =	vor.u32 s30, v6;
	_ =	sdelay $0x1  }
0x5b: {  	s31 =	simm.s32 $0x20;
	v14 =	vor.u32 s30, v0  }
0x5c: {  	v13 =	vor.u32 s31, v6;
	s8 =	simm.s32 $0x178  }
0x5d: {  	v12 =	vld [tilespmem:s8+$0xFFFFFFF0];
	v19 =	vshll.u32 v15, $0x1;
	v17 =	vshll.u32 v16, $0x1;
	v15 =	vor.u32 s31, v0  }
0x5e: {  	s10 =	simm.s32 $0x2;
	s12 =	simm.s32 $0x40;
	s9 =	simm.s32 $0x60;
	v16 =	vld [tilespmem:s8+$0x0];
	[tilespmem:v18+s24+$0x0] =	vst.idx.msk $0xffff, v19;
	v19 =	vor.u32 $0x1, v19;
	v18 =	vor.u32 $0x1, v17  }
.LBB2_4:
0x5f: {  	s10 =	sadd.s32 $0x2, s10  }
0x60: {  	v20 =	vor.u32 s12, v6;
	[tilespmem:v14+s24+$0x0] =	vst.idx.msk $0xffff, v19;
	p0 =	slt.u32 s10, $0xA  }
.Ltmp3:
0x61: {  	v14 =	vor.u32 s12, v0;
	v19 =	vor.u32 s9, v0;
	[tilespmem:v13+s24+$0x0] =	vst.idx.msk $0xffff, v17;
	v13 =	vor.u32 s9, v6;
	(pc) =	sbr.rel @p0 .LBB2_4-.Ltmp3, $4  }
0x62: {  	[tilespmem:v15+s24+$0x0] =	vst.idx.msk $0xffff, v18;
	v15 =	vmov v19  }
0x63: {  	s8 =	sadd.s32 $0x20, s8  }
0x64: {  	s9 =	sadd.s32 $0x40, s9;
	v18 =	vshll.u32 v12, $0x1;
	v12 =	vld [tilespmem:s8+$0xFFFFFFF0];
	v17 =	vshll.u32 v16, $0x1  }
0x65: {  	s12 =	sadd.s32 $0xFFFFFFE0, s9;
	v19 =	vor.u32 $0x1, v18;
	v16 =	vld [tilespmem:s8+$0x0];
	[tilespmem:v20+s24+$0x0] =	vst.idx.msk $0xffff, v18;
	v18 =	vor.u32 $0x1, v17  }
0x66: {  	_ =	sdelay $0x1  }
0x67: {  	v20 =	vor.u32 s12, v6  }
0x68: {  	v58 =	vor.u32 s9, v6  }
0x69: {  	v21 =	vor.u32 s12, v0;
	[tilespmem:v14+s24+$0x0] =	vst.idx.msk $0xffff, v19  }
0x6a: {  	v59 =	vor.u32 s9, v0;
	[tilespmem:v13+s24+$0x0] =	vst.idx.msk $0xffff, v17  }
0x6b: {  	[tilespmem:v15+s24+$0x0] =	vst.idx.msk $0xffff, v18;
	v12 =	vshll.u32 v12, $0x1  }
0x6c: {  	v60 =	vshll.u32 v16, $0x1;
	[tilespmem:v20+s24+$0x0] =	vst.idx.msk $0xffff, v12  }
0x6d: {  	v12 =	vor.u32 $0x1, v12;
	[tilespmem:v58+s24+$0x0] =	vst.idx.msk $0xffff, v60  }
0x6e: {  	v61 =	vor.u32 $0x1, v60;
	[tilespmem:v21+s24+$0x0] =	vst.idx.msk $0xffff, v12  }
0x6f: {  	[tilespmem:v59+s24+$0x0] =	vst.idx.msk $0xffff, v61  }
0x70: {  	v62 =	vld [tilespmem:$0x1FFC0]  }
0x71: {  	v63 =	vld [tilespmem:$0x1FFD0]  }
0x72: {  	v12 =	vld [tilespmem:$0x200];
	_ =	sdelay $0x4  }
0x73: {  	v12 =	vshll.u32 v12, $0x1  }
0x74: {  	[tilespmem:v62+s24+$0x0] =	vst.idx.msk $0xffff, v12;
	v12 =	vor.u32 $0x1, v12  }
0x75: {  	s1 =	simm.s32 $0x12FA0;
	[tilespmem:v63+s24+$0x0] =	vst.idx.msk $0xffff, v12  }
0x76: {  	[tilespmem:s1], [sflag:$0x2] =	stream.indirect.gather [hbm4b:s7+s11], $0x20, s24, s11, $0xb8;
	[tilespmem:$0x161A0] =	vst v63  }
0x77: {  	s26 =	simm.s32 $0x6690;
	s2 =	simm.s32 $0x13FA0;
	s28 =	simm.s32 $0x6710  }
0x78: {  	[tilespmem:s2], [sflag:$0x2] =	stream.indirect.gather [hbm4b:s7+s11], $0x20, s26, s11, $0xb8;
	[tilespmem:$0x161A0] =	vst v63  }
0x79: {  	s29 =	simm.s32 $0x14FA0;
	s30 =	simm.s32 $0x6790;
	s31 =	simm.s32 $0x15FA0  }
0x7a: {  	[tilespmem:s29], [sflag:$0x2] =	stream.indirect.gather [hbm4b:s7+s11], $0x20, s28, s11, $0xb8;
	[tilespmem:$0x161A0] =	vst v63  }
0x7b: {  	s10 =	simm.s32 $0x0;
	s14 =	simm.s32 $0x220;
	s8 =	simm.s32 $0x2E8  }
0x7c: {  	[tilespmem:s31], [sflag:$0x2] =	stream.indirect.gather [hbm4b:s7+s21], $0x20, s30, s21, $0xb8;
	[tilespmem:$0x161A0] =	vst v63  }
.LBB2_6:
0x7d: {  	_ =	swait.ge [sflag:s0], $0x1000  }
0x7e: {  	[sflag:s0] =	ssyncset.done $0x0  }
0x7f: {  	[sflag:s0] =	ssyncadd.s32 $0xFFFFF000  }
0x80: {  	_ =	swait.ge [sflag:s0], $0x1000  }
0x81: {  	[sflag:s0] =	ssyncset.done $0x0  }
0x82: {  	[sflag:s0] =	ssyncadd.s32 $0xFFFFF000  }
0x83: {  	_ =	swait.ge [sflag:s0], $0x1000  }
0x84: {  	[sflag:s0] =	ssyncset.done $0x0  }
0x85: {  	[sflag:s0] =	ssyncadd.s32 $0xFFFFF000  }
0x86: {  	_ =	swait.ge [sflag:s0], $0x200  }
0x87: {  	p0 =	seq.s32 s10, $0x0;
	[sflag:s0] =	ssyncset.done $0x0  }
0x88: {  	s9 =	simm.s32 @!p0 $0x3;
	[sflag:s0] =	ssyncadd.s32 $0xFFFFFE00  }
0x89: {  	_ =	swait.ge @!p0 [sflag:s9], $0x3200  }
0x8a: {  	[sflag:s9] =	ssyncset.done @!p0 $0x0  }
0x8b: {  	s2 =	simm.s32 $0xFE20;
	[sflag:s9] =	ssyncadd.s32 @!p0 $0xFFFFCE00  }
0x8c: {  	s12 =	simm.s32 $0xCC20;
	v12 =	vld [tilespmem:s2+$0x40]  }
0x8d: {  	v13 =	vld [tilespmem:s12+$0x40]  }
0x8e: {  	v14 =	vld [tilespmem:s2+$0x50]  }
0x8f: {  	v15 =	vld [tilespmem:s12+$0x50]  }
0x90: {  	v16 =	vld [tilespmem:s2+$0x60]  }
0x91: {  	v17 =	vld [tilespmem:s12+$0x60]  }
0x92: {  	v18 =	vld [tilespmem:s2+$0x70]  }
0x93: {  	v19 =	vld [tilespmem:s12+$0x70]  }
0x94: {  	v22 =	vld [tilespmem:s12+$0xFFFFFF80]  }
0x95: {  	v20 =	vld [tilespmem:s2+$0xFFFFFF90]  }
0x96: {  	v21 =	vld [tilespmem:s12+$0xFFFFFF90]  }
0x97: {  	v23 =	vld [tilespmem:s2+$0xFFFFFFA0]  }
0x98: {  	v24 =	vld [tilespmem:s12+$0xFFFFFFA0]  }
0x99: {  	v25 =	vld [tilespmem:s2+$0xFFFFFFC0];
	v12 =	vadd.f32 v13, v12  }
0x9a: {  	v28 =	vld [tilespmem:s12+$0xFFFFFFC0];
	v13 =	vadd.f32 v15, v14;
	v16 =	vadd.f32 v17, v16  }
0x9b: {  	v31 =	vld [tilespmem:s2+$0xFFFFFFD0];
	v19 =	vadd.f32 v19, v18;
	v15 =	vmul.f32 v12, v12  }
0x9c: {  	v33 =	vld [tilespmem:s12+$0xFFFFFFF0];
	v18 =	vmul.f32 v13, v13;
	v26 =	vmul.f32 v16, v16  }
0x9d: {  	v34 =	vld [tilespmem:s2+$0x0];
	v27 =	vmul.f32 v19, v19;
	v29 =	vadd.f32 v13, v12;
	v30 =	vadd.f32 v19, v16  }
0x9e: {  	v37 =	vld [tilespmem:s12+$0x0];
	v15 =	vadd.f32 v18, v15  }
0x9f: {  	v38 =	vld [tilespmem:s2+$0x10];
	v18 =	vadd.f32 v27, v26;
	v27 =	vadd.f32 v30, v29  }
0xa0: {  	v14 =	vld [tilespmem:s2+$0xFFFFFFB0]  }
0xa1: {  	v17 =	vld [tilespmem:s12+$0xFFFFFFB0];
	v15 =	vadd.f32 v18, v15;
	(xrf2) =	vadd.scan.msk.f32 $0xffff, v27  }
0xa2: {  	v26 =	vld [tilespmem:s12+$0xFFFFFFD0]  }
0xa3: {  	v27 =	vld [tilespmem:s2+$0xFFFFFFF0];
	(xrf2) =	vadd.scan.msk.f32 $0xffff, v15  }
0xa4: {  	v29 =	vld [tilespmem:s2+$0xFFFFFFE0]  }
0xa5: {  	v32 =	vadd.f32 v28, v25;
	v18 =	vld [tilespmem:s12+$0xFFFFFFE0]  }
0xa6: {  	v25 =	vld [tilespmem:s12+$0x20]  }
0xa7: {  	v28 =	vld [tilespmem:s2+$0x30];
	v14 =	vadd.f32 v17, v14;
	v17 =	vmul.f32 v32, v32;
	v30 =	vadd.f32 v26, v31  }
0xa8: {  	v15 =	vadd.f32 v24, v23;
	v35 =	vadd.f32 v33, v27;
	v27 =	vld [tilespmem:s2+$0xFFFFFF80]  }
0xa9: {  	v20 =	vadd.f32 v21, v20;
	v31 =	vld [tilespmem:s12+$0x30];
	v21 =	vmul.f32 v30, v30  }
0xaa: {  	v23 =	vld [tilespmem:s12+$0x10];
	v26 =	vadd.f32 v14, v15;
	v36 =	vadd.f32 v18, v29  }
0xab: {  	v24 =	vld [tilespmem:s2+$0x20];
	v18 =	vadd.f32 v30, v32;
	v29 =	vadd.f32 v21, v17;
	v17, _, _ =	vpop (xrf2)  }
0xac: {  	v33 =	vadd.f32 v35, v36;
	(v2sf) =	vpush v17, $0xF  }
0xad: {  	v39 =	vmul.f32 v36, v36;
	v17 =	vadd.f32 v37, v34;
	v34 =	vadd.f32 v22, v27;
	v21, _, _ =	vpop (xrf2)  }
0xae: {  	v53 =	vmul.f32 v35, v35;
	v22 =	vadd.f32 v31, v28;
	(v2sf) =	vpush v21, $0xF  }
0xaf: {  	v21 =	vadd.f32 v23, v38;
	v23 =	vadd.f32 v33, v18  }
0xb0: {  	v18 =	vadd.f32 v25, v24;
	v24 =	vadd.f32 v53, v39  }
0xb1: {  	v25 =	vadd.f32 v20, v34;
	(xrf2) =	vadd.scan.msk.f32 $0xffff, v23;
	v23 =	vadd.f32 v21, v17  }
0xb2: {  	v24 =	vadd.f32 v24, v29;
	v27 =	vadd.f32 v22, v18  }
0xb3: {  	s13 =	simm.s32 $0xFF20;
	v25 =	vadd.f32 v26, v25  }
0xb4: {  	v56 =	vld [tilespmem:s13+$0x60];
	(xrf2) =	vadd.scan.msk.f32 $0xffff, v24;
	v23 =	vadd.f32 v27, v23  }
0xb5: {  	s16 =	simm.s32 $0xCD20;
	v58 =	vld [tilespmem:s13+$0x70];
	v28 =	vmul.f32 v14, v14;
	v26 =	vmul.f32 v15, v15;
	(xrf2) =	vadd.scan.msk.f32 $0xffff, v25  }
0xb6: {  	v59 =	vld [tilespmem:s16+$0xFFFFFF80];
	v55 =	vmul.f32 v22, v22;
	v31 =	vmul.f32 v21, v21;
	(xrf2) =	vadd.scan.msk.f32 $0xffff, v23  }
0xb7: {  	v60 =	vld [tilespmem:s13+$0xFFFFFF90];
	v54 =	vmul.f32 v18, v18;
	v26 =	vadd.f32 v28, v26;
	v28 =	vmul.f32 v17, v17  }
0xb8: {  	v43 =	vld [tilespmem:s16+$0xFFFFFF90];
	v29 =	vmul.f32 v34, v34;
	v27 =	vmul.f32 v20, v20  }
0xb9: {  	v24 =	vld [tilespmem:s13+$0x40];
	v28 =	vadd.f32 v31, v28;
	v31 =	vadd.f32 v55, v54  }
0xba: {  	v25 =	vld [tilespmem:s16+$0x40];
	v27 =	vadd.f32 v27, v29  }
0xbb: {  	v44 =	vld [tilespmem:s16+$0xFFFFFFC0];
	v28 =	vadd.f32 v31, v28  }
0xbc: {  	v23 =	vld [tilespmem:s13+$0x50];
	v26 =	vadd.f32 v26, v27  }
0xbd: {  	v29 =	vld [tilespmem:s16+$0x50];
	v57, _, _ =	vpop (xrf2)  }
0xbe: {  	v27 =	vld [tilespmem:s16+$0x60];
	(xrf2) =	vadd.scan.msk.f32 $0xffff, v26;
	(v2sf) =	vpush v57, $0xF;
	s23 =	spop (v2sf);
	v31, _, _ =	vpop (xrf2)  }
0xbf: {  	v0 =	vadd.f32 v25, v24;
	v26 =	vld [tilespmem:s16+$0x70];
	(xrf2) =	vadd.scan.msk.f32 $0xffff, v28;
	s17 =	spop (v2sf);
	(v2sf) =	vpush v31, $0xF;
	v28, _, _ =	vpop (xrf2)  }
0xc0: {  	s9 =	smul.f32 $1.562500000e-02, s23;
	v31 =	vld [tilespmem:s13+$0xFFFFFFC0];
	(v2sf) =	vpush v28, $0xF;
	v28, _, _ =	vpop (xrf2)  }
0xc1: {  	s17 =	smul.f32 $1.562500000e-02, s17;
	(v2sf) =	vpush v28, $0xF;
	v28 =	vld [tilespmem:s13+$0xFFFFFFD0];
	[tilespmem:$0x1FF60] =	vst v0  }
0xc2: {  	v7 =	vadd.f32 v29, v23;
	s18 =	smul.f32 s9, s9;
	v23 =	vld [tilespmem:s16+$0xFFFFFFD0]  }
0xc3: {  	v24 =	vld [tilespmem:s13+$0xFFFFFFE0]  }
0xc4: {  	v8 =	vadd.f32 v27, v56;
	v55 =	vadd.f32 v26, v58;
	s17 =	ssub.f32 s17, s18;
	v47 =	vld [tilespmem:s13+$0xFFFFFFF0]  }
0xc5: {  	v25 =	vmul.f32 v0, v0;
	v26 =	vmul.f32 v7, v7;
	v48 =	vld [tilespmem:s16+$0xFFFFFFF0]  }
0xc6: {  	v45 =	vmul.f32 v8, v8;
	v61 =	vld [tilespmem:s16+$0xFFFFFFE0];
	v46 =	vmul.f32 v55, v55;
	s17 =	sadd.f32 $9.999999960e-13, s17  }
0xc7: {  	v62 =	vadd.f32 v7, v0;
	v49 =	vld [tilespmem:s13+$0xFFFFFFA0];
	v25 =	vadd.f32 v26, v25  }
0xc8: {  	v63 =	vld [tilespmem:s16+$0xFFFFFFA0];
	v31 =	vadd.f32 v44, v31;
	v26 =	vadd.f32 v46, v45;
	s25 =	sshrl.u32 s17, $0x1;
	s17 =	smul.f32 $5.000000000e-01, s17;
	v27, _, _ =	vpop (xrf2)  }
0xc9: {  	v50 =	vld [tilespmem:s13+$0xFFFFFFB0];
	s18 =	ssub.s32 $0x5F3759DF, s25;
	(v2sf) =	vpush v27, $0xF;
	v27 =	vadd.f32 v55, v8  }
0xca: {  	v1 =	vld [tilespmem:s16+$0xFFFFFFB0];
	v26 =	vadd.f32 v26, v25;
	v25 =	vadd.f32 v48, v47;
	s19 =	smul.f32 s18, s17;
	v0, _, _ =	vpop (xrf2)  }
0xcb: {  	v2 =	vld [tilespmem:s13+$0xFFFFFF80];
	v38 =	vadd.f32 v27, v62;
	(v2sf) =	vpush v0, $0xF  }
0xcc: {  	v39 =	vld [tilespmem:s16+$0x0];
	v27 =	vadd.f32 v23, v28;
	v28 =	vadd.f32 v61, v24;
	s19 =	smul.f32 s18, s19  }
0xcd: {  	v42 =	vadd.f32 v43, v60;
	v58 =	vld [tilespmem:s13+$0x30];
	(xrf2) =	vadd.scan.msk.f32 $0xffff, v38  }
0xce: {  	v46 =	vld [tilespmem:s13+$0x20];
	v3 =	vadd.f32 v25, v28;
	s20 =	spop (v2sf);
	s19 =	ssub.f32 $1.500000000e+00, s19;
	(xrf2) =	vadd.scan.msk.f32 $0xffff, v26;
	v26 =	vadd.f32 v27, v31  }
0xcf: {  	v44 =	vmul.f32 v31, v31;
	v41 =	vadd.f32 v63, v49;
	v47 =	vld [tilespmem:s13+$0x10];
	v40 =	vadd.f32 v1, v50;
	s20 =	smul.f32 $1.562500000e-02, s20  }
0xd0: {  	v48 =	vld [tilespmem:s16+$0x10];
	v33 =	vadd.f32 v59, v2;
	v51 =	vmul.f32 v25, v25;
	s18 =	smul.f32 s18, s19;
	v43 =	vadd.f32 v3, v26  }
0xd1: {  	v38 =	vld [tilespmem:s13+$0x0];
	v4 =	vmul.f32 v27, v27;
	v5 =	vmul.f32 v28, v28;
	s22 =	spop (v2sf);
	s26 =	smul.f32 s20, s20  }
0xd2: {  	v50 =	vld [tilespmem:s16+$0x20];
	v57 =	vadd.f32 v40, v41;
	v59 =	vadd.f32 v42, v33;
	s22 =	smul.f32 $1.562500000e-02, s22;
	(xrf2) =	vadd.scan.msk.f32 $0xffff, v43  }
0xd3: {  	v53 =	vld [tilespmem:s16+$0x30];
	v6 =	vadd.f32 v4, v44;
	v56 =	vadd.f32 v51, v5;
	s30 =	spop (v2sf);
	v52 =	vmov s20;
	s17 =	smul.f32 s18, s17  }
0xd4: {  	v61 =	vadd.f32 v57, v59;
	v60 =	vsub.f32 v32, v52;
	s19 =	ssub.f32 s22, s26;
	s22 =	smul.f32 $1.562500000e-02, s30  }
0xd5: {  	v0 =	vmul.f32 v33, v33;
	v37 =	vadd.f32 v56, v6;
	s31 =	spop (v2sf);
	v62 =	vsub.f32 v30, v52;
	s23 =	smul.f32 s17, s18  }
0xd6: {  	v6 =	vmul.f32 v42, v42;
	v63 =	vsub.f32 v36, v52;
	v44 =	vadd.f32 v39, v38;
	s17 =	smul.f32 $1.562500000e-02, s31;
	[tilespmem:$0x1FF30] =	vst v60  }
0xd7: {  	v43 =	vadd.f32 v48, v47;
	v47 =	vadd.f32 v50, v46;
	[tilespmem:$0x1FF40] =	vst v62;
	s1 =	sadd.f32 $9.999999960e-13, s19;
	s2 =	smul.f32 s22, s22;
	v2, _, _ =	vpop (xrf2);
	(xrf2) =	vadd.scan.msk.f32 $0xffff, v37  }
0xd8: {  	s16 =	simm.s32 $0x10020;
	v48 =	vadd.f32 v53, v58;
	[tilespmem:$0x1FF50] =	vst v63;
	s13 =	smul.f32 s17, s17;
	s30 =	spop (v2sf);
	(v2sf) =	vpush v2, $0xF;
	v4, _, _ =	vpop (xrf2);
	(xrf2) =	vadd.scan.msk.f32 $0xffff, v61  }
0xd9: {  	v46 =	vsub.f32 v35, v52;
	v35 =	vmov s9;
	s9 =	simm.s32 $0xCE20;
	v38 =	vld [tilespmem:s16+$0x40];
	s25 =	smul.f32 $1.562500000e-02, s30;
	(v2sf) =	vpush v4, $0xF  }
0xda: {  	v5 =	vmul.f32 v40, v40;
	v57 =	vsub.f32 v19, v35;
	v36 =	vadd.f32 v6, v0;
	v59 =	vld [tilespmem:s9+$0x40];
	s23 =	ssub.f32 $1.500000000e+00, s23;
	s20 =	smul.f32 $5.000000000e-01, s1  }
0xdb: {  	v3 =	vmul.f32 v41, v41;
	v45 =	vadd.f32 v43, v44;
	v50 =	vadd.f32 v48, v47;
	v60 =	vld [tilespmem:s16+$0x50];
	s26 =	spop (v2sf);
	s25 =	ssub.f32 s25, s2  }
0xdc: {  	v58 =	vsub.f32 v12, v35;
	v19 =	vmul.f32 v44, v44;
	v54 =	vmul.f32 v43, v43;
	v62 =	vld [tilespmem:s16+$0x60];
	s28 =	sshrl.u32 s1, $0x1;
	s26 =	smul.f32 $1.562500000e-02, s26;
	v1, _, _ =	vpop (xrf2)  }
0xdd: {  	v39 =	vmov s22;
	v63 =	vld [tilespmem:s9+$0x60];
	v49 =	vadd.f32 v50, v45;
	s12 =	smul.f32 s23, s18;
	s18 =	ssub.s32 $0x5F3759DF, s28;
	s31 =	sadd.f32 $9.999999960e-13, s25;
	(v2sf) =	vpush v1, $0xF  }
0xde: {  	v6 =	vld [tilespmem:s9+$0x70];
	v37 =	vadd.f32 v5, v3;
	v3 =	vmul.f32 v48, v48;
	v2 =	vmul.f32 v47, v47;
	s1 =	smul.f32 s18, s20;
	s19 =	ssub.f32 s26, s13  }
0xdf: {  	v24 =	vld [tilespmem:s9+$0x0];
	v53 =	vsub.f32 v34, v39;
	v19 =	vadd.f32 v54, v19;
	(xrf2) =	vadd.scan.msk.f32 $0xffff, v49;
	s25 =	sshrl.u32 s31, $0x1;
	s22 =	smul.f32 $5.000000000e-01, s31  }
0xe0: {  	v30 =	vld [tilespmem:s16+$0x10];
	v54 =	vsub.f32 v20, v39;
	v4 =	vadd.f32 v3, v2;
	s23 =	smul.f32 s18, s1;
	s19 =	sadd.f32 $9.999999960e-13, s19;
	s2 =	ssub.s32 $0x5F3759DF, s25  }
0xe1: {  	v45 =	vsub.f32 v15, v39;
	v61 =	vld [tilespmem:s9+$0x50];
	v36 =	vadd.f32 v37, v36;
	s28 =	smul.f32 s2, s22;
	v5, _, _ =	vpop (xrf2)  }
0xe2: {  	v2 =	vld [tilespmem:s16+$0x70];
	v19 =	vadd.f32 v4, v19;
	s29 =	sshrl.u32 s19, $0x1;
	s25 =	smul.f32 $5.000000000e-01, s19;
	(v2sf) =	vpush v5, $0xF;
	v20, _, _ =	vpop (xrf2)  }
0xe3: {  	v15 =	vmov s17;
	v56 =	vsub.f32 v14, v39;
	v39 =	vld [tilespmem:s16+$0xFFFFFFD0];
	s13 =	ssub.f32 $1.500000000e+00, s23;
	(xrf2) =	vadd.scan.msk.f32 $0xffff, v36;
	s30 =	smul.f32 s2, s28;
	s28 =	ssub.s32 $0x5F3759DF, s29;
	(v2sf) =	vpush v20, $0xF  }
0xe4: {  	v34 =	vsub.f32 v13, v35;
	v52 =	vsub.f32 v17, v15;
	v17 =	vld [tilespmem:s16+$0xFFFFFFA0];
	(xrf2) =	vadd.scan.msk.f32 $0xffff, v19;
	s29 =	smul.f32 s28, s25  }
0xe5: {  	v50 =	vsub.f32 v21, v15;
	v51 =	vsub.f32 v18, v15;
	v21 =	vld [tilespmem:s9+$0xFFFFFFB0];
	s18 =	smul.f32 s18, s13;
	s31 =	ssub.f32 $1.500000000e+00, s30  }
0xe6: {  	v12 =	vadd.f32 v59, v38;
	v49 =	vsub.f32 v22, v15;
	v36 =	vld [tilespmem:s9+$0xFFFFFF90];
	s1 =	smul.f32 s28, s29  }
0xe7: {  	v13 =	vadd.f32 v61, v60;
	v15 =	vadd.f32 v6, v2;
	v20 =	vld [tilespmem:s16+$0xFFFFFF90];
	s19 =	smul.f32 s2, s31;
	s2 =	spop (v2sf)  }
0xe8: {  	v14 =	vadd.f32 v63, v62;
	v59 =	vsub.f32 v16, v35;
	v22 =	vmul.f32 v12, v12;
	v19 =	vld [tilespmem:s16+$0xFFFFFFB0];
	s17 =	smul.f32 $1.562500000e-02, s2;
	s13 =	spop (v2sf)  }
0xe9: {  	v18 =	vld [tilespmem:s9+$0xFFFFFFA0];
	v0 =	vmul.f32 v13, v13;
	v60 =	vadd.f32 v13, v12;
	v1 =	vmul.f32 v15, v15;
	v16, _, _ =	vpop (xrf2);
	s23 =	ssub.f32 $1.500000000e+00, s1;
	s26 =	smul.f32 $1.562500000e-02, s13  }
0xea: {  	v37 =	vld [tilespmem:s9+$0xFFFFFFC0];
	v3 =	vadd.f32 v15, v14;
	(v2sf) =	vpush v16, $0xF;
	v16 =	vmul.f32 v14, v14;
	s29 =	smul.f32 s17, s17  }
0xeb: {  	v62 =	vld [tilespmem:s9+$0xFFFFFFD0];
	v22 =	vadd.f32 v0, v22;
	s23 =	smul.f32 s28, s23  }
0xec: {  	v2 =	vld [tilespmem:s16+$0xFFFFFFC0];
	v60 =	vadd.f32 v3, v60;
	s28 =	smul.f32 s19, s22;
	v5 =	vadd.f32 v1, v16;
	s31 =	spop (v2sf)  }
0xed: {  	v23 =	vld [tilespmem:s9+$0x10];
	v19 =	vadd.f32 v21, v19;
	v16 =	vadd.f32 v36, v20;
	v4, _, _ =	vpop (xrf2);
	s22 =	smul.f32 $1.562500000e-02, s31  }
0xee: {  	v38 =	vld [tilespmem:s16+$0xFFFFFFE0];
	v35 =	vadd.f32 v5, v22;
	(v2sf) =	vpush v4, $0xF;
	v6, _, _ =	vpop (xrf2)  }
0xef: {  	v61 =	vld [tilespmem:s9+$0xFFFFFFE0];
	v20 =	vadd.f32 v18, v17;
	s30 =	ssub.f32 s26, s29;
	(xrf2) =	vadd.scan.msk.f32 $0xffff, v60;
	(v2sf) =	vpush v6, $0xF;
	v3 =	vmov s22  }
0xf0: {  	v36 =	vld [tilespmem:s16+$0xFFFFFFF0];
	(xrf2) =	vadd.scan.msk.f32 $0xffff, v35;
	v18 =	vsub.f32 v27, v3;
	v17 =	vsub.f32 v28, v3  }
0xf1: {  	s29 =	sadd.f32 $9.999999960e-13, s30;
	v6 =	vld [tilespmem:s16+$0x0];
	v27 =	vadd.f32 v37, v2;
	v28 =	vadd.f32 v62, v39;
	s30 =	spop (v2sf)  }
0xf2: {  	s20 =	smul.f32 s18, s20;
	v1 =	vmul.f32 v19, v19;
	v5 =	vld [tilespmem:s9+$0xFFFFFFF0];
	v22 =	vsub.f32 v31, v3;
	v31 =	vmul.f32 v20, v20;
	s2 =	spop (v2sf)  }
0xf3: {  	v26 =	vld [tilespmem:s16+$0x20];
	v21 =	vsub.f32 v25, v3;
	v25 =	vmul.f32 v27, v27;
	v4 =	vmul.f32 v28, v28;
	s2 =	smul.f32 $1.562500000e-02, s2  }
0xf4: {  	v62 =	vadd.f32 v1, v31;
	v31 =	vadd.f32 v61, v38;
	v61 =	vld [tilespmem:s9+$0x20]  }
0xf5: {  	s20 =	smul.f32 s20, s18;
	v3 =	vld [tilespmem:s9+$0x30];
	v38 =	vadd.f32 v28, v27;
	v60 =	vadd.f32 v4, v25;
	v2 =	vmov s2  }
0xf6: {  	s25 =	smul.f32 s23, s25;
	v25 =	vadd.f32 v24, v6;
	v35 =	vsub.f32 v42, v2;
	v42 =	vld [tilespmem:s16+$0x30]  }
0xf7: {  	v29 =	vld [tilespmem:s9+$0xFFFFFF80];
	s1 =	smul.f32 s28, s19;
	v39 =	vsub.f32 v33, v2;
	v33 =	vadd.f32 v5, v36  }
0xf8: {  	s25 =	smul.f32 s25, s23;
	v37 =	vsub.f32 v41, v2;
	v36 =	vsub.f32 v40, v2;
	v2 =	vld [tilespmem:s16+$0xFFFFFF80]  }
0xf9: {  	s28 =	sshrl.u32 s29, $0x1;
	s29 =	smul.f32 $5.000000000e-01, s29;
	v24 =	vadd.f32 v23, v30;
	v5, _, _ =	vpop (xrf2);
	v26 =	vadd.f32 v61, v26  }
0xfa: {  	s26 =	ssub.f32 $1.500000000e+00, s1;
	s22 =	smul.f32 s22, s22;
	s28 =	ssub.s32 $0x5F3759DF, s28;
	v6 =	vadd.f32 v33, v31;
	(v2sf) =	vpush v5, $0xF;
	v23, _, _ =	vpop (xrf2)  }
0xfb: {  	s31 =	smul.f32 s28, s29;
	(v2sf) =	vpush v23, $0xF;
	v23 =	vadd.f32 v3, v42  }
0xfc: {  	s1 =	ssub.f32 $1.500000000e+00, s20;
	s20 =	smul.f32 s26, s19;
	v30 =	vmul.f32 v31, v31;
	v40 =	vadd.f32 v6, v38;
	v3 =	vadd.f32 v24, v25  }
0xfd: {  	s25 =	ssub.f32 $1.500000000e+00, s25;
	s31 =	smul.f32 s28, s31;
	v4 =	vmul.f32 v24, v24;
	v38 =	vadd.f32 v29, v2;
	v5 =	vadd.f32 v23, v26  }
0xfe: {  	s19 =	smul.f32 s1, s18;
	v63 =	vmul.f32 v33, v33;
	v6 =	vmul.f32 v25, v25  }
0xff: {  	s18 =	smul.f32 s25, s23;
	s13 =	ssub.f32 $1.500000000e+00, s31;
	v1 =	vmul.f32 v38, v38;
	v2 =	vadd.f32 v5, v3;
	v3 =	vmul.f32 v16, v16  }
0x100: {  	v32 =	vadd.f32 v19, v20;
	s25 =	smul.f32 $1.562500000e-02, s30;
	v30 =	vadd.f32 v63, v30  }
0x101: {  	s1 =	smul.f32 s28, s13;
	v61 =	vmul.f32 v26, v26;
	v29 =	vadd.f32 v4, v6;
	v3 =	vadd.f32 v3, v1;
	v1 =	vld [tilespmem:$0x1FF90]  }
0x102: {  	s22 =	ssub.f32 s25, s22;
	s2 =	smul.f32 s2, s2;
	v41 =	vadd.f32 v30, v60;
	v30 =	vmul.f32 v23, v23;
	v6 =	vadd.f32 v16, v38  }
0x103: {  	s26 =	spop (v2sf);
	s23 =	smul.f32 s1, s29;
	v5 =	vld [tilespmem:$0x1FF70]  }
0x104: {  	v0 =	vld [tilespmem:$0x1FFA0];
	s25 =	smul.f32 $1.562500000e-02, s26;
	v30 =	vadd.f32 v30, v61;
	v61 =	vadd.f32 v32, v6;
	v6 =	vmul.f32 s12, v34  }
0x105: {  	s22 =	sadd.f32 $9.999999960e-13, s22;
	s16 =	smul.f32 s23, s1  }
0x106: {  	s26 =	smul.f32 s25, s25;
	v42 =	vmul.f32 s12, v57;
	s30 =	spop (v2sf);
	(xrf2) =	vadd.scan.msk.f32 $0xffff, v40;
	v40 =	vmul.f32 v6, v1;
	v6 =	vld [tilespmem:$0x1FFB0]  }
0x107: {  	s23 =	smul.f32 $5.000000000e-01, s22;
	v60 =	vmov s17;
	s16 =	ssub.f32 $1.500000000e+00, s16;
	v32 =	vmul.f32 s12, v58  }
0x108: {  	s28 =	smul.f32 $1.562500000e-02, s30;
	v57 =	vadd.f32 v30, v29;
	v29 =	vmov s25;
	v42 =	vmul.f32 v42, v5  }
0x109: {  	v4 =	vld [tilespmem:$0x1FF80];
	v55 =	vsub.f32 v55, v60;
	v63 =	vmul.f32 v32, v0;
	s25 =	smul.f32 s16, s1;
	v34 =	vsub.f32 v44, v29  }
0x10a: {  	v59 =	vmul.f32 s12, v59;
	s13 =	sshrl.u32 s22, $0x1;
	s31 =	spop (v2sf);
	s2 =	ssub.f32 s28, s2;
	v30 =	vsub.f32 v47, v29;
	v42 =	vadd.f32 v42, v11  }
0x10b: {  	s17 =	simm.s32 $0x6820;
	s12 =	smul.f32 $1.562500000e-02, s31;
	s1 =	ssub.s32 $0x5F3759DF, s13;
	v44 =	vmul.f32 s20, v53;
	v47 =	vmul.f32 s25, v55;
	v53 =	vadd.f32 v63, v6  }
0x10c: {  	s2 =	sadd.f32 $9.999999960e-13, s2;
	s22 =	smul.f32 s1, s23;
	v32 =	vsub.f32 v43, v29;
	[tilespmem:s17+$0x70] =	vst v42  }
0x10d: {  	s12 =	ssub.f32 s12, s26;
	v29 =	vsub.f32 v48, v29;
	v55 =	vmul.f32 s20, v45;
	v42 =	vmul.f32 v47, v5;
	v45 =	vld [tilespmem:$0x1FF30];
	[tilespmem:s17+$0x40] =	vst v53  }
0x10e: {  	v43 =	vmul.f32 v59, v4;
	v48 =	vmul.f32 s20, v54;
	s16 =	smul.f32 s1, s22;
	v40 =	vadd.f32 v40, v9;
	v54 =	vld [tilespmem:$0x1FF40]  }
0x10f: {  	s26 =	sshrl.u32 s2, $0x1;
	s2 =	smul.f32 $5.000000000e-01, s2;
	s12 =	sadd.f32 $9.999999960e-13, s12;
	v63 =	vmov v6;
	v6 =	vadd.f32 v42, v11  }
0x110: {  	v58 =	vmul.f32 s20, v56;
	s22 =	ssub.s32 $0x5F3759DF, s26;
	s31 =	ssub.f32 $1.500000000e+00, s16;
	s16 =	simm.s32 $0x6920;
	v53 =	vadd.f32 v43, v10;
	v56 =	vld [tilespmem:$0x1FF50];
	[tilespmem:s17+$0x50] =	vst v40  }
0x111: {  	s30 =	smul.f32 s22, s2;
	[tilespmem:s16+$0x70] =	vst v6  }
0x112: {  	v46 =	vmul.f32 s19, v46;
	s28 =	sshrl.u32 s12, $0x1;
	s26 =	smul.f32 $5.000000000e-01, s12;
	[tilespmem:s17+$0x60] =	vst v53  }
0x113: {  	v48 =	vmul.f32 v48, v1;
	s20 =	smul.f32 s22, s30;
	s30 =	ssub.s32 $0x5F3759DF, s28;
	v43 =	vmul.f32 s19, v54;
	v54 =	vld [tilespmem:$0x1FF60]  }
0x114: {  	s13 =	smul.f32 s30, s26;
	v59 =	vmul.f32 s19, v45;
	v45 =	vmul.f32 s18, v52  }
0x115: {  	s28 =	ssub.f32 $1.500000000e+00, s20;
	s20 =	smul.f32 s1, s31;
	v52 =	vmul.f32 s18, v51;
	v47 =	vmul.f32 s19, v56;
	v56 =	vadd.f32 v62, v3;
	v62 =	vmovc v0  }
0x116: {  	s31 =	smul.f32 s30, s13;
	v42 =	vsub.f32 v7, v60;
	v40 =	vmul.f32 v55, v4;
	v0 =	vmul.f32 v44, v62  }
0x117: {  	(xrf2) =	vadd.scan.msk.f32 $0xffff, v41;
	s22 =	smul.f32 s22, s28;
	v6 =	vsub.f32 v8, v60;
	v53 =	vmul.f32 s18, v50;
	v50 =	vmul.f32 v58, v5  }
0x118: {  	(xrf2) =	vadd.scan.msk.f32 $0xffff, v61;
	v61 =	vmovc v4;
	s28 =	smul.f32 s20, s23;
	s1 =	ssub.f32 $1.500000000e+00, s31;
	v44 =	vmul.f32 s25, v42;
	v51 =	vadd.f32 v0, v63;
	v3 =	vsub.f32 v54, v60  }
0x119: {  	s12 =	sshll.u32 s10, $0x1;
	v41 =	vadd.f32 v48, v9;
	v7, _, _ =	vpop (xrf2);
	(xrf2) =	vadd.scan.msk.f32 $0xffff, v2;
	s23 =	spop (v2sf);
	s29 =	smul.f32 s22, s2;
	v42 =	vmul.f32 s25, v6;
	v48 =	vmul.f32 v59, v62  }
0x11a: {  	(v2sf) =	vpush v7, $0xF;
	v55 =	vmovc v5;
	s19 =	simm.s32 $0x10120;
	v60 =	vmovc v1;
	v54 =	vmul.f32 s18, v49;
	s18 =	simm.s32 $0x8;
	[tilespmem:s17+$0xFFFFFF80] =	vst v51;
	v49 =	vmul.f32 s25, v3;
	s25 =	smul.f32 s30, s1  }
.LBB2_7:
0x11b: {  	v2 =	vld [tilespmem:s19+$0x40]  }
0x11c: {  	v46 =	vmul.f32 v46, v55;
	v55 =	vld [tilespmem:s19+$0x50]  }
0x11d: {  	s9 =	sadd.s32 $0x100, s9;
	v0 =	vld [tilespmem:$0x1FF70]  }
0x11e: {  	s23 =	smul.f32 $1.562500000e-02, s23;
	v43 =	vmul.f32 v43, v60;
	v3 =	vadd.f32 v40, v10;
	v40 =	vmov v14;
	v14 =	vld [tilespmem:s9+$0x40]  }
0x11f: {  	(xrf2) =	vadd.scan.msk.f32 $0xffff, v56;
	v50 =	vadd.f32 v50, v11;
	[tilespmem:s17+$0xFFFFFF90] =	vst v41;
	v41 =	vmul.f32 v53, v60;
	v53 =	vld [tilespmem:s19+$0x60]  }
0x120: {  	v47 =	vmul.f32 v47, v61;
	v44 =	vmul.f32 v44, v60;
	v60 =	vld [tilespmem:s9+$0x70];
	s2 =	smul.f32 s23, s23;
	v46 =	vadd.f32 v46, v11;
	[tilespmem:s17+$0xFFFFFFA0] =	vst v3;
	s1 =	spop (v2sf)  }
0x121: {  	v45 =	vmul.f32 v45, v62;
	v49 =	vmul.f32 v49, v62;
	v51, _, _ =	vpop (xrf2);
	[tilespmem:s17+$0xFFFFFFB0] =	vst v50;
	v50 =	vld [tilespmem:s19+$0x70];
	s1 =	smul.f32 $1.562500000e-02, s1  }
0x122: {  	s26 =	smul.f32 s25, s26;
	v62 =	vadd.f32 v48, v63;
	v42 =	vmul.f32 v42, v61;
	[tilespmem:s17+$0xFFFFFFF0] =	vst v46;
	v46 =	vld [tilespmem:s9+$0xFFFFFF90];
	(v2sf) =	vpush v51, $0xF  }
0x123: {  	s31 =	smul.f32 s29, s22;
	v43 =	vadd.f32 v43, v9;
	v47 =	vadd.f32 v47, v10;
	(xrf2) =	vadd.scan.msk.f32 $0xffff, v57;
	v6, _, _ =	vpop (xrf2);
	v51 =	vmul.f32 v52, v61;
	v52 =	vld [tilespmem:s9+$0x50];
	s1 =	ssub.f32 s1, s2  }
0x124: {  	s29 =	smul.f32 s28, s20;
	v7 =	vadd.f32 v45, v63;
	v48 =	vmul.f32 v54, v0;
	v54 =	vld [tilespmem:s9+$0x60];
	(v2sf) =	vpush v6, $0xF  }
0x125: {  	[tilespmem:s17+$0xFFFFFFC0] =	vst v62;
	v49 =	vadd.f32 v49, v63;
	v57 =	vadd.f32 v44, v9;
	v3 =	vld [tilespmem:s19+$0xFFFFFFA0];
	s1 =	sadd.f32 $9.999999960e-13, s1  }
0x126: {  	s26 =	smul.f32 s26, s25;
	s13 =	ssub.f32 $1.500000000e+00, s29;
	v58 =	vadd.f32 v42, v10;
	[tilespmem:s17+$0xFFFFFFD0] =	vst v43;
	v61 =	vadd.f32 v41, v9;
	v6 =	vld [tilespmem:s9+$0xFFFFFFA0]  }
0x127: {  	[tilespmem:s17+$0xFFFFFFE0] =	vst v47;
	v42 =	vadd.f32 v14, v2;
	v63 =	vadd.f32 v48, v11;
	v48 =	vld [tilespmem:s19+$0xFFFFFF90];
	v62, _, _ =	vpop (xrf2);
	s30 =	sshrl.u32 s1, $0x1;
	s28 =	smul.f32 $5.000000000e-01, s1  }
0x128: {  	s20 =	smul.f32 s13, s20;
	v56 =	vld [tilespmem:s9+$0xFFFFFFC0];
	s2 =	ssub.f32 $1.500000000e+00, s31;
	(v2sf) =	vpush v62, $0xF;
	v41 =	vadd.f32 v52, v55;
	s29 =	ssub.s32 $0x5F3759DF, s30  }
0x129: {  	[tilespmem:s17+$0x0] =	vst v7;
	v14 =	vadd.f32 v54, v53;
	v53 =	vadd.f32 v60, v50;
	v50 =	vld [tilespmem:s19+$0xFFFFFFB0];
	v5, _, _ =	vpop (xrf2);
	s31 =	smul.f32 s29, s28  }
0x12a: {  	[tilespmem:s16+$0x50] =	vst v57;
	v51 =	vadd.f32 v51, v10;
	v60 =	vld [tilespmem:s9+$0xFFFFFFB0];
	v62 =	vmul.f32 v42, v42;
	(v2sf) =	vpush v5, $0xF;
	s30 =	ssub.f32 $1.500000000e+00, s26;
	s26 =	smul.f32 s2, s22  }
0x12b: {  	v57 =	vld [tilespmem:s19+$0xFFFFFFD0];
	[tilespmem:s17+$0x30] =	vst v63;
	v3 =	vadd.f32 v6, v3;
	v7 =	vadd.f32 v41, v42;
	v63 =	vmul.f32 v41, v41;
	s2 =	smul.f32 s29, s31  }
0x12c: {  	v55 =	vld [tilespmem:s19+$0xFFFFFFC0];
	v46 =	vadd.f32 v46, v48;
	v1 =	vmul.f32 v14, v14;
	v4 =	vmul.f32 v53, v53;
	s22 =	smul.f32 s30, s25  }
0x12d: {  	[tilespmem:s17+$0x10] =	vst v61;
	v61 =	vadd.f32 v53, v14;
	v5 =	vld [tilespmem:s9+$0xFFFFFFD0];
	v0, _, _ =	vpop (xrf2);
	v47 =	vadd.f32 v63, v62;
	s31 =	spop (v2sf);
	s2 =	ssub.f32 $1.500000000e+00, s2  }
0x12e: {  	v52 =	vmul.f32 v46, v46;
	v48 =	vadd.f32 v4, v1;
	v1 =	vld [tilespmem:s9+$0xFFFFFFE0];
	(v2sf) =	vpush v0, $0xF;
	s13 =	smul.f32 $1.562500000e-02, s31  }
0x12f: {  	[tilespmem:s16+$0x40] =	vst v49;
	v4 =	vld [tilespmem:s9+$0xFFFFFFF0];
	v44 =	vmul.f32 s26, v39;
	v39 =	vadd.f32 v61, v7;
	v2 =	vadd.f32 v60, v50;
	s2 =	smul.f32 s29, s2  }
0x130: {  	[tilespmem:s17+$0x20] =	vst v51;
	v49 =	vmul.f32 s26, v35;
	v61 =	vld [tilespmem:s19+$0xFFFFFFF0];
	v50 =	vmul.f32 s26, v36;
	s1 =	smul.f32 s13, s13  }
0x131: {  	v7 =	vld [tilespmem:s19+$0xFFFFFFE0];
	v47 =	vadd.f32 v48, v47;
	(xrf2) =	vadd.scan.msk.f32 $0xffff, v39;
	v54 =	vadd.f32 v2, v3;
	v51 =	vmov s13;
	s31 =	spop (v2sf);
	s28 =	smul.f32 s2, s28  }
0x132: {  	v43 =	vld [tilespmem:s19+$0x0];
	v48 =	vmul.f32 s26, v37;
	v6 =	vsub.f32 v27, v51;
	v59 =	vsub.f32 v28, v51;
	s25 =	smul.f32 $1.562500000e-02, s31  }
0x133: {  	[tilespmem:s16+$0x60] =	vst v58;
	v58 =	vld [tilespmem:s19+$0x10];
	v0 =	vmul.f32 v3, v3;
	v60 =	vsub.f32 v31, v51;
	v27 =	vadd.f32 v56, v55;
	s13 =	spop (v2sf);
	s28 =	smul.f32 s28, s2  }
0x134: {  	(xrf2) =	vadd.scan.msk.f32 $0xffff, v47;
	v31 =	vmul.f32 v2, v2;
	v62 =	vsub.f32 v33, v51;
	v28 =	vadd.f32 v5, v57;
	v57 =	vld [tilespmem:s9+$0x0];
	s1 =	ssub.f32 s25, s1;
	s25 =	smul.f32 $1.562500000e-02, s13  }
0x135: {  	v55 =	vmov s23;
	v33 =	vadd.f32 v4, v61;
	v4 =	vld [tilespmem:s9+$0x20];
	v5 =	vmul.f32 v27, v27;
	s28 =	ssub.f32 $1.500000000e+00, s28  }
0x136: {  	v56 =	vadd.f32 v31, v0;
	v31 =	vadd.f32 v1, v7;
	v7 =	vmul.f32 v28, v28;
	v0 =	vld [tilespmem:s9+$0x10];
	s1 =	sadd.f32 $9.999999960e-13, s1;
	s29 =	smul.f32 s25, s25  }
0x137: {  	v51 =	vmul.f32 s20, v22;
	v22 =	vmovc v6;
	v6 =	vsub.f32 v15, v55;
	v15 =	vmovc v53;
	v53 =	vadd.f32 v28, v27;
	v1 =	vld [tilespmem:s19+$0x20];
	s23 =	smul.f32 s28, s2  }
0x138: {  	v8 =	vld [tilespmem:s19+$0x30];
	v61 =	vadd.f32 v7, v5;
	v7 =	vmul.f32 v33, v33;
	v63 =	vmov s25;
	s30 =	spop (v2sf);
	s25 =	smul.f32 $5.000000000e-01, s1  }
0x139: {  	v57 =	vadd.f32 v57, v43;
	v39 =	vsub.f32 v38, v63;
	s31 =	sshrl.u32 s1, $0x1;
	s2 =	smul.f32 $1.562500000e-02, s30;
	s30 =	spop (v2sf);
	v38 =	vmul.f32 s23, v6;
	v6 =	vld [tilespmem:$0x1FF70]  }
0x13a: {  	v43 =	vmul.f32 s20, v18;
	v35 =	vsub.f32 v16, v63;
	v16 =	vmovc v46;
	v37 =	vsub.f32 v20, v63;
	v20 =	vmovc v3;
	v3 =	vld [tilespmem:s9+$0x30];
	s28 =	ssub.s32 $0x5F3759DF, s31;
	s1 =	smul.f32 $1.562500000e-02, s30  }
0x13b: {  	v46 =	vmul.f32 v31, v31;
	v36 =	vsub.f32 v19, v63;
	v47, _, _ =	vpop (xrf2);
	v0 =	vadd.f32 v0, v58;
	s31 =	smul.f32 s28, s25  }
0x13c: {  	v45 =	vld [tilespmem:s9+$0xFFFFFF80];
	v58 =	vmul.f32 v57, v57;
	v1 =	vadd.f32 v4, v1;
	(v2sf) =	vpush v47, $0xF;
	s13 =	smul.f32 s2, s2  }
0x13d: {  	v18 =	vmovc v59;
	v19 =	vmovc v2;
	v2 =	vld [tilespmem:s19+$0xFFFFFF80];
	v47 =	vmul.f32 s20, v17;
	v7 =	vadd.f32 v7, v46;
	v4 =	vadd.f32 v0, v57;
	s1 =	ssub.f32 s1, s29;
	s29 =	spop (v2sf)  }
0x13e: {  	v59, _, _ =	vpop (xrf2);
	v5 =	vmov s2;
	s29 =	smul.f32 $1.562500000e-02, s29;
	v38 =	vmul.f32 v38, v6;
	v6 =	vadd.f32 v33, v31  }
0x13f: {  	(v2sf) =	vpush v59, $0xF;
	v59 =	vmul.f32 v0, v0;
	s2 =	smul.f32 s28, s31;
	v3 =	vadd.f32 v3, v8;
	s1 =	sadd.f32 $9.999999960e-13, s1  }
0x140: {  	s17 =	smov.u32 s16;
	s16 =	sadd.s32 $0x100, s16;
	v46 =	vmul.f32 s20, v21;
	s26 =	ssub.f32 s29, s13;
	v38 =	vadd.f32 v38, v11;
	v6 =	vadd.f32 v6, v53  }
0x141: {  	v21 =	vmovc v62;
	v8 =	vmul.f32 v1, v1;
	v58 =	vadd.f32 v59, v58;
	s13 =	sshrl.u32 s1, $0x1;
	s29 =	smul.f32 $5.000000000e-01, s1;
	s1 =	ssub.f32 $1.500000000e+00, s2;
	v53 =	vsub.f32 v25, v5  }
0x142: {  	v62 =	vld [tilespmem:$0x1FFA0];
	s2 =	ssub.s32 $0x5F3759DF, s13;
	s26 =	sadd.f32 $9.999999960e-13, s26;
	v25 =	vmovc v57;
	v57 =	vsub.f32 v24, v5;
	[tilespmem:s16+$0x70] =	vst v38;
	(xrf2) =	vadd.scan.msk.f32 $0xffff, v6;
	v38 =	vadd.f32 v45, v2  }
0x143: {  	v17 =	vmovc v60;
	s13 =	smul.f32 s2, s29;
	v45 =	vmul.f32 s22, v34;
	v34 =	vmovc v53;
	v6 =	vadd.f32 v3, v1;
	v53 =	vmul.f32 v3, v3  }
0x144: {  	v60 =	vld [tilespmem:$0x1FF90];
	v24 =	vmovc v0;
	s31 =	sshrl.u32 s26, $0x1;
	s26 =	smul.f32 $5.000000000e-01, s26;
	v2 =	vadd.f32 v7, v61;
	v0 =	vadd.f32 v16, v38;
	v59 =	vmul.f32 v38, v38  }
0x145: {  	v61 =	vld [tilespmem:$0x1FF80];
	s13 =	smul.f32 s2, s13;
	s30 =	ssub.s32 $0x5F3759DF, s31;
	v4 =	vadd.f32 v6, v4;
	v6 =	vadd.f32 v53, v8  }
0x146: {  	v63 =	vld [tilespmem:$0x1FFB0];
	s31 =	smul.f32 s30, s26;
	v0 =	vadd.f32 v54, v0;
	v7 =	vadd.f32 v52, v59;
	v54 =	vmul.f32 s22, v29  }
0x147: {  	s18 =	sadd.s32 $0x4, s18;
	s20 =	smul.f32 s28, s1;
	(xrf2) =	vadd.scan.msk.f32 $0xffff, v2;
	v29 =	vsub.f32 v23, v5;
	v59 =	vmul.f32 v44, v62;
	v44 =	vsub.f32 v13, v55  }
0x148: {  	p1 =	slt.u32 s18, $0xC4;
	v53 =	vmul.f32 s22, v32;
	s13 =	ssub.f32 $1.500000000e+00, s13;
	s31 =	smul.f32 s30, s31;
	v23 =	vmovc v3;
	v3 =	vsub.f32 v40, v55;
	(xrf2) =	vadd.scan.msk.f32 $0xffff, v0;
	v0 =	vsub.f32 v12, v55;
	v55 =	vld [tilespmem:$0x1FF70]  }
.Ltmp4:
0x149: {  	v2 =	vsub.f32 v26, v5;
	v26 =	vmovc v1;
	v52 =	vmul.f32 s22, v30;
	v5 =	vmul.f32 v49, v60;
	(pc) =	sbr.rel @p1 .LBB2_7-.Ltmp4, $4  }
0x14a: {  	v32 =	vmovc v57;
	v57 =	vadd.f32 v6, v58;
	s22 =	smul.f32 s2, s13;
	v40 =	vmul.f32 v48, v61;
	v48 =	vmul.f32 v51, v62  }
0x14b: {  	s28 =	smul.f32 s20, s25;
	v13 =	vmovc v41;
	s1 =	ssub.f32 $1.500000000e+00, s31;
	v56 =	vadd.f32 v56, v7;
	v12 =	vmovc v42;
	v59 =	vadd.f32 v59, v63;
	v44 =	vmul.f32 s23, v44  }
0x14c: {  	s29 =	smul.f32 s22, s29;
	v42 =	vmul.f32 s23, v3;
	v41 =	vadd.f32 v5, v9;
	v49 =	vmul.f32 s23, v0;
	v58, _, _ =	vpop (xrf2)  }
0x14d: {  	s19 =	sadd.s32 $0x100, s19;
	v30 =	vmovc v2;
	s25 =	smul.f32 s30, s1;
	s23 =	spop (v2sf);
	[tilespmem:s17+$0xFFFFFF80] =	vst v59;
	(xrf2) =	vadd.scan.msk.f32 $0xffff, v4;
	(v2sf) =	vpush v58, $0xF;
	v50 =	vmul.f32 v50, v55  }
0x14e: {  	_ = 	snop  }
0x14f: {  	s23 =	smul.f32 $1.562500000e-02, s23;
	s1 =	spop (v2sf)  }
0x150: {  	(xrf2) =	vadd.scan.msk.f32 $0xffff, v56;
	s1 =	smul.f32 $1.562500000e-02, s1  }
0x151: {  	s2 =	smul.f32 s23, s23;
	v0, _, _ =	vpop (xrf2)  }
0x152: {  	(v2sf) =	vpush v0, $0xF  }
0x153: {  	s9 =	smul.f32 s29, s22;
	(xrf2) =	vadd.scan.msk.f32 $0xffff, v57;
	v51, _, _ =	vpop (xrf2);
	s1 =	ssub.f32 s1, s2  }
0x154: {  	s26 =	smul.f32 s25, s26;
	(v2sf) =	vpush v51, $0xF  }
0x155: {  	s13 =	smul.f32 s28, s20;
	s1 =	sadd.f32 $9.999999960e-13, s1  }
0x156: {  	s9 =	ssub.f32 $1.500000000e+00, s9;
	s2 =	smul.f32 s26, s25  }
0x157: {  	s18 =	sshrl.u32 s1, $0x1;
	s1 =	smul.f32 $5.000000000e-01, s1  }
0x158: {  	s22 =	smul.f32 s9, s22;
	s2 =	ssub.f32 $1.500000000e+00, s2;
	v56, _, _ =	vpop (xrf2);
	s18 =	ssub.s32 $0x5F3759DF, s18  }
0x159: {  	(v2sf) =	vpush v56, $0xF;
	s19 =	smul.f32 s18, s1  }
0x15a: {  	s13 =	ssub.f32 $1.500000000e+00, s13;
	s9 =	smul.f32 s2, s25;
	v57, _, _ =	vpop (xrf2)  }
0x15b: {  	(v2sf) =	vpush v57, $0xF;
	s30 =	smul.f32 s18, s19  }
0x15c: {  	s19 =	smul.f32 s13, s20  }
0x15d: {  	v58, _, _ =	vpop (xrf2);
	s31 =	spop (v2sf);
	s26 =	ssub.f32 $1.500000000e+00, s30  }
0x15e: {  	(v2sf) =	vpush v58, $0xF;
	s13 =	smul.f32 $1.562500000e-02, s31  }
0x15f: {  	s2 =	smul.f32 s18, s26  }
0x160: {  	s18 =	smul.f32 s13, s13  }
0x161: {  	s1 =	smul.f32 s2, s1;
	s28 =	spop (v2sf)  }
0x162: {  	s20 =	smul.f32 $1.562500000e-02, s28  }
0x163: {  	s29 =	spop (v2sf);
	s1 =	smul.f32 s1, s2  }
0x164: {  	v59 =	vmul.f32 v43, v60;
	s25 =	smul.f32 $1.562500000e-02, s29  }
0x165: {  	v1 =	vmul.f32 v47, v61;
	v3 =	vmul.f32 v46, v55;
	s1 =	ssub.f32 $1.500000000e+00, s1  }
0x166: {  	v4 =	vmul.f32 v45, v62;
	v6 =	vmul.f32 v53, v60;
	s20 =	ssub.f32 s20, s18;
	s30 =	smul.f32 s25, s25  }
0x167: {  	v2 =	vadd.f32 v40, v10;
	v7 =	vmul.f32 v52, v61;
	v8 =	vmul.f32 v49, v62;
	s18 =	smul.f32 s1, s2  }
0x168: {  	v48 =	vadd.f32 v48, v63;
	v5 =	vadd.f32 v50, v11;
	v52 =	vmov s13;
	s13 =	sadd.f32 $9.999999960e-13, s20;
	s26 =	spop (v2sf)  }
0x169: {  	v49 =	vmul.f32 v54, v55;
	v1 =	vadd.f32 v1, v10;
	v3 =	vadd.f32 v3, v11;
	s26 =	smul.f32 $1.562500000e-02, s26  }
0x16a: {  	[tilespmem:s17+$0xFFFFFF90] =	vst v41;
	v50 =	vmul.f32 v44, v60;
	v4 =	vadd.f32 v4, v63;
	v6 =	vadd.f32 v6, v9;
	s31 =	spop (v2sf);
	s20 =	smul.f32 $5.000000000e-01, s13  }
0x16b: {  	[tilespmem:s17+$0xFFFFFFA0] =	vst v2;
	v7 =	vadd.f32 v7, v10;
	v8 =	vadd.f32 v8, v63;
	v53 =	vmov s23;
	s29 =	smul.f32 $1.562500000e-02, s31  }
0x16c: {  	[tilespmem:s17+$0xFFFFFFB0] =	vst v5;
	v5 =	vadd.f32 v49, v11;
	v0 =	vadd.f32 v59, v9;
	v54 =	vmul.f32 s22, v39;
	s23 =	smul.f32 s26, s26  }
0x16d: {  	v41 =	vadd.f32 v50, v9;
	v12 =	vsub.f32 v12, v53;
	[tilespmem:s17+$0xFFFFFFF0] =	vst v3;
	v51 =	vmul.f32 v42, v61;
	s2 =	ssub.f32 s29, s30;
	s28 =	spop (v2sf)  }
0x16e: {  	v49 =	vsub.f32 v14, v53;
	[tilespmem:s17+$0xFFFFFFD0] =	vst v0;
	v3 =	vmul.f32 s22, v36;
	v0 =	vmul.f32 v54, v62;
	s30 =	sshrl.u32 s13, $0x1;
	s29 =	smul.f32 $1.562500000e-02, s28  }
0x16f: {  	[tilespmem:s17+$0xFFFFFFC0] =	vst v48;
	v2 =	vadd.f32 v51, v10;
	v57 =	vmul.f32 s22, v35;
	v58 =	vmul.f32 s22, v37;
	s22 =	ssub.s32 $0x5F3759DF, s30;
	s1 =	sadd.f32 $9.999999960e-13, s2  }
0x170: {  	[tilespmem:s16+$0x50] =	vst v41;
	v3 =	vmul.f32 v3, v55;
	v41 =	vmul.f32 s9, v34;
	v39 =	vmov s25;
	s30 =	smul.f32 s22, s20;
	s25 =	ssub.f32 s29, s23  }
0x171: {  	[tilespmem:s17+$0xFFFFFFE0] =	vst v1;
	v56 =	vsub.f32 v15, v53;
	v30 =	vmul.f32 s9, v30;
	v47 =	vmul.f32 s9, v29;
	s31 =	sshrl.u32 s1, $0x1;
	s1 =	smul.f32 $5.000000000e-01, s1  }
0x172: {  	[tilespmem:s17+$0x0] =	vst v4;
	v0 =	vadd.f32 v0, v63;
	v48 =	vmul.f32 v41, v62;
	v1 =	vmul.f32 v57, v60;
	s28 =	smul.f32 s22, s30;
	s13 =	ssub.s32 $0x5F3759DF, s31;
	s2 =	sadd.f32 $9.999999960e-13, s25  }
0x173: {  	[tilespmem:s17+$0x10] =	vst v6;
	v3 =	vadd.f32 v3, v11;
	v22 =	vmul.f32 s19, v22;
	v18 =	vmul.f32 s19, v18;
	s29 =	smul.f32 s13, s1  }
0x174: {  	[tilespmem:s17+$0x20] =	vst v7;
	v17 =	vmul.f32 s19, v17;
	v21 =	vmul.f32 s19, v21;
	v40 =	vmov s26;
	s26 =	sshrl.u32 s2, $0x1;
	s19 =	smul.f32 $5.000000000e-01, s2  }
0x175: {  	[tilespmem:s16+$0xFFFFFFB0] =	vst v3;
	v3 =	vsub.f32 v13, v53;
	v51 =	vmul.f32 v30, v61;
	v13 =	vadd.f32 v48, v63;
	s2 =	ssub.f32 $1.500000000e+00, s28;
	s31 =	smul.f32 s13, s29;
	s23 =	ssub.s32 $0x5F3759DF, s26  }
0x176: {  	[tilespmem:s16+$0x40] =	vst v8;
	v1 =	vadd.f32 v1, v9;
	v44 =	vmul.f32 v58, v61;
	v45 =	vmul.f32 v22, v62;
	s30 =	smul.f32 s23, s19  }
0x177: {  	[tilespmem:s17+$0x30] =	vst v5;
	v18 =	vmul.f32 v18, v60;
	v17 =	vmul.f32 v17, v61;
	v27 =	vsub.f32 v27, v52;
	s2 =	smul.f32 s22, s2  }
0x178: {  	[tilespmem:s16+$0x60] =	vst v2;
	v28 =	vsub.f32 v28, v52;
	v59 =	vsub.f32 v31, v52;
	v37 =	vmul.f32 s18, v56;
	s29 =	ssub.f32 $1.500000000e+00, s31;
	s31 =	smul.f32 s23, s30  }
0x179: {  	[tilespmem:s16+$0xFFFFFF80] =	vst v0;
	v21 =	vmul.f32 v21, v55;
	v4 =	vsub.f32 v33, v52;
	v46 =	vadd.f32 v44, v10;
	s20 =	smul.f32 s2, s20  }
0x17a: {  	[tilespmem:s16+$0x0] =	vst v13;
	v0 =	vadd.f32 v45, v63;
	v18 =	vadd.f32 v18, v9;
	v31 =	vmul.f32 v37, v55;
	s13 =	smul.f32 s13, s29  }
0x17b: {  	[tilespmem:s16+$0xFFFFFF90] =	vst v1;
	v1 =	vmul.f32 v47, v55;
	v17 =	vadd.f32 v17, v10;
	v50 =	vadd.f32 v21, v11;
	s20 =	smul.f32 s20, s2  }
0x17c: {  	v52 =	vadd.f32 v51, v10;
	[tilespmem:s16+$0xFFFFFFA0] =	vst v46;
	v3 =	vmul.f32 s18, v3;
	v5 =	vadd.f32 v31, v11;
	s1 =	smul.f32 s13, s1  }
0x17d: {  	s17 =	sadd.s32 $0x100, s16;
	v1 =	vadd.f32 v1, v11;
	[tilespmem:s16+$0xFFFFFFC0] =	vst v0;
	v6 =	vsub.f32 v38, v39;
	v12 =	vmul.f32 s18, v12;
	s25 =	ssub.f32 $1.500000000e+00, s31  }
0x17e: {  	v16 =	vsub.f32 v16, v39;
	v3 =	vmul.f32 v3, v60;
	[tilespmem:s17+$0x70] =	vst v5;
	v5 =	vmul.f32 s9, v32;
	s28 =	ssub.f32 $1.500000000e+00, s20;
	s1 =	smul.f32 s1, s13  }
0x17f: {  	[tilespmem:s16+$0xFFFFFFD0] =	vst v18;
	v7 =	vsub.f32 v20, v39;
	v19 =	vsub.f32 v19, v39;
	v0 =	vmul.f32 s18, v49;
	s9 =	smul.f32 s23, s25  }
0x180: {  	[tilespmem:s16+$0xFFFFFFE0] =	vst v17;
	v12 =	vmul.f32 v12, v62;
	v3 =	vadd.f32 v3, v9;
	v5 =	vmul.f32 v5, v60;
	s2 =	smul.f32 s28, s2;
	s1 =	ssub.f32 $1.500000000e+00, s1  }
0x181: {  	[tilespmem:s16+$0xFFFFFFF0] =	vst v50;
	v0 =	vmul.f32 v0, v61;
	v8 =	vsub.f32 v25, v40;
	v24 =	vsub.f32 v24, v40;
	s26 =	smul.f32 s9, s19  }
0x182: {  	v43 =	vsub.f32 v26, v40;
	[tilespmem:s17+$0x50] =	vst v3;
	v5 =	vadd.f32 v5, v9;
	v3 =	vmul.f32 s2, v27;
	s1 =	smul.f32 s1, s13  }
0x183: {  	[tilespmem:s16+$0x20] =	vst v52;
	v0 =	vadd.f32 v0, v10;
	v56 =	vmul.f32 s2, v28;
	v4 =	vmul.f32 s2, v4  }
0x184: {  	v20 =	vsub.f32 v23, v40;
	[tilespmem:s16+$0x10] =	vst v5;
	s13 =	smul.f32 s26, s9;
	v3 =	vmul.f32 v3, v62;
	v5 =	vmul.f32 s1, v6  }
0x185: {  	[tilespmem:s17+$0x60] =	vst v0;
	v0 =	vmul.f32 v56, v60;
	v6 =	vadd.f32 v12, v63;
	v53 =	vmul.f32 s1, v16  }
0x186: {  	[tilespmem:s16+$0x30] =	vst v1;
	v54 =	vmul.f32 s1, v7;
	s29 =	ssub.f32 $1.500000000e+00, s13;
	v58 =	vadd.f32 v3, v63;
	v5 =	vmul.f32 v5, v62  }
0x187: {  	v0 =	vadd.f32 v0, v9;
	[tilespmem:s17+$0x40] =	vst v6;
	v6 =	vmul.f32 s1, v19;
	v7 =	vmul.f32 v53, v60  }
0x188: {  	v57 =	vmul.f32 s2, v59;
	v1 =	vmul.f32 v54, v61;
	s1 =	smul.f32 s29, s9;
	[tilespmem:s17+$0xFFFFFFC0] =	vst v58;
	v5 =	vadd.f32 v5, v63  }
0x189: {  	v4 =	vmul.f32 v4, v55;
	[tilespmem:s17+$0xFFFFFFD0] =	vst v0;
	v7 =	vadd.f32 v7, v9;
	v6 =	vmul.f32 v6, v55  }
0x18a: {  	v1 =	vadd.f32 v1, v10;
	v3 =	vmul.f32 s1, v24;
	v59 =	vmul.f32 s1, v20;
	[tilespmem:s17+$0xFFFFFF80] =	vst v5  }
0x18b: {  	v5 =	vadd.f32 v6, v11;
	[tilespmem:s17+$0xFFFFFF90] =	vst v7;
	v6 =	vmul.f32 s1, v8;
	v7 =	vmul.f32 v57, v61  }
0x18c: {  	v4 =	vadd.f32 v4, v11;
	v2 =	vmul.f32 s1, v43;
	[tilespmem:s17+$0xFFFFFFA0] =	vst v1;
	v3 =	vmul.f32 v3, v60  }
0x18d: {  	v1 =	vmul.f32 v59, v55;
	[tilespmem:s17+$0xFFFFFFB0] =	vst v5;
	v5 =	vmul.f32 v6, v62;
	v6 =	vadd.f32 v7, v10  }
0x18e: {  	[tilespmem:s17+$0xFFFFFFF0] =	vst v4;
	v3 =	vadd.f32 v3, v9  }
0x18f: {  	v62 =	vmul.f32 v2, v61;
	v1 =	vadd.f32 v1, v11;
	[tilespmem:s17+$0xFFFFFFE0] =	vst v6  }
0x190: {  	v63 =	vadd.f32 v5, v63;
	[tilespmem:s17+$0x10] =	vst v3  }
0x191: {  	v0 =	vadd.f32 v62, v10;
	[tilespmem:s17+$0x30] =	vst v1  }
0x192: {  	p1 =	seq.s32 s10, $0x3F;
	[tilespmem:s17+$0x0] =	vst v63  }
.Ltmp5:
0x193: {  	s30 =	sadd.s32 s5, s12;
	[tilespmem:s17+$0x20] =	vst v0;
	(pc) =	sbr.rel @p1 .LBB2_12-.Ltmp5, $3  }
0x194: {  	s1 =	smul.u32 $0x640, s30;
	v5 =	vld [tilespmem:$0x1FFE0];
	_ =	sdelay $0x1  }
0x195: {  	s31 =	simm.s32 $0x67A0;
	s1 =	sadd.s32 s4, s1  }
0x196: {  	[hbm4b:s1+s6] =	stream.linear.scatter [tilespmem:s31], [sflag:$0x3], $0x3200, $0x38;
	[tilespmem:$0x161A0] =	vst v63  }
0x197: {  	v3 =	vld [tilespmem:$0x1FFF0]  }
0x198: {  	v0 =	vld [tilespmem:s14+$0xFFFFFFF0]  }
0x199: {  	s1 =	simm.s32 $0x0;
	v1 =	vld [tilespmem:s14+$0x0]  }
0x19a: {  	v2 =	vor.u32 s1, v5;
	_ =	sdelay $0x1  }
0x19b: {  	s13 =	simm.s32 $0x20;
	v14 =	vor.u32 s1, v3  }
0x19c: {  	s2 =	smul.u32 $0x640, s10;
	s16 =	sadd.s32 $0x20, s14;
	v13 =	vor.u32 s13, v5  }
0x19d: {  	s18 =	simm.s32 $0x2;
	v12 =	vld [tilespmem:s16+$0xFFFFFFF0];
	v0 =	vshll.u32 v0, $0x1;
	v17 =	vshll.u32 v1, $0x1;
	v15 =	vor.u32 s13, v3  }
0x19e: {  	s17 =	simm.s32 $0x60;
	s19 =	simm.s32 $0x40;
	v16 =	vld [tilespmem:s16+$0x0];
	s9 =	sshra.s32 s2, $0x2;
	[tilespmem:v2+s15+$0x0] =	vst.idx.msk $0xffff, v0;
	v19 =	vor.u32 $0x1, v0;
	v18 =	vor.u32 $0x1, v17  }
.LBB2_10:
0x19f: {  	s18 =	sadd.s32 $0x2, s18  }
0x1a0: {  	v0 =	vor.u32 s19, v5;
	[tilespmem:v14+s15+$0x0] =	vst.idx.msk $0xffff, v19;
	p2 =	slt.u32 s18, $0xA  }
.Ltmp6:
0x1a1: {  	v14 =	vor.u32 s19, v3;
	v1 =	vor.u32 s17, v3;
	[tilespmem:v13+s15+$0x0] =	vst.idx.msk $0xffff, v17;
	v13 =	vor.u32 s17, v5;
	(pc) =	sbr.rel @p2 .LBB2_10-.Ltmp6, $4  }
0x1a2: {  	[tilespmem:v15+s15+$0x0] =	vst.idx.msk $0xffff, v18;
	v15 =	vmov v1  }
0x1a3: {  	s16 =	sadd.s32 $0x20, s16  }
0x1a4: {  	s17 =	sadd.s32 $0x40, s17;
	v1 =	vshll.u32 v12, $0x1;
	v12 =	vld [tilespmem:s16+$0xFFFFFFF0];
	v17 =	vshll.u32 v16, $0x1  }
0x1a5: {  	s19 =	sadd.s32 $0xFFFFFFE0, s17;
	v19 =	vor.u32 $0x1, v1;
	v16 =	vld [tilespmem:s16+$0x0];
	[tilespmem:v0+s15+$0x0] =	vst.idx.msk $0xffff, v1;
	v18 =	vor.u32 $0x1, v17  }
0x1a6: {  	_ =	sdelay $0x1  }
0x1a7: {  	v0 =	vor.u32 s19, v5  }
0x1a8: {  	v2 =	vor.u32 s17, v5  }
0x1a9: {  	v1 =	vor.u32 s19, v3;
	[tilespmem:v14+s15+$0x0] =	vst.idx.msk $0xffff, v19  }
0x1aa: {  	v59 =	vor.u32 s17, v3;
	[tilespmem:v13+s15+$0x0] =	vst.idx.msk $0xffff, v17  }
0x1ab: {  	[tilespmem:v15+s15+$0x0] =	vst.idx.msk $0xffff, v18;
	v4 =	vshll.u32 v12, $0x1  }
0x1ac: {  	v61 =	vshll.u32 v16, $0x1;
	[tilespmem:v0+s15+$0x0] =	vst.idx.msk $0xffff, v4  }
0x1ad: {  	v60 =	vor.u32 $0x1, v4;
	[tilespmem:v2+s15+$0x0] =	vst.idx.msk $0xffff, v61  }
0x1ae: {  	v62 =	vor.u32 $0x1, v61;
	[tilespmem:v1+s15+$0x0] =	vst.idx.msk $0xffff, v60  }
0x1af: {  	[tilespmem:v59+s15+$0x0] =	vst.idx.msk $0xffff, v62  }
0x1b0: {  	v1 =	vld [tilespmem:$0x1FFC0]  }
0x1b1: {  	v63 =	vld [tilespmem:$0x1FFD0]  }
0x1b2: {  	v0 =	vld [tilespmem:s9+$0x2C8];
	_ =	sdelay $0x4  }
0x1b3: {  	v0 =	vshll.u32 v0, $0x1  }
0x1b4: {  	[tilespmem:v1+s15+$0x0] =	vst.idx.msk $0xffff, v0;
	v0 =	vor.u32 $0x1, v0  }
0x1b5: {  	s1 =	simm.s32 $0xFDA0;
	[tilespmem:v63+s15+$0x0] =	vst.idx.msk $0xffff, v0  }
0x1b6: {  	[tilespmem:s1], [sflag:$0x1] =	stream.indirect.gather [hbm4b:s7+s11], $0x20, s15, s11, $0xb8;
	[tilespmem:$0x161A0] =	vst v63  }
0x1b7: {  	s26 =	simm.s32 $0x6500;
	s2 =	simm.s32 $0x10DA0  }
0x1b8: {  	[tilespmem:s2], [sflag:$0x1] =	stream.indirect.gather [hbm4b:s7+s11], $0x20, s26, s11, $0xb8;
	[tilespmem:$0x161A0] =	vst v63  }
0x1b9: {  	s28 =	simm.s32 $0x6580;
	s29 =	simm.s32 $0x11DA0  }
0x1ba: {  	[tilespmem:s29], [sflag:$0x1] =	stream.indirect.gather [hbm4b:s7+s11], $0x20, s28, s11, $0xb8;
	[tilespmem:$0x161A0] =	vst v63  }
0x1bb: {  	s30 =	simm.s32 $0x6600;
	s31 =	simm.s32 $0x12DA0  }
0x1bc: {  	[tilespmem:s31], [sflag:$0x1] =	stream.indirect.gather [hbm4b:s7+s21], $0x20, s30, s21, $0xb8;
	[tilespmem:$0x161A0] =	vst v63  }
.LBB2_12:
0x1bd: {  	_ =	swait.ge [sflag:s3], $0x1000  }
0x1be: {  	[sflag:s3] =	ssyncset.done $0x0  }
0x1bf: {  	[sflag:s3] =	ssyncadd.s32 $0xFFFFF000  }
0x1c0: {  	_ =	swait.ge [sflag:s3], $0x1000  }
0x1c1: {  	[sflag:s3] =	ssyncset.done $0x0  }
0x1c2: {  	[sflag:s3] =	ssyncadd.s32 $0xFFFFF000  }
0x1c3: {  	_ =	swait.ge [sflag:s3], $0x1000  }
0x1c4: {  	[sflag:s3] =	ssyncset.done $0x0  }
0x1c5: {  	[sflag:s3] =	ssyncadd.s32 $0xFFFFF000  }
0x1c6: {  	_ =	swait.ge [sflag:s3], $0x200  }
0x1c7: {  	[sflag:s3] =	ssyncset.done $0x0  }
0x1c8: {  	s1 =	simm.s32 @!p0 $0x4;
	[sflag:s3] =	ssyncadd.s32 $0xFFFFFE00  }
0x1c9: {  	_ =	swait.ge @!p0 [sflag:s1], $0x3200  }
0x1ca: {  	[sflag:s1] =	ssyncset.done @!p0 $0x0  }
0x1cb: {  	s9 =	simm.s32 $0x13020;
	[sflag:s1] =	ssyncadd.s32 @!p0 $0xFFFFCE00  }
0x1cc: {  	s2 =	simm.s32 $0xCC20;
	v0 =	vld [tilespmem:s9+$0x40]  }
0x1cd: {  	v1 =	vld [tilespmem:s2+$0x40]  }
0x1ce: {  	v2 =	vld [tilespmem:s9+$0x50]  }
0x1cf: {  	v3 =	vld [tilespmem:s2+$0x50]  }
0x1d0: {  	v4 =	vld [tilespmem:s9+$0x60]  }
0x1d1: {  	v5 =	vld [tilespmem:s2+$0x60]  }
0x1d2: {  	v6 =	vld [tilespmem:s9+$0x70]  }
0x1d3: {  	v7 =	vld [tilespmem:s2+$0x70]  }
0x1d4: {  	v8 =	vld [tilespmem:s2+$0xFFFFFF80]  }
0x1d5: {  	v17 =	vld [tilespmem:s9+$0xFFFFFF90]  }
0x1d6: {  	v18 =	vld [tilespmem:s2+$0xFFFFFF90]  }
0x1d7: {  	v14 =	vld [tilespmem:s9+$0xFFFFFFA0]  }
0x1d8: {  	v15 =	vld [tilespmem:s2+$0xFFFFFFA0]  }
0x1d9: {  	v46 =	vld [tilespmem:s9+$0xFFFFFFB0];
	v12 =	vadd.f32 v1, v0;
	v13 =	vadd.f32 v3, v2  }
0x1da: {  	v47 =	vld [tilespmem:s2+$0xFFFFFFB0];
	v16 =	vadd.f32 v5, v4;
	v19 =	vadd.f32 v7, v6  }
0x1db: {  	v49 =	vld [tilespmem:s9+$0xFFFFFFC0];
	v48 =	vmul.f32 v12, v12;
	v3 =	vmul.f32 v13, v13  }
0x1dc: {  	v50 =	vld [tilespmem:s2+$0xFFFFFFC0];
	v5 =	vmul.f32 v16, v16;
	v6 =	vmul.f32 v19, v19  }
0x1dd: {  	v22 =	vld [tilespmem:s9+$0xFFFFFFD0];
	v20 =	vadd.f32 v13, v12;
	v21 =	vadd.f32 v19, v16  }
0x1de: {  	v52 =	vld [tilespmem:s2+$0xFFFFFFD0];
	v2 =	vadd.f32 v3, v48;
	v51 =	vadd.f32 v6, v5  }
0x1df: {  	v54 =	vld [tilespmem:s2+$0xFFFFFFE0];
	v53 =	vadd.f32 v21, v20  }
0x1e0: {  	v55 =	vld [tilespmem:s9+$0xFFFFFFF0];
	v2 =	vadd.f32 v51, v2  }
0x1e1: {  	v56 =	vld [tilespmem:s2+$0xFFFFFFF0];
	(xrf2) =	vadd.scan.msk.f32 $0xffff, v53  }
0x1e2: {  	v21 =	vld [tilespmem:s9+$0xFFFFFFE0];
	(xrf2) =	vadd.scan.msk.f32 $0xffff, v2  }
0x1e3: {  	v23 =	vld [tilespmem:s9+$0x0]  }
0x1e4: {  	v24 =	vld [tilespmem:s2+$0x0];
	v15 =	vadd.f32 v15, v14  }
0x1e5: {  	v25 =	vld [tilespmem:s9+$0x10];
	v14 =	vadd.f32 v47, v46;
	v32 =	vadd.f32 v50, v49  }
0x1e6: {  	v57 =	vld [tilespmem:s2+$0x10];
	v30 =	vadd.f32 v52, v22;
	v35 =	vadd.f32 v56, v55  }
0x1e7: {  	v61 =	vld [tilespmem:s9+$0xFFFFFF80];
	v60 =	vadd.f32 v14, v15;
	v7 =	vmul.f32 v32, v32;
	v36 =	vadd.f32 v54, v21  }
0x1e8: {  	v26 =	vld [tilespmem:s2+$0x30];
	v62 =	vadd.f32 v30, v32;
	v20 =	vadd.f32 v18, v17;
	v17 =	vmul.f32 v30, v30  }
0x1e9: {  	v22 =	vld [tilespmem:s9+$0x30];
	v37 =	vmul.f32 v35, v35;
	v18 =	vadd.f32 v35, v36;
	v27 =	vmul.f32 v36, v36  }
0x1ea: {  	v58 =	vld [tilespmem:s9+$0x20];
	v42 =	vmul.f32 v15, v15;
	v43 =	vmul.f32 v14, v14;
	v63 =	vadd.f32 v17, v7  }
0x1eb: {  	v59 =	vld [tilespmem:s2+$0x20];
	v38 =	vadd.f32 v18, v62;
	v39 =	vadd.f32 v37, v27;
	v33, _, _ =	vpop (xrf2)  }
0x1ec: {  	v4 =	vadd.f32 v43, v42;
	(v2sf) =	vpush v33, $0xF;
	v34, _, _ =	vpop (xrf2)  }
0x1ed: {  	s16 =	simm.s32 $0x13120;
	v1 =	vadd.f32 v39, v63;
	(xrf2) =	vadd.scan.msk.f32 $0xffff, v38;
	(v2sf) =	vpush v34, $0xF  }
0x1ee: {  	s17 =	simm.s32 $0xCD20;
	v44 =	vld [tilespmem:s16+$0x40];
	v22 =	vadd.f32 v26, v22;
	v34 =	vadd.f32 v8, v61  }
0x1ef: {  	v47 =	vld [tilespmem:s17+$0x40];
	v17 =	vadd.f32 v24, v23;
	v21 =	vadd.f32 v57, v25;
	(xrf2) =	vadd.scan.msk.f32 $0xffff, v1  }
0x1f0: {  	v52 =	vld [tilespmem:s17+$0x60];
	v45 =	vmul.f32 v20, v20;
	v18 =	vadd.f32 v59, v58;
	v2 =	vadd.f32 v20, v34  }
0x1f1: {  	v55 =	vld [tilespmem:s17+$0xFFFFFF90];
	v49 =	vmul.f32 v17, v17;
	v40 =	vadd.f32 v21, v17;
	v46 =	vmul.f32 v34, v34  }
0x1f2: {  	v56 =	vld [tilespmem:s17+$0xFFFFFFD0];
	v50 =	vmul.f32 v21, v21;
	v41 =	vadd.f32 v22, v18;
	v2 =	vadd.f32 v60, v2  }
0x1f3: {  	v48 =	vld [tilespmem:s16+$0x50];
	v23 =	vmul.f32 v22, v22;
	v8 =	vmul.f32 v18, v18;
	v3 =	vadd.f32 v45, v46  }
0x1f4: {  	v26 =	vld [tilespmem:s16+$0xFFFFFFC0];
	v5 =	vadd.f32 v50, v49;
	v0 =	vadd.f32 v41, v40;
	(xrf2) =	vadd.scan.msk.f32 $0xffff, v2  }
0x1f5: {  	v51 =	vld [tilespmem:s17+$0x50];
	v53 =	vadd.f32 v23, v8;
	v3 =	vadd.f32 v4, v3  }
0x1f6: {  	v24 =	vld [tilespmem:s16+$0x60];
	(xrf2) =	vadd.scan.msk.f32 $0xffff, v0  }
0x1f7: {  	v54 =	vld [tilespmem:s17+$0x70];
	v5 =	vadd.f32 v53, v5;
	v8, _, _ =	vpop (xrf2);
	(xrf2) =	vadd.scan.msk.f32 $0xffff, v3  }
0x1f8: {  	v23 =	vld [tilespmem:s16+$0x70]  }
0x1f9: {  	v57 =	vld [tilespmem:s16+$0xFFFFFFE0];
	(v2sf) =	vpush v8, $0xF;
	v25, _, _ =	vpop (xrf2);
	(xrf2) =	vadd.scan.msk.f32 $0xffff, v5  }
0x1fa: {  	v27 =	vld [tilespmem:s17+$0xFFFFFFC0]  }
0x1fb: {  	v59 =	vld [tilespmem:s17+$0xFFFFFFE0];
	s13 =	spop (v2sf)  }
0x1fc: {  	v49 =	vadd.f32 v52, v24;
	v37 =	vld [tilespmem:s17+$0xFFFFFFF0];
	s9 =	smul.f32 $1.562500000e-02, s13;
	s18 =	spop (v2sf)  }
0x1fd: {  	v39 =	vld [tilespmem:s16+$0xFFFFFFB0];
	v29 =	vadd.f32 v54, v23;
	(v2sf) =	vpush v25, $0xF;
	s1 =	smul.f32 $1.562500000e-02, s18  }
0x1fe: {  	v42 =	vadd.f32 v47, v44;
	v50 =	vadd.f32 v51, v48;
	v63 =	vld [tilespmem:s17+$0xFFFFFFB0];
	s19 =	smul.f32 s9, s9;
	v25, _, _ =	vpop (xrf2)  }
0x1ff: {  	v24 =	vmul.f32 v49, v49;
	v38 =	vld [tilespmem:s16+$0xFFFFFFA0];
	v28 =	vmul.f32 v29, v29;
	(v2sf) =	vpush v25, $0xF  }
0x200: {  	v58 =	vmul.f32 v50, v50;
	v33 =	vld [tilespmem:s16+$0xFFFFFFF0];
	v31 =	vadd.f32 v27, v26;
	v25, _, _ =	vpop (xrf2);
	s1 =	ssub.f32 s1, s19  }
0x201: {  	v2 =	vmul.f32 v42, v42;
	v62 =	vadd.f32 v28, v24;
	v24 =	vld [tilespmem:s17+$0xFFFFFFA0];
	(v2sf) =	vpush v25, $0xF;
	v60, _, _ =	vpop (xrf2)  }
0x202: {  	v23 =	vadd.f32 v50, v42;
	v25 =	vld [tilespmem:s16+$0xFFFFFFD0];
	(v2sf) =	vpush v60, $0xF;
	s1 =	sadd.f32 $9.999999960e-13, s1  }
0x203: {  	v8 =	vld [tilespmem:s16+$0xFFFFFF90];
	v2 =	vadd.f32 v58, v2;
	v61 =	vadd.f32 v29, v49;
	v28, _, _ =	vpop (xrf2)  }
0x204: {  	(v2sf) =	vpush v28, $0xF;
	v28 =	vadd.f32 v59, v57;
	v57 =	vld [tilespmem:s16+$0x20];
	s20 =	sshrl.u32 s1, $0x1;
	s1 =	smul.f32 $5.000000000e-01, s1  }
0x205: {  	v26 =	vadd.f32 v63, v39;
	v6 =	vadd.f32 v61, v23;
	v59 =	vld [tilespmem:s17+$0x20];
	s2 =	ssub.s32 $0x5F3759DF, s20  }
0x206: {  	v7 =	vld [tilespmem:s17+$0xFFFFFF80];
	v2 =	vadd.f32 v62, v2;
	v24 =	vadd.f32 v24, v38;
	s13 =	smul.f32 s2, s1  }
0x207: {  	(xrf2) =	vadd.scan.msk.f32 $0xffff, v6;
	v27 =	vadd.f32 v56, v25;
	v25 =	vadd.f32 v37, v33;
	v33 =	vld [tilespmem:s16+$0xFFFFFF80]  }
0x208: {  	v54 =	vmul.f32 v31, v31;
	v23 =	vadd.f32 v55, v8;
	v61 =	vadd.f32 v26, v24;
	s18 =	spop (v2sf);
	s13 =	smul.f32 s2, s13  }
0x209: {  	v48 =	vld [tilespmem:s16+$0x0];
	v3 =	vmov s9;
	(xrf2) =	vadd.scan.msk.f32 $0xffff, v2;
	s18 =	smul.f32 $1.562500000e-02, s18;
	v52 =	vadd.f32 v27, v31;
	v53 =	vadd.f32 v25, v28  }
0x20a: {  	v51 =	vld [tilespmem:s17+$0x0];
	v43 =	vmul.f32 v28, v28;
	v8 =	vmul.f32 v27, v27;
	v47 =	vadd.f32 v59, v57;
	s13 =	ssub.f32 $1.500000000e+00, s13  }
0x20b: {  	v46 =	vld [tilespmem:s17+$0x30];
	v44 =	vmul.f32 v25, v25;
	v57 =	vsub.f32 v19, v3;
	s22 =	smul.f32 s18, s18;
	v4 =	vadd.f32 v53, v52  }
0x20c: {  	v62 =	vld [tilespmem:s16+$0x30];
	v63 =	vmov s18;
	v58 =	vadd.f32 v8, v54;
	v33 =	vadd.f32 v7, v33;
	s19 =	smul.f32 s2, s13;
	s23 =	spop (v2sf)  }
0x20d: {  	v55 =	vld [tilespmem:s16+$0x10];
	v60 =	vadd.f32 v44, v43;
	v45 =	vsub.f32 v32, v63;
	s13 =	smul.f32 $1.562500000e-02, s23  }
0x20e: {  	v56 =	vld [tilespmem:s17+$0x10];
	v32 =	vsub.f32 v30, v63;
	(xrf2) =	vadd.scan.msk.f32 $0xffff, v4;
	v8 =	vadd.f32 v23, v33;
	s1 =	smul.f32 s19, s1;
	s25 =	spop (v2sf)  }
0x20f: {  	v40 =	vsub.f32 v36, v63;
	v0 =	vadd.f32 v60, v58;
	s2 =	ssub.f32 s13, s22;
	s13 =	smul.f32 $1.562500000e-02, s25  }
0x210: {  	v43 =	vmul.f32 v24, v24;
	v30 =	vadd.f32 v51, v48;
	v4 =	vadd.f32 v61, v8;
	s20 =	spop (v2sf);
	s1 =	smul.f32 s1, s19  }
0x211: {  	v52 =	vmul.f32 v26, v26;
	v53 =	vmul.f32 v23, v23;
	v48 =	vadd.f32 v46, v62;
	v41, _, _ =	vpop (xrf2);
	(xrf2) =	vadd.scan.msk.f32 $0xffff, v0;
	s18 =	smul.f32 $1.562500000e-02, s20;
	s30 =	spop (v2sf)  }
0x212: {  	v46 =	vsub.f32 v35, v63;
	[tilespmem:$0x1FF00] =	vst v32;
	(v2sf) =	vpush v41, $0xF;
	(xrf2) =	vadd.scan.msk.f32 $0xffff, v4;
	s2 =	sadd.f32 $9.999999960e-13, s2;
	s26 =	smul.f32 s13, s13  }
0x213: {  	s9 =	simm.s32 $0xCE20;
	[tilespmem:$0x1FF10] =	vst v40;
	v32 =	vadd.f32 v56, v55;
	v55 =	vadd.f32 v48, v47;
	v58 =	vmul.f32 v47, v47;
	v51, _, _ =	vpop (xrf2);
	s17 =	smul.f32 $1.562500000e-02, s30;
	s31 =	spop (v2sf)  }
0x214: {  	v59 =	vmul.f32 v48, v48;
	v7 =	vld [tilespmem:s9+$0x40];
	v19 =	vmul.f32 v33, v33;
	(v2sf) =	vpush v51, $0xF;
	s20 =	smul.f32 s18, s18;
	s1 =	ssub.f32 $1.500000000e+00, s1  }
0x215: {  	v6 =	vld [tilespmem:s9+$0x50];
	v0 =	vadd.f32 v52, v43;
	v54 =	vadd.f32 v32, v30;
	v37 =	vmul.f32 v32, v32;
	s25 =	smul.f32 $1.562500000e-02, s31;
	s23 =	ssub.f32 s17, s26  }
0x216: {  	v60 =	vld [tilespmem:s9+$0x60];
	v8 =	vmul.f32 v30, v30;
	v1 =	vadd.f32 v53, v19;
	v4 =	vmov s13;
	s22 =	smul.f32 $5.000000000e-01, s2;
	s17 =	simm.s32 $0x13220;
	s2 =	sshrl.u32 s2, $0x1  }
0x217: {  	v5 =	vadd.f32 v55, v54;
	v54 =	vsub.f32 v20, v4;
	v20 =	vld [tilespmem:s9+$0x70];
	s16 =	smul.f32 s1, s19;
	s1 =	ssub.s32 $0x5F3759DF, s2;
	s13 =	sadd.f32 $9.999999960e-13, s23  }
0x218: {  	v61 =	vadd.f32 v59, v58;
	v8 =	vadd.f32 v37, v8;
	v2 =	vld [tilespmem:s17+$0x40];
	s25 =	ssub.f32 s25, s20;
	s19 =	smul.f32 s1, s22;
	v56, _, _ =	vpop (xrf2)  }
0x219: {  	v0 =	vadd.f32 v0, v1;
	v36 =	vld [tilespmem:s17+$0x50];
	(v2sf) =	vpush v56, $0xF;
	s26 =	sshrl.u32 s13, $0x1;
	s23 =	smul.f32 $5.000000000e-01, s13  }
0x21a: {  	v53 =	vsub.f32 v34, v4;
	v8 =	vadd.f32 v61, v8;
	v38 =	vmov s18;
	v19 =	vld [tilespmem:s17+$0x60];
	s30 =	smul.f32 s1, s19;
	s19 =	sadd.f32 $9.999999960e-13, s25;
	s13 =	ssub.s32 $0x5F3759DF, s26  }
0x21b: {  	v43 =	vsub.f32 v15, v4;
	v1 =	vsub.f32 v22, v38;
	v63 =	vld [tilespmem:s17+$0x70];
	v62, _, _ =	vpop (xrf2);
	s20 =	smul.f32 s13, s23  }
0x21c: {  	(xrf2) =	vadd.scan.msk.f32 $0xffff, v5;
	v56 =	vsub.f32 v14, v4;
	v4 =	vld [tilespmem:s9+$0xFFFFFF90];
	(v2sf) =	vpush v62, $0xF;
	s31 =	sshrl.u32 s19, $0x1;
	s26 =	smul.f32 $5.000000000e-01, s19;
	v37, _, _ =	vpop (xrf2)  }
0x21d: {  	s2 =	ssub.f32 $1.500000000e+00, s30;
	s25 =	ssub.s32 $0x5F3759DF, s31;
	(xrf2) =	vadd.scan.msk.f32 $0xffff, v0;
	v0 =	vld [tilespmem:s17+$0xFFFFFF90];
	s30 =	smul.f32 s13, s20;
	(v2sf) =	vpush v37, $0xF  }
0x21e: {  	v58 =	vsub.f32 v12, v3;
	v59 =	vsub.f32 v16, v3;
	s31 =	smul.f32 s25, s26;
	(xrf2) =	vadd.scan.msk.f32 $0xffff, v8;
	v8 =	vld [tilespmem:s17+$0xFFFFFFA0];
	[tilespmem:$0x1FF20] =	vst v1  }
0x21f: {  	v34 =	vsub.f32 v13, v3;
	v52 =	vsub.f32 v17, v38;
	s19 =	smul.f32 s1, s2;
	v1 =	vld [tilespmem:s9+$0xFFFFFFA0]  }
0x220: {  	v12 =	vadd.f32 v7, v2;
	v13 =	vadd.f32 v6, v36;
	v17 =	vld [tilespmem:s17+$0xFFFFFFB0];
	s30 =	ssub.f32 $1.500000000e+00, s30;
	s31 =	smul.f32 s25, s31  }
0x221: {  	v14 =	vadd.f32 v60, v19;
	v15 =	vadd.f32 v20, v63;
	v2 =	vld [tilespmem:s9+$0xFFFFFFB0];
	s2 =	smul.f32 s19, s22;
	s22 =	spop (v2sf)  }
0x222: {  	v44 =	vsub.f32 v21, v38;
	v40 =	vmul.f32 v12, v12;
	v41 =	vmul.f32 v13, v13;
	v5 =	vld [tilespmem:s17+$0xFFFFFFC0];
	s18 =	smul.f32 $1.562500000e-02, s22  }
0x223: {  	v51 =	vsub.f32 v18, v38;
	v55 =	vmul.f32 v14, v14;
	v16 =	vmul.f32 v15, v15;
	v21 =	vld [tilespmem:s9+$0xFFFFFFC0];
	s20 =	smul.f32 s13, s30;
	s30 =	spop (v2sf)  }
0x224: {  	v18 =	vadd.f32 v13, v12;
	v19 =	vadd.f32 v15, v14;
	v60 =	vld [tilespmem:s17+$0xFFFFFFD0];
	s1 =	ssub.f32 $1.500000000e+00, s31;
	s13 =	smul.f32 $1.562500000e-02, s30  }
0x225: {  	v61 =	vld [tilespmem:s9+$0xFFFFFFD0];
	v6 =	vadd.f32 v41, v40;
	v3 =	vadd.f32 v16, v55;
	s31 =	smul.f32 s18, s18  }
0x226: {  	v62 =	vld [tilespmem:s17+$0xFFFFFFE0];
	v18 =	vadd.f32 v19, v18;
	v39, _, _ =	vpop (xrf2);
	v16 =	vadd.f32 v4, v0;
	s25 =	smul.f32 s25, s1  }
0x227: {  	v63 =	vld [tilespmem:s9+$0xFFFFFFE0];
	(v2sf) =	vpush v39, $0xF;
	v39 =	vadd.f32 v3, v6;
	s30 =	smul.f32 s20, s23;
	s13 =	ssub.f32 s13, s31;
	v20, _, _ =	vpop (xrf2)  }
0x228: {  	v38 =	vld [tilespmem:s17+$0x20];
	s31 =	smul.f32 s25, s26;
	s26 =	spop (v2sf);
	(v2sf) =	vpush v20, $0xF;
	v19, _, _ =	vpop (xrf2);
	v20 =	vadd.f32 v1, v8  }
0x229: {  	v0 =	vld [tilespmem:s17+$0x0];
	s13 =	sadd.f32 $9.999999960e-13, s13;
	s23 =	smul.f32 $1.562500000e-02, s26;
	(v2sf) =	vpush v19, $0xF;
	v19 =	vadd.f32 v2, v17  }
0x22a: {  	v4 =	vld [tilespmem:s9+$0x10];
	(xrf2) =	vadd.scan.msk.f32 $0xffff, v18  }
0x22b: {  	v3 =	vld [tilespmem:s17+$0xFFFFFFF0];
	s1 =	smul.f32 s30, s20;
	s30 =	sshrl.u32 s13, $0x1;
	(xrf2) =	vadd.scan.msk.f32 $0xffff, v39;
	s28 =	spop (v2sf);
	v40 =	vmov s23;
	v8 =	vadd.f32 v19, v20  }
0x22c: {  	v1 =	vld [tilespmem:s9+$0xFFFFFFF0];
	s26 =	ssub.s32 $0x5F3759DF, s30;
	v41 =	vmul.f32 v20, v20;
	v18 =	vsub.f32 v27, v40;
	v27 =	vadd.f32 v21, v5;
	s30 =	spop (v2sf)  }
0x22d: {  	v6 =	vld [tilespmem:s9+$0x0];
	v22 =	vsub.f32 v31, v40;
	v17 =	vsub.f32 v28, v40;
	v31 =	vmul.f32 v19, v19;
	s30 =	smul.f32 $1.562500000e-02, s30  }
0x22e: {  	v5 =	vld [tilespmem:s17+$0x10];
	v21 =	vsub.f32 v25, v40;
	v28 =	vadd.f32 v61, v60;
	v25 =	vmul.f32 v27, v27  }
0x22f: {  	s2 =	smul.f32 s2, s19;
	v60 =	vld [tilespmem:s9+$0x20];
	v2 =	vadd.f32 v31, v41;
	v31 =	vadd.f32 v63, v62;
	v36 =	vmov s30  }
0x230: {  	s31 =	smul.f32 s31, s25;
	s1 =	ssub.f32 $1.500000000e+00, s1;
	v61 =	vld [tilespmem:s9+$0xFFFFFF80];
	v7 =	vadd.f32 v28, v27;
	v55 =	vmul.f32 v28, v28;
	v39 =	vsub.f32 v33, v36  }
0x231: {  	s2 =	ssub.f32 $1.500000000e+00, s2;
	s13 =	smul.f32 $5.000000000e-01, s13;
	v35 =	vsub.f32 v23, v36;
	v23 =	vld [tilespmem:s17+$0x30];
	v33 =	vadd.f32 v1, v3  }
0x232: {  	s22 =	smul.f32 s1, s20;
	v1 =	vadd.f32 v55, v25;
	v3 =	vld [tilespmem:s9+$0x30];
	v37 =	vsub.f32 v24, v36  }
0x233: {  	s20 =	smul.f32 s2, s19;
	v62 =	vld [tilespmem:s17+$0xFFFFFF80];
	v25 =	vadd.f32 v6, v0;
	v36 =	vsub.f32 v26, v36  }
0x234: {  	s1 =	ssub.f32 $1.500000000e+00, s31;
	s29 =	smul.f32 s26, s13;
	v24 =	vadd.f32 v4, v5;
	v4 =	vmul.f32 v31, v31;
	v26 =	vadd.f32 v60, v38;
	v40, _, _ =	vpop (xrf2)  }
0x235: {  	s23 =	smul.f32 s23, s23;
	v41 =	vadd.f32 v33, v31;
	(v2sf) =	vpush v40, $0xF;
	v55, _, _ =	vpop (xrf2);
	v63 =	vmul.f32 v33, v33  }
0x236: {  	s19 =	smul.f32 s1, s25;
	v40 =	vadd.f32 v24, v25;
	(v2sf) =	vpush v55, $0xF;
	v55 =	vmul.f32 v25, v25  }
0x237: {  	s25 =	smul.f32 $1.562500000e-02, s28;
	v5 =	vadd.f32 v41, v7;
	v41 =	vmul.f32 v24, v24;
	v23 =	vadd.f32 v3, v23  }
0x238: {  	s29 =	smul.f32 s26, s29;
	v38 =	vadd.f32 v61, v62;
	v4 =	vadd.f32 v63, v4  }
0x239: {  	s2 =	ssub.f32 s25, s23;
	v6 =	vmul.f32 v26, v26;
	v0 =	vadd.f32 v41, v55;
	v60 =	vadd.f32 v23, v26  }
0x23a: {  	s31 =	ssub.f32 $1.500000000e+00, s29;
	v3 =	vmul.f32 v38, v38;
	v1 =	vadd.f32 v4, v1;
	v55 =	vadd.f32 v16, v38  }
0x23b: {  	s2 =	sadd.f32 $9.999999960e-13, s2;
	s30 =	smul.f32 s30, s30;
	v62 =	vld [tilespmem:$0x1FFA0];
	v4 =	vmul.f32 v23, v23;
	v41 =	vadd.f32 v60, v40;
	v60 =	vmul.f32 v16, v16  }
0x23c: {  	s1 =	smul.f32 s26, s31;
	v40 =	vadd.f32 v8, v55;
	v55 =	vld [tilespmem:$0x1FF70]  }
0x23d: {  	s23 =	smul.f32 $5.000000000e-01, s2;
	v4 =	vadd.f32 v4, v6;
	v6 =	vadd.f32 v60, v3;
	v3 =	vld [tilespmem:$0x1FF90]  }
0x23e: {  	s26 =	spop (v2sf);
	s13 =	smul.f32 s1, s13;
	v63 =	vld [tilespmem:$0x1FFB0]  }
0x23f: {  	v58 =	vmul.f32 s16, v58;
	s17 =	smul.f32 $1.562500000e-02, s26  }
0x240: {  	v61 =	vmul.f32 s16, v34;
	s13 =	smul.f32 s13, s1;
	v7 =	vmul.f32 s16, v57  }
0x241: {  	s26 =	smul.f32 s17, s17;
	v57 =	vadd.f32 v4, v0;
	v4 =	vmul.f32 v58, v62  }
0x242: {  	s31 =	spop (v2sf);
	s13 =	ssub.f32 $1.500000000e+00, s13;
	(xrf2) =	vadd.scan.msk.f32 $0xffff, v5;
	v7 =	vmul.f32 v7, v55;
	v5 =	vmul.f32 v61, v3;
	v61 =	vld [tilespmem:$0x1FF80]  }
0x243: {  	s28 =	smul.f32 $1.562500000e-02, s31;
	v4 =	vadd.f32 v4, v63  }
0x244: {  	s25 =	smul.f32 s13, s1;
	v60 =	vmov s18;
	v0 =	vmov s17;
	s17 =	simm.s32 $0x9A20;
	v7 =	vadd.f32 v7, v11  }
0x245: {  	v59 =	vmul.f32 s16, v59;
	s16 =	ssub.f32 s28, s30;
	s30 =	spop (v2sf);
	v58 =	vsub.f32 v29, v60;
	[tilespmem:s17+$0x40] =	vst v4  }
0x246: {  	s2 =	sshrl.u32 s2, $0x1;
	s31 =	smul.f32 $1.562500000e-02, s30;
	v34 =	vsub.f32 v30, v0;
	v32 =	vsub.f32 v32, v0;
	[tilespmem:s17+$0x70] =	vst v7  }
0x247: {  	s1 =	ssub.s32 $0x5F3759DF, s2;
	s18 =	sadd.f32 $9.999999960e-13, s16;
	v30 =	vsub.f32 v47, v0;
	v29 =	vsub.f32 v48, v0;
	v4 =	vld [tilespmem:$0x1FF00];
	v0 =	vmul.f32 v59, v61  }
0x248: {  	s30 =	smul.f32 s1, s23;
	s31 =	ssub.f32 s31, s26;
	v59 =	vmul.f32 s22, v54;
	v54 =	vmul.f32 s25, v58  }
0x249: {  	s26 =	sshrl.u32 s18, $0x1;
	s2 =	smul.f32 $5.000000000e-01, s18  }
0x24a: {  	s13 =	smul.f32 s1, s30;
	s18 =	ssub.s32 $0x5F3759DF, s26;
	s16 =	sadd.f32 $9.999999960e-13, s31;
	v5 =	vadd.f32 v5, v9;
	v47 =	vld [tilespmem:$0x1FF10];
	v58 =	vmul.f32 s22, v56;
	v56 =	vmul.f32 v54, v55  }
0x24b: {  	v46 =	vmul.f32 s20, v46;
	s30 =	smul.f32 s18, s2;
	v0 =	vadd.f32 v0, v10  }
0x24c: {  	v8 =	vmul.f32 s22, v43;
	s13 =	ssub.f32 $1.500000000e+00, s13;
	s28 =	sshrl.u32 s16, $0x1;
	s26 =	smul.f32 $5.000000000e-01, s16;
	[tilespmem:s17+$0x50] =	vst v5;
	v43 =	vmul.f32 s20, v4;
	v4 =	vadd.f32 v56, v11  }
0x24d: {  	v48 =	vmul.f32 s22, v53;
	v53 =	vmul.f32 s19, v44;
	s16 =	simm.s32 $0x9B20;
	s22 =	smul.f32 s18, s30;
	s30 =	ssub.s32 $0x5F3759DF, s28;
	[tilespmem:s17+$0x60] =	vst v0  }
0x24e: {  	(xrf2) =	vadd.scan.msk.f32 $0xffff, v1;
	v7 =	vmul.f32 s20, v45;
	v45 =	vmul.f32 s19, v52;
	s28 =	smul.f32 s30, s26;
	[tilespmem:s16+$0x70] =	vst v4  }
0x24f: {  	v52 =	vmul.f32 s19, v51;
	v51 =	vsub.f32 v42, v60;
	s22 =	ssub.f32 $1.500000000e+00, s22;
	v47 =	vmul.f32 s20, v47;
	s20 =	smul.f32 s1, s13;
	v42 =	vld [tilespmem:$0x1FF20]  }
0x250: {  	(xrf2) =	vadd.scan.msk.f32 $0xffff, v40;
	v1 =	vsub.f32 v49, v60;
	s31 =	smul.f32 s30, s28;
	v56 =	vadd.f32 v2, v6;
	v2 =	vmul.f32 v48, v62  }
0x251: {  	v49 =	vmul.f32 s25, v51;
	v40 =	vmul.f32 v8, v61;
	s22 =	smul.f32 s18, s22;
	v4 =	vsub.f32 v50, v60;
	v60 =	vmovc v3  }
0x252: {  	v44, _, _ =	vpop (xrf2);
	v48 =	vmul.f32 v7, v62;
	s28 =	smul.f32 s20, s23;
	s1 =	ssub.f32 $1.500000000e+00, s31;
	v5 =	vmul.f32 v59, v60;
	v59 =	vadd.f32 v2, v63  }
0x253: {  	s12 =	sor.u32 $0x1, s12;
	(xrf2) =	vadd.scan.msk.f32 $0xffff, v41;
	(v2sf) =	vpush v44, $0xF;
	s18 =	simm.s32 $0x8;
	s29 =	smul.f32 s22, s2;
	v50 =	vmul.f32 v58, v55;
	v44 =	vmul.f32 s25, v4  }
0x254: {  	s23 =	spop (v2sf);
	[tilespmem:s17+$0xFFFFFF80] =	vst v59;
	v41 =	vadd.f32 v5, v9;
	v54 =	vmul.f32 s19, v42;
	v42 =	vmul.f32 s25, v1;
	s19 =	simm.s32 $0x13320;
	s25 =	smul.f32 s30, s1  }
.LBB2_13:
0x255: {  	v0 =	vld [tilespmem:s19+$0x40];
	s9 =	sadd.s32 $0x100, s9  }
0x256: {  	v4 =	vld [tilespmem:s9+$0x40]  }
0x257: {  	s23 =	smul.f32 $1.562500000e-02, s23;
	v2 =	vmul.f32 v43, v60;
	v3 =	vmul.f32 v47, v61;
	v1 =	vadd.f32 v40, v10;
	v40 =	vmovc v14;
	v14 =	vld [tilespmem:s19+$0x50]  }
0x258: {  	(xrf2) =	vadd.scan.msk.f32 $0xffff, v56;
	v7 =	vmul.f32 v46, v55;
	v8 =	vmul.f32 v45, v62;
	v6 =	vadd.f32 v50, v11;
	v43 =	vld [tilespmem:s9+$0x50];
	v5, _, _ =	vpop (xrf2)  }
0x259: {  	v59 =	vmul.f32 v53, v60;
	[tilespmem:s17+$0xFFFFFF90] =	vst v41;
	v53 =	vadd.f32 v48, v63;
	v48 =	vld [tilespmem:s19+$0x60];
	s2 =	smul.f32 s23, s23;
	s1 =	spop (v2sf);
	(v2sf) =	vpush v5, $0xF  }
0x25a: {  	v41 =	vmul.f32 v52, v61;
	v52 =	vmul.f32 v49, v62;
	v49 =	vld [tilespmem:s9+$0x60];
	v2 =	vadd.f32 v2, v9;
	[tilespmem:s17+$0xFFFFFFA0] =	vst v1;
	v56, _, _ =	vpop (xrf2);
	s1 =	smul.f32 $1.562500000e-02, s1  }
0x25b: {  	(xrf2) =	vadd.scan.msk.f32 $0xffff, v57;
	v57 =	vadd.f32 v7, v11;
	v7 =	vld [tilespmem:s19+$0x70];
	[tilespmem:s17+$0xFFFFFFB0] =	vst v6;
	(v2sf) =	vpush v56, $0xF  }
0x25c: {  	v55 =	vmul.f32 v54, v55;
	s13 =	smul.f32 s25, s26;
	v3 =	vadd.f32 v3, v10;
	v58 =	vadd.f32 v8, v63;
	v8 =	vld [tilespmem:s9+$0x70];
	[tilespmem:s17+$0xFFFFFFC0] =	vst v53;
	s1 =	ssub.f32 s1, s2  }
0x25d: {  	v44 =	vmul.f32 v44, v60;
	s30 =	smul.f32 s28, s20;
	v59 =	vadd.f32 v59, v9;
	[tilespmem:s17+$0xFFFFFFD0] =	vst v2;
	v54 =	vld [tilespmem:s19+$0xFFFFFF90]  }
0x25e: {  	s26 =	smul.f32 s29, s22;
	v42 =	vmul.f32 v42, v61;
	v62 =	vadd.f32 v55, v11;
	v60 =	vadd.f32 v41, v10;
	[tilespmem:s17+$0xFFFFFFE0] =	vst v3;
	v1 =	vld [tilespmem:s19+$0xFFFFFFA0];
	s1 =	sadd.f32 $9.999999960e-13, s1  }
0x25f: {  	s13 =	smul.f32 s13, s25;
	s31 =	ssub.f32 $1.500000000e+00, s30;
	v46 =	vadd.f32 v52, v63;
	v55 =	vadd.f32 v44, v9;
	[tilespmem:s17+$0xFFFFFFF0] =	vst v57;
	v5 =	vld [tilespmem:s19+$0xFFFFFFB0]  }
0x260: {  	v51 =	vadd.f32 v42, v10;
	[tilespmem:s17+$0x0] =	vst v58;
	v56 =	vld [tilespmem:s9+$0xFFFFFF90];
	v42 =	vadd.f32 v4, v0;
	v61, _, _ =	vpop (xrf2);
	s29 =	sshrl.u32 s1, $0x1;
	s28 =	smul.f32 $5.000000000e-01, s1  }
0x261: {  	[tilespmem:s17+$0x10] =	vst v59;
	s20 =	smul.f32 s31, s20;
	v41 =	vadd.f32 v43, v14;
	v0 =	vld [tilespmem:s9+$0xFFFFFFB0];
	s2 =	ssub.f32 $1.500000000e+00, s26;
	(v2sf) =	vpush v61, $0xF;
	s29 =	ssub.s32 $0x5F3759DF, s29  }
0x262: {  	v2 =	vld [tilespmem:s9+$0xFFFFFFA0];
	[tilespmem:s17+$0x20] =	vst v60;
	v14 =	vadd.f32 v49, v48;
	v4 =	vadd.f32 v8, v7;
	s30 =	smul.f32 s29, s28  }
0x263: {  	s13 =	ssub.f32 $1.500000000e+00, s13;
	[tilespmem:s16+$0x40] =	vst v46;
	v46 =	vld [tilespmem:s19+$0xFFFFFFC0];
	v58 =	vadd.f32 v41, v42;
	v8 =	vmul.f32 v42, v42;
	v60 =	vmul.f32 v41, v41;
	v57, _, _ =	vpop (xrf2);
	s26 =	smul.f32 s2, s22  }
0x264: {  	[tilespmem:s17+$0x30] =	vst v62;
	v50 =	vld [tilespmem:s9+$0xFFFFFFC0];
	v62 =	vmul.f32 v14, v14;
	v59 =	vadd.f32 v4, v14;
	(v2sf) =	vpush v57, $0xF;
	s2 =	smul.f32 s29, s30;
	s30 =	spop (v2sf)  }
0x265: {  	v8 =	vadd.f32 v60, v8;
	v6 =	vadd.f32 v56, v54;
	v56 =	vmul.f32 v4, v4;
	v57 =	vld [tilespmem:s19+$0xFFFFFFD0];
	s31 =	smul.f32 $1.562500000e-02, s30  }
0x266: {  	s22 =	smul.f32 s13, s25;
	v3 =	vadd.f32 v59, v58;
	v59 =	vld [tilespmem:s9+$0xFFFFFFD0];
	v0 =	vadd.f32 v0, v5;
	v61, _, _ =	vpop (xrf2);
	s2 =	ssub.f32 $1.500000000e+00, s2  }
0x267: {  	[tilespmem:s16+$0x50] =	vst v55;
	v5 =	vld [tilespmem:s19+$0xFFFFFFE0];
	v58 =	vadd.f32 v56, v62;
	(v2sf) =	vpush v61, $0xF;
	s1 =	smul.f32 s31, s31  }
0x268: {  	[tilespmem:s16+$0x60] =	vst v51;
	v55 =	vmov s23;
	v1 =	vadd.f32 v2, v1;
	v62 =	vld [tilespmem:s9+$0xFFFFFFE0];
	s2 =	smul.f32 s29, s2;
	s25 =	spop (v2sf)  }
0x269: {  	v51 =	vmul.f32 s20, v22;
	v44 =	vmul.f32 s26, v39;
	(xrf2) =	vadd.scan.msk.f32 $0xffff, v3;
	v3 =	vld [tilespmem:s19+$0x0];
	v8 =	vadd.f32 v58, v8;
	s13 =	smul.f32 $1.562500000e-02, s25  }
0x26a: {  	v48 =	vmul.f32 s26, v37;
	v54 =	vadd.f32 v0, v1;
	v58 =	vld [tilespmem:s9+$0x10];
	v7 =	vmov s31;
	s31 =	spop (v2sf);
	s30 =	smul.f32 s2, s28  }
0x26b: {  	v61 =	vmul.f32 v1, v1;
	(xrf2) =	vadd.scan.msk.f32 $0xffff, v8;
	v8 =	vld [tilespmem:s9+$0xFFFFFFF0];
	v60 =	vsub.f32 v27, v7;
	v47 =	vsub.f32 v28, v7;
	s1 =	ssub.f32 s13, s1;
	s13 =	smul.f32 $1.562500000e-02, s31  }
0x26c: {  	v53 =	vsub.f32 v31, v7;
	v31 =	vmul.f32 v0, v0;
	v27 =	vadd.f32 v50, v46;
	v46 =	vld [tilespmem:s19+$0xFFFFFFF0];
	s25 =	smul.f32 s30, s2  }
0x26d: {  	v7 =	vsub.f32 v33, v7;
	v50 =	vmul.f32 s26, v36;
	v28 =	vadd.f32 v59, v57;
	v36 =	vld [tilespmem:s9+$0x0]  }
0x26e: {  	v57 =	vld [tilespmem:s19+$0x10];
	v2 =	vmul.f32 v27, v27;
	v56 =	vadd.f32 v31, v61;
	v43 =	vmov s13;
	s25 =	ssub.f32 $1.500000000e+00, s25  }
0x26f: {  	v22 =	vmovc v60;
	v60 =	vsub.f32 v15, v55;
	v61 =	vmul.f32 v28, v28;
	s1 =	sadd.f32 $9.999999960e-13, s1;
	s13 =	smul.f32 s13, s13;
	v37 =	vsub.f32 v20, v43;
	v20 =	vld [tilespmem:$0x1FF70]  }
0x270: {  	v49 =	vmul.f32 s26, v35;
	v15 =	vmovc v4;
	v31 =	vadd.f32 v62, v5;
	v4 =	vadd.f32 v28, v27;
	s30 =	spop (v2sf);
	s23 =	smul.f32 s25, s2  }
0x271: {  	v52 =	vmul.f32 v6, v6;
	v5 =	vld [tilespmem:s19+$0x20];
	v2 =	vadd.f32 v61, v2;
	v33 =	vadd.f32 v8, v46;
	s2 =	smul.f32 $1.562500000e-02, s30  }
0x272: {  	v8 =	vld [tilespmem:s9+$0x20];
	v3 =	vadd.f32 v36, v3;
	v35 =	vsub.f32 v16, v43;
	s25 =	smul.f32 $5.000000000e-01, s1;
	v62 =	vmul.f32 s23, v60  }
0x273: {  	v45 =	vld [tilespmem:s9+$0xFFFFFF80];
	v16 =	vmovc v6;
	v6 =	vmul.f32 v31, v31;
	s31 =	sshrl.u32 s1, $0x1;
	v61 =	vmul.f32 v33, v33;
	s26 =	smul.f32 s2, s2;
	v59 =	vmov s2;
	s2 =	spop (v2sf)  }
0x274: {  	v57 =	vadd.f32 v58, v57;
	v39 =	vsub.f32 v38, v43;
	s28 =	ssub.s32 $0x5F3759DF, s31;
	s1 =	smul.f32 $1.562500000e-02, s2;
	v38 =	vmul.f32 v62, v20;
	v62 =	vld [tilespmem:s19+$0x30]  }
0x275: {  	v46, _, _ =	vpop (xrf2);
	v36 =	vsub.f32 v19, v43;
	v6 =	vadd.f32 v61, v6;
	s30 =	smul.f32 s28, s25;
	v20 =	vmov v1;
	v1 =	vld [tilespmem:s9+$0x30]  }
0x276: {  	v43 =	vmul.f32 s20, v18;
	v19 =	vmovc v0;
	v0 =	vld [tilespmem:s19+$0xFFFFFF80];
	v60 =	vadd.f32 v33, v31;
	(v2sf) =	vpush v46, $0xF;
	s31 =	spop (v2sf);
	s1 =	ssub.f32 s1, s13  }
0x277: {  	s17 =	smov.u32 s16;
	v18 =	vmovc v47;
	v47 =	vmul.f32 s20, v17;
	v5 =	vadd.f32 v8, v5;
	s13 =	smul.f32 $1.562500000e-02, s31;
	v38 =	vadd.f32 v38, v11  }
0x278: {  	s16 =	sadd.s32 $0x100, s16;
	v58 =	vmul.f32 v3, v3;
	v46, _, _ =	vpop (xrf2);
	v8 =	vadd.f32 v57, v3;
	v4 =	vadd.f32 v60, v4;
	s2 =	smul.f32 s28, s30;
	s1 =	sadd.f32 $9.999999960e-13, s1  }
0x279: {  	v17 =	vmovc v53;
	(v2sf) =	vpush v46, $0xF;
	v53 =	vsub.f32 v25, v59;
	s13 =	ssub.f32 s13, s26;
	[tilespmem:s16+$0x70] =	vst v38;
	v38 =	vmul.f32 v57, v57  }
0x27a: {  	v46 =	vmul.f32 s20, v21;
	(xrf2) =	vadd.scan.msk.f32 $0xffff, v4;
	v4 =	vsub.f32 v24, v59;
	v1 =	vadd.f32 v1, v62;
	s30 =	sshrl.u32 s1, $0x1;
	s29 =	smul.f32 $5.000000000e-01, s1;
	s1 =	ssub.f32 $1.500000000e+00, s2  }
0x27b: {  	v21 =	vmovc v7;
	v7 =	vmul.f32 v5, v5;
	s13 =	sadd.f32 $9.999999960e-13, s13;
	v58 =	vadd.f32 v38, v58;
	v38 =	vadd.f32 v45, v0;
	s2 =	ssub.s32 $0x5F3759DF, s30  }
0x27c: {  	v62 =	vld [tilespmem:$0x1FFA0];
	v0 =	vadd.f32 v6, v2;
	v45 =	vmul.f32 s22, v34;
	v34 =	vmovc v53;
	v53 =	vmul.f32 v1, v1;
	s20 =	smul.f32 s2, s29  }
0x27d: {  	v24 =	vmovc v57;
	v2 =	vadd.f32 v1, v5;
	s31 =	sshrl.u32 s13, $0x1;
	s26 =	smul.f32 $5.000000000e-01, s13;
	v6 =	vadd.f32 v16, v38;
	v57 =	vmul.f32 v38, v38  }
0x27e: {  	v25 =	vmovc v3;
	v60 =	vld [tilespmem:$0x1FF90];
	(xrf2) =	vadd.scan.msk.f32 $0xffff, v0;
	v0 =	vsub.f32 v26, v59;
	s30 =	ssub.s32 $0x5F3759DF, s31;
	v3 =	vadd.f32 v53, v7;
	s20 =	smul.f32 s2, s20;
	v53 =	vmul.f32 s22, v32  }
0x27f: {  	v61 =	vld [tilespmem:$0x1FF80];
	v26 =	vmovc v5;
	v32 =	vmovc v4;
	s31 =	smul.f32 s30, s26;
	v4 =	vadd.f32 v54, v6;
	v5 =	vadd.f32 v52, v57;
	v52 =	vmul.f32 s22, v30  }
0x280: {  	s18 =	sadd.s32 $0x4, s18;
	v30 =	vmovc v0;
	v54 =	vmul.f32 s22, v29;
	v29 =	vsub.f32 v23, v59;
	v0 =	vsub.f32 v12, v55;
	s13 =	ssub.f32 $1.500000000e+00, s20;
	s20 =	smul.f32 s28, s1  }
0x281: {  	p0 =	slt.u32 s18, $0xC4;
	v59 =	vmul.f32 v44, v62;
	v44 =	vsub.f32 v13, v55;
	s31 =	smul.f32 s30, s31;
	(xrf2) =	vadd.scan.msk.f32 $0xffff, v4;
	v4 =	vsub.f32 v40, v55;
	v55 =	vld [tilespmem:$0x1FF70]  }
.Ltmp7:
0x282: {  	v2 =	vadd.f32 v2, v8;
	(pc) =	sbr.rel @p0 .LBB2_13-.Ltmp7, $4  }
0x283: {  	v23 =	vmovc v1;
	v57 =	vadd.f32 v3, v58;
	v56 =	vadd.f32 v56, v5;
	v5 =	vmul.f32 v49, v60;
	s22 =	smul.f32 s2, s13  }
0x284: {  	v58, _, _ =	vpop (xrf2);
	v49 =	vmul.f32 s23, v0;
	v59 =	vadd.f32 v59, v63;
	v40 =	vmul.f32 v48, v61;
	s28 =	smul.f32 s20, s25;
	s1 =	ssub.f32 $1.500000000e+00, s31  }
0x285: {  	v12 =	vmovc v42;
	v44 =	vmul.f32 s23, v44;
	v48 =	vmul.f32 v51, v62;
	(v2sf) =	vpush v58, $0xF;
	(xrf2) =	vadd.scan.msk.f32 $0xffff, v2;
	s29 =	smul.f32 s22, s29  }
0x286: {  	s19 =	sadd.s32 $0x100, s19;
	v13 =	vmovc v41;
	v42 =	vmul.f32 s23, v4;
	s23 =	spop (v2sf);
	[tilespmem:s17+$0xFFFFFF80] =	vst v59;
	v41 =	vadd.f32 v5, v9;
	s25 =	smul.f32 s30, s1;
	v50 =	vmul.f32 v50, v55  }
0x287: {  	_ = 	snop  }
0x288: {  	(xrf2) =	vadd.scan.msk.f32 $0xffff, v56;
	s23 =	smul.f32 $1.562500000e-02, s23;
	s1 =	spop (v2sf)  }
0x289: {  	s1 =	smul.f32 $1.562500000e-02, s1  }
0x28a: {  	v0, _, _ =	vpop (xrf2);
	s2 =	smul.f32 s23, s23  }
0x28b: {  	(xrf2) =	vadd.scan.msk.f32 $0xffff, v57;
	(v2sf) =	vpush v0, $0xF  }
0x28c: {  	s9 =	smul.f32 s29, s22;
	v4, _, _ =	vpop (xrf2);
	s1 =	ssub.f32 s1, s2  }
0x28d: {  	s26 =	smul.f32 s25, s26;
	(v2sf) =	vpush v4, $0xF  }
0x28e: {  	s13 =	smul.f32 s28, s20;
	s1 =	sadd.f32 $9.999999960e-13, s1  }
0x28f: {  	s9 =	ssub.f32 $1.500000000e+00, s9;
	s2 =	smul.f32 s26, s25  }
0x290: {  	s18 =	sshrl.u32 s1, $0x1;
	s1 =	smul.f32 $5.000000000e-01, s1  }
0x291: {  	s22 =	smul.f32 s9, s22;
	s2 =	ssub.f32 $1.500000000e+00, s2;
	v5, _, _ =	vpop (xrf2);
	s18 =	ssub.s32 $0x5F3759DF, s18  }
0x292: {  	(v2sf) =	vpush v5, $0xF;
	v6, _, _ =	vpop (xrf2);
	s19 =	smul.f32 s18, s1  }
0x293: {  	s13 =	ssub.f32 $1.500000000e+00, s13;
	s9 =	smul.f32 s2, s25;
	(v2sf) =	vpush v6, $0xF  }
0x294: {  	s30 =	smul.f32 s18, s19  }
0x295: {  	v7, _, _ =	vpop (xrf2);
	s19 =	smul.f32 s13, s20  }
0x296: {  	s31 =	spop (v2sf);
	(v2sf) =	vpush v7, $0xF;
	s26 =	ssub.f32 $1.500000000e+00, s30  }
0x297: {  	s13 =	smul.f32 $1.562500000e-02, s31  }
0x298: {  	s2 =	smul.f32 s18, s26  }
0x299: {  	s18 =	smul.f32 s13, s13  }
0x29a: {  	s28 =	spop (v2sf);
	s1 =	smul.f32 s2, s1  }
0x29b: {  	v51 =	vmul.f32 v43, v60;
	v1 =	vmul.f32 v47, v61;
	s20 =	smul.f32 $1.562500000e-02, s28  }
0x29c: {  	v3 =	vmul.f32 v46, v55;
	v8 =	vmul.f32 v49, v62;
	s29 =	spop (v2sf);
	s1 =	smul.f32 s1, s2  }
0x29d: {  	v2 =	vadd.f32 v40, v10;
	v54 =	vmul.f32 v54, v55;
	v56 =	vmul.f32 v44, v60;
	s20 =	ssub.f32 s20, s18;
	s25 =	smul.f32 $1.562500000e-02, s29  }
0x29e: {  	v57 =	vmul.f32 v42, v61;
	v0 =	vadd.f32 v51, v9;
	v1 =	vadd.f32 v1, v10;
	s1 =	ssub.f32 $1.500000000e+00, s1  }
0x29f: {  	v3 =	vadd.f32 v3, v11;
	v8 =	vadd.f32 v8, v63;
	v59 =	vmov s13;
	s13 =	sadd.f32 $9.999999960e-13, s20;
	s30 =	smul.f32 s25, s25  }
0x2a0: {  	[tilespmem:s17+$0xFFFFFF90] =	vst v41;
	v58 =	vadd.f32 v54, v11;
	v41 =	vadd.f32 v56, v9;
	v42 =	vmov s23;
	s18 =	smul.f32 s1, s2  }
0x2a1: {  	[tilespmem:s17+$0xFFFFFFA0] =	vst v2;
	v2 =	vadd.f32 v57, v10;
	v4 =	vmul.f32 v45, v62;
	v44 =	vmul.f32 s22, v39;
	s26 =	spop (v2sf);
	s20 =	smul.f32 $5.000000000e-01, s13  }
0x2a2: {  	v12 =	vsub.f32 v12, v42;
	[tilespmem:s17+$0xFFFFFFD0] =	vst v0;
	v46 =	vmul.f32 s22, v35;
	v47 =	vmul.f32 s22, v37;
	s26 =	smul.f32 $1.562500000e-02, s26;
	s31 =	spop (v2sf)  }
0x2a3: {  	[tilespmem:s17+$0xFFFFFFE0] =	vst v1;
	v45 =	vsub.f32 v15, v42;
	v4 =	vadd.f32 v4, v63;
	v0 =	vmul.f32 v44, v62;
	s29 =	smul.f32 $1.562500000e-02, s31  }
0x2a4: {  	[tilespmem:s17+$0x30] =	vst v58;
	v1 =	vmul.f32 v46, v60;
	v58 =	vmul.f32 v47, v61;
	v5 =	vadd.f32 v50, v11;
	s23 =	smul.f32 s26, s26  }
0x2a5: {  	v56 =	vmul.f32 s9, v34;
	v0 =	vadd.f32 v0, v63;
	v30 =	vmul.f32 s9, v30;
	s28 =	spop (v2sf);
	s2 =	ssub.f32 s29, s30  }
0x2a6: {  	[tilespmem:s17+$0xFFFFFFF0] =	vst v3;
	v1 =	vadd.f32 v1, v9;
	v35 =	vmul.f32 s9, v29;
	v6 =	vmul.f32 v53, v60;
	s29 =	smul.f32 $1.562500000e-02, s28;
	s30 =	sshrl.u32 s13, $0x1  }
0x2a7: {  	[tilespmem:s16+$0x40] =	vst v8;
	v53 =	vadd.f32 v48, v63;
	v48 =	vmul.f32 s22, v36;
	v37 =	vmul.f32 v56, v62;
	s22 =	ssub.s32 $0x5F3759DF, s30;
	s1 =	sadd.f32 $9.999999960e-13, s2  }
0x2a8: {  	[tilespmem:s16+$0xFFFFFF90] =	vst v1;
	v40 =	vmul.f32 v30, v61;
	v1 =	vmul.f32 v35, v55;
	v50 =	vmov s25;
	s25 =	ssub.f32 s29, s23;
	s30 =	smul.f32 s22, s20  }
0x2a9: {  	[tilespmem:s16+$0x50] =	vst v41;
	v34 =	vadd.f32 v58, v10;
	v7 =	vmul.f32 v52, v61;
	v3 =	vmul.f32 v48, v55;
	s31 =	sshrl.u32 s1, $0x1;
	s1 =	smul.f32 $5.000000000e-01, s1  }
0x2aa: {  	[tilespmem:s16+$0x60] =	vst v2;
	v36 =	vsub.f32 v13, v42;
	v22 =	vmul.f32 s19, v22;
	v18 =	vmul.f32 s19, v18;
	s2 =	sadd.f32 $9.999999960e-13, s25;
	s28 =	smul.f32 s22, s30;
	s13 =	ssub.s32 $0x5F3759DF, s31  }
0x2ab: {  	[tilespmem:s17+$0x0] =	vst v4;
	v6 =	vadd.f32 v6, v9;
	v17 =	vmul.f32 s19, v17;
	v21 =	vmul.f32 s19, v21;
	s29 =	smul.f32 s13, s1  }
0x2ac: {  	[tilespmem:s17+$0xFFFFFFC0] =	vst v53;
	v13 =	vadd.f32 v37, v63;
	v41 =	vadd.f32 v40, v10;
	v53 =	vmov s26;
	s26 =	sshrl.u32 s2, $0x1;
	s19 =	smul.f32 $5.000000000e-01, s2  }
0x2ad: {  	[tilespmem:s17+$0xFFFFFFB0] =	vst v5;
	v1 =	vadd.f32 v1, v11;
	v7 =	vadd.f32 v7, v10;
	v18 =	vmul.f32 v18, v60;
	s2 =	ssub.f32 $1.500000000e+00, s28;
	s23 =	ssub.s32 $0x5F3759DF, s26;
	s31 =	smul.f32 s13, s29  }
0x2ae: {  	[tilespmem:s16+$0xFFFFFF80] =	vst v0;
	v17 =	vmul.f32 v17, v61;
	v27 =	vsub.f32 v27, v59;
	v28 =	vsub.f32 v28, v59;
	s30 =	smul.f32 s23, s19  }
0x2af: {  	[tilespmem:s16+$0xFFFFFFA0] =	vst v34;
	v15 =	vsub.f32 v31, v59;
	v4 =	vsub.f32 v33, v59;
	v59 =	vmul.f32 s9, v32;
	s2 =	smul.f32 s22, s2  }
0x2b0: {  	[tilespmem:s17+$0x10] =	vst v6;
	v3 =	vadd.f32 v3, v11;
	v21 =	vmul.f32 v21, v55;
	v33 =	vmul.f32 v22, v62;
	s29 =	ssub.f32 $1.500000000e+00, s31;
	s31 =	smul.f32 s23, s30  }
0x2b1: {  	[tilespmem:s16+$0x0] =	vst v13;
	v18 =	vadd.f32 v18, v9;
	v17 =	vadd.f32 v17, v10;
	v5 =	vmul.f32 v59, v60;
	s20 =	smul.f32 s2, s20  }
0x2b2: {  	[tilespmem:s16+$0x20] =	vst v41;
	v39 =	vadd.f32 v21, v11;
	v0 =	vadd.f32 v33, v63;
	s13 =	smul.f32 s13, s29  }
0x2b3: {  	[tilespmem:s16+$0x30] =	vst v1;
	v5 =	vadd.f32 v5, v9;
	v51 =	vsub.f32 v38, v50;
	s25 =	ssub.f32 $1.500000000e+00, s31;
	s20 =	smul.f32 s20, s2  }
0x2b4: {  	[tilespmem:s17+$0x20] =	vst v7;
	v16 =	vsub.f32 v16, v50;
	v38 =	vsub.f32 v14, v42;
	v49 =	vmul.f32 s18, v45;
	s1 =	smul.f32 s13, s1  }
0x2b5: {  	[tilespmem:s16+$0xFFFFFFB0] =	vst v3;
	v52 =	vsub.f32 v20, v50;
	v12 =	vmul.f32 s18, v12;
	v3 =	vmul.f32 s18, v36;
	s9 =	smul.f32 s23, s25;
	s28 =	ssub.f32 $1.500000000e+00, s20  }
0x2b6: {  	[tilespmem:s16+$0xFFFFFFC0] =	vst v0;
	v19 =	vsub.f32 v19, v50;
	v0 =	vmul.f32 s18, v38;
	v31 =	vmul.f32 v49, v55;
	s1 =	smul.f32 s1, s13  }
0x2b7: {  	[tilespmem:s16+$0xFFFFFFD0] =	vst v18;
	v8 =	vsub.f32 v25, v53;
	v24 =	vsub.f32 v24, v53;
	v3 =	vmul.f32 v3, v60;
	s2 =	smul.f32 s28, s2  }
0x2b8: {  	[tilespmem:s16+$0xFFFFFFE0] =	vst v17;
	v57 =	vsub.f32 v26, v53;
	v20 =	vsub.f32 v23, v53;
	v0 =	vmul.f32 v0, v61;
	s1 =	ssub.f32 $1.500000000e+00, s1  }
0x2b9: {  	[tilespmem:s16+$0xFFFFFFF0] =	vst v39;
	v12 =	vmul.f32 v12, v62;
	v3 =	vadd.f32 v3, v9;
	s26 =	smul.f32 s9, s19;
	v48 =	vmul.f32 s2, v27  }
0x2ba: {  	s17 =	sadd.s32 $0x100, s16;
	[tilespmem:s16+$0x10] =	vst v5;
	v0 =	vadd.f32 v0, v10;
	v49 =	vmul.f32 s2, v28;
	v50 =	vmul.f32 s2, v15;
	s1 =	smul.f32 s1, s13  }
0x2bb: {  	v54 =	vadd.f32 v31, v11;
	[tilespmem:s17+$0x50] =	vst v3;
	v4 =	vmul.f32 s2, v4;
	s13 =	smul.f32 s26, s9;
	v3 =	vmul.f32 v48, v62  }
0x2bc: {  	v43 =	vadd.f32 v12, v63;
	[tilespmem:s17+$0x60] =	vst v0;
	v0 =	vmul.f32 v49, v60;
	v53 =	vmul.f32 v50, v61  }
0x2bd: {  	[tilespmem:s17+$0x70] =	vst v54;
	v4 =	vmul.f32 v4, v55;
	v42 =	vmul.f32 s1, v51;
	s29 =	ssub.f32 $1.500000000e+00, s13;
	v54 =	vadd.f32 v3, v63  }
0x2be: {  	[tilespmem:s17+$0x40] =	vst v43;
	v44 =	vmul.f32 s1, v16;
	v45 =	vmul.f32 s1, v52;
	v0 =	vadd.f32 v0, v9  }
0x2bf: {  	v46 =	vmul.f32 s1, v19;
	v58 =	vadd.f32 v53, v10;
	v5 =	vmul.f32 v42, v62;
	s1 =	smul.f32 s29, s9;
	[tilespmem:s17+$0xFFFFFFC0] =	vst v54  }
0x2c0: {  	v4 =	vadd.f32 v4, v11;
	v47 =	vmul.f32 v44, v60;
	[tilespmem:s17+$0xFFFFFFD0] =	vst v0  }
0x2c1: {  	v1 =	vmul.f32 v45, v61;
	[tilespmem:s17+$0xFFFFFFE0] =	vst v58;
	v5 =	vadd.f32 v5, v63;
	v52 =	vmul.f32 s1, v8  }
0x2c2: {  	v6 =	vmul.f32 v46, v55;
	[tilespmem:s17+$0xFFFFFFF0] =	vst v4;
	v7 =	vadd.f32 v47, v9;
	v56 =	vmul.f32 s1, v24  }
0x2c3: {  	v1 =	vadd.f32 v1, v10;
	v2 =	vmul.f32 s1, v57;
	[tilespmem:s17+$0xFFFFFF80] =	vst v5;
	v57 =	vmul.f32 v52, v62  }
0x2c4: {  	v51 =	vadd.f32 v6, v11;
	v59 =	vmul.f32 s1, v20;
	[tilespmem:s17+$0xFFFFFF90] =	vst v7;
	v3 =	vmul.f32 v56, v60  }
0x2c5: {  	[tilespmem:s17+$0xFFFFFFA0] =	vst v1;
	v62 =	vmul.f32 v2, v61;
	v63 =	vadd.f32 v57, v63  }
0x2c6: {  	[tilespmem:s17+$0xFFFFFFB0] =	vst v51;
	v1 =	vmul.f32 v59, v55;
	v3 =	vadd.f32 v3, v9  }
.Ltmp8:
0x2c7: {  	s30 =	sadd.s32 s5, s12;
	v0 =	vadd.f32 v62, v10;
	[tilespmem:s17+$0x0] =	vst v63;
	(pc) =	sbr.rel @p1 .LBB2_18-.Ltmp8, $4  }
0x2c8: {  	s1 =	smul.u32 $0x640, s30;
	v1 =	vadd.f32 v1, v11;
	[tilespmem:s17+$0x10] =	vst v3  }
0x2c9: {  	[tilespmem:s17+$0x20] =	vst v0  }
0x2ca: {  	s31 =	simm.s32 $0x99A0;
	s1 =	sadd.s32 s4, s1;
	[tilespmem:s17+$0x30] =	vst v1  }
0x2cb: {  	[hbm4b:s1+s6] =	stream.linear.scatter [tilespmem:s31], [sflag:$0x4], $0x3200, $0x38;
	[tilespmem:$0x161A0] =	vst v63  }
0x2cc: {  	v4 =	vld [tilespmem:$0x1FFE0];
	_ =	sdelay $0x1  }
0x2cd: {  	v3 =	vld [tilespmem:$0x1FFF0]  }
0x2ce: {  	v0 =	vld [tilespmem:s8+$0xFFFFFFF0]  }
0x2cf: {  	s1 =	simm.s32 $0x0;
	v1 =	vld [tilespmem:s8+$0x0]  }
0x2d0: {  	v2 =	vor.u32 s1, v4;
	_ =	sdelay $0x1  }
0x2d1: {  	s13 =	simm.s32 $0x20;
	v14 =	vor.u32 s1, v3  }
0x2d2: {  	s2 =	smul.u32 $0x640, s10;
	s12 =	sadd.s32 $0x20, s8;
	v13 =	vor.u32 s13, v4  }
0x2d3: {  	s17 =	simm.s32 $0x2;
	v12 =	vld [tilespmem:s12+$0xFFFFFFF0];
	v0 =	vshll.u32 v0, $0x1;
	v17 =	vshll.u32 v1, $0x1;
	v15 =	vor.u32 s13, v3  }
0x2d4: {  	s16 =	simm.s32 $0x60;
	s18 =	simm.s32 $0x40;
	v16 =	vld [tilespmem:s12+$0x0];
	s9 =	sshra.s32 s2, $0x2;
	v19 =	vor.u32 $0x1, v0;
	v18 =	vor.u32 $0x1, v17;
	[tilespmem:v2+s24+$0x0] =	vst.idx.msk $0xffff, v0  }
.LBB2_16:
0x2d5: {  	s17 =	sadd.s32 $0x2, s17  }
0x2d6: {  	v0 =	vor.u32 s18, v4;
	[tilespmem:v14+s24+$0x0] =	vst.idx.msk $0xffff, v19;
	p0 =	slt.u32 s17, $0xA  }
.Ltmp9:
0x2d7: {  	v14 =	vor.u32 s18, v3;
	v1 =	vor.u32 s16, v3;
	[tilespmem:v13+s24+$0x0] =	vst.idx.msk $0xffff, v17;
	v13 =	vor.u32 s16, v4;
	(pc) =	sbr.rel @p0 .LBB2_16-.Ltmp9, $4  }
0x2d8: {  	[tilespmem:v15+s24+$0x0] =	vst.idx.msk $0xffff, v18;
	v15 =	vmov v1  }
0x2d9: {  	s12 =	sadd.s32 $0x20, s12  }
0x2da: {  	s16 =	sadd.s32 $0x40, s16;
	v1 =	vshll.u32 v12, $0x1;
	v12 =	vld [tilespmem:s12+$0xFFFFFFF0];
	v17 =	vshll.u32 v16, $0x1  }
0x2db: {  	s18 =	sadd.s32 $0xFFFFFFE0, s16;
	v19 =	vor.u32 $0x1, v1;
	v16 =	vld [tilespmem:s12+$0x0];
	[tilespmem:v0+s24+$0x0] =	vst.idx.msk $0xffff, v1;
	v18 =	vor.u32 $0x1, v17  }
0x2dc: {  	_ =	sdelay $0x1  }
0x2dd: {  	v0 =	vor.u32 s18, v4  }
0x2de: {  	v2 =	vor.u32 s16, v4  }
0x2df: {  	v1 =	vor.u32 s18, v3;
	[tilespmem:v14+s24+$0x0] =	vst.idx.msk $0xffff, v19  }
0x2e0: {  	v58 =	vor.u32 s16, v3;
	[tilespmem:v13+s24+$0x0] =	vst.idx.msk $0xffff, v17  }
0x2e1: {  	[tilespmem:v15+s24+$0x0] =	vst.idx.msk $0xffff, v18;
	v59 =	vshll.u32 v12, $0x1  }
0x2e2: {  	v61 =	vshll.u32 v16, $0x1;
	[tilespmem:v0+s24+$0x0] =	vst.idx.msk $0xffff, v59  }
0x2e3: {  	v60 =	vor.u32 $0x1, v59;
	[tilespmem:v2+s24+$0x0] =	vst.idx.msk $0xffff, v61  }
0x2e4: {  	v62 =	vor.u32 $0x1, v61;
	[tilespmem:v1+s24+$0x0] =	vst.idx.msk $0xffff, v60  }
0x2e5: {  	[tilespmem:v58+s24+$0x0] =	vst.idx.msk $0xffff, v62  }
0x2e6: {  	v1 =	vld [tilespmem:$0x1FFC0]  }
0x2e7: {  	v63 =	vld [tilespmem:$0x1FFD0]  }
0x2e8: {  	v0 =	vld [tilespmem:s9+$0x390];
	_ =	sdelay $0x4  }
0x2e9: {  	v0 =	vshll.u32 v0, $0x1  }
0x2ea: {  	[tilespmem:v1+s24+$0x0] =	vst.idx.msk $0xffff, v0;
	v0 =	vor.u32 $0x1, v0  }
0x2eb: {  	s1 =	simm.s32 $0x12FA0;
	[tilespmem:v63+s24+$0x0] =	vst.idx.msk $0xffff, v0  }
0x2ec: {  	[tilespmem:s1], [sflag:$0x2] =	stream.indirect.gather [hbm4b:s7+s11], $0x20, s24, s11, $0xb8;
	[tilespmem:$0x161A0] =	vst v63  }
0x2ed: {  	s26 =	simm.s32 $0x6690;
	s2 =	simm.s32 $0x13FA0  }
0x2ee: {  	[tilespmem:s2], [sflag:$0x2] =	stream.indirect.gather [hbm4b:s7+s11], $0x20, s26, s11, $0xb8;
	[tilespmem:$0x161A0] =	vst v63  }
.Ltmp10:
0x2ef: {  	s28 =	simm.s32 $0x6710;
	(pc) =	sbr.rel .LBB2_6-.Ltmp10, $4  }
0x2f0: {  	s29 =	simm.s32 $0x14FA0;
	s30 =	simm.s32 $0x6790;
	s31 =	simm.s32 $0x15FA0  }
0x2f1: {  	[tilespmem:s29], [sflag:$0x2] =	stream.indirect.gather [hbm4b:s7+s11], $0x20, s28, s11, $0xb8;
	[tilespmem:$0x161A0] =	vst v63  }
0x2f2: {  	s10 =	sadd.s32 $0x1, s10;
	s14 =	sadd.s32 $0x190, s14;
	s8 =	sadd.s32 $0x190, s8  }
0x2f3: {  	[tilespmem:s31], [sflag:$0x2] =	stream.indirect.gather [hbm4b:s7+s21], $0x20, s30, s21, $0xb8;
	[tilespmem:$0x161A0] =	vst v63  }
.LBB2_19:
0x2f4: {  	_ =	sfence.sel $0x180000  }
0x2f5: {  	[bflag:$0x0] =	sbarrier.arrive $0xFFFF  }
0x2f6: {  	_ =	strace $0x90000047  }
0x2f7: {  	s0 =	stileid.u32;
	[bflag:$0x2] =	sbarrier.arrive $0xFFFF  }
0x2f8: {  	p0 =	sne.s32 s0, $0x0;
	s0 =	rddreg [dreg:$0x4]  }
0x2f9: {  	s0 =	sadd.s32 @!p0 $0x100000, s0  }
0x2fa: {  	[sflag:s0] =	ssyncadd.tile.s32 @!p0 $0x1;
	_ =	shalt  }
.Lfunc_end2:
_tile_overlayer_lowered:
.L_overlay_start_2:
0x2fb: {  	(tag) =	ssettag $0x2  }
0x2fc: {  	s0 =	rddreg [dreg:$0x0];
	s2 =	stileid.u32  }
0x2fd: {  	s1 =	rddreg [dreg:$0x1];
	p0 =	sne.s32 s2, $0x0  }
0x2fe: {  	s3 =	rddreg [dreg:$0x2];
	[bflag:$0x3] =	sbarrier.arrive $0xFFFF;
	s2 =	simm.s32 @!p0 $0x1C05  }
0x2ff: {  	[timem:s3], [sflag:s2] =	dma.local @!p0 [hbm:s0], s1  }
0x300: {  	s0 =	simm.s32 @!p0 $0x5  }
0x301: {  	_ =	swait.ge @!p0 [sflag:s0], s1  }
0x302: {  	s1 =	ssub.s32 @!p0 $0x0, s1;
	[sflag:s0] =	ssyncset.done @!p0 $0x0  }
0x303: {  	[sflag:s0] =	ssyncadd.s32 @!p0 s1  }
0x304: {  	[bflag:$0x3] =	sbarrier.arrive $0xFFFF  }
0x305: {  	_ =	shalt  }

// kernel: sparse-core-data-format-call.cloned.1.call-start
scs
called_computation_lowered:
.L_overlay_start_0:
0x0: {  	s2 =	sld [smem:$0x3FD9]  }
0x1: {  	s3 =	sld [smem:$0x3FFE];
	_ =	sdelay $0x1  }
0x2: {  	s1 =	srdreg.scid  }
0x3: {  	s0 =	sand.u32 $0x1, s1  }
0x4: {  	s18 =	sshll.u32 s0, $0xA;
	s2 =	sadd.s32 s3, s2  }
0x5: {  	s2 =	sadd.s32 s2, s18  }
0x6: {  	[smem:$0x3FC4] =	sst s2  }
0x7: {  	_ = 	snop  }
0x8: {  	s2 =	sld [smem:$0x3FD0];
	(tm) =	ssettm $0x1  }
0x9: {  	s19 =	sld [smem:$0x3FFB];
	_ =	sdelay $0x3  }
0xa: {  	_ =	strace s19  }
0xb: {  	s3 =	sld [smem:$0x3FFC];
	_ =	sdelay $0x3  }
0xc: {  	_ =	strace s3  }
0xd: {  	s3 =	sld [smem:$0x3FFD];
	_ =	sdelay $0x3  }
0xe: {  	_ =	strace s3  }
0xf: {  	_ =	strace $0x8FFFFFFF  }
0x10: {  	s20 =	sld [smem:$0x3FDB];
	_ =	sdelay $0x1  }
0x11: {  	s4 =	simm.s32 $_scs_section_size  }
0x12: {  	s5 =	simm.s32 $_size__tile_overlayer_lowered;
	s6 =	simm.s32 $_tile_overlayer_lowered  }
0x13: {  	s23 =	simm.s32 $0x1BFF;
	s22 =	sshll.u32 s6, $0x1;
	s3 =	sadd.s32 s4, s20  }
0x14: {  	s7 =	simm.s32 $0x0;
	s21 =	sshll.u32 s5, $0x1;
	s5 =	sadd.s32 s22, s3  }
0x15: {  	[timem:s7], [sflag:s23] =	dma.local [hbm:s5], s21  }
0x16: {  	_ =	swait.ge [sflag:s23], s21  }
0x17: {  	s4 =	ssub.s32 $0x0, s21;
	[sflag:s23] =	ssyncset.done $0x0  }
0x18: {  	[sflag:s23] =	ssyncadd.s32 s4;
	_ =	sdelay $0x1  }
0x19: {  	s24 =	simm.s32 $0x1B8B  }
0x1a: {  	_ =	swait.ge [sflag:s24], $0x1  }
0x1b: {  	[sflag:s24] =	ssyncset.done $0x0  }
0x1c: {  	s26 =	simm.s32 $0x1B8E;
	s25 =	sld [smem:$0x3FFE];
	[sflag:s24] =	ssyncadd.s32 $0xFFFFFFFF  }
0x1d: {  	s27 =	simm.s32 $execute0_lowered;
	[smem:$0x3FD2] =	sst s26  }
0x1e: {  	s5 =	sshll.u32 s27, $0x1;
	_ =	strace $0x80000049;
	[dreg:$0x1] =	wrdreg $0xFFFFFFFF  }
0x1f: {  	s28 =	simm.s32 $_size_execute0_lowered;
	s3 =	sadd.s32 s3, s5;
	[dreg:$0x0] =	wrdreg $0x0  }
0x20: {  	s5 =	sshll.u32 s28, $0x1;
	[dreg:$0x2] =	wrdreg s3  }
0x21: {  	[dreg:$0x3] =	wrdreg s5  }
0x22: {  	[dreg:$0x4] =	wrdreg $0xC0  }
0x23: {  	_ =	task [dreg:s7], $0x5FFFF  }
0x24: {  	[dreg:$0x1] =	wrdreg $0xFFFFFFFF  }
0x25: {  	[dreg:$0x0] =	wrdreg $0x60  }
0x26: {  	[dreg:$0x2] =	wrdreg s25  }
0x27: {  	[dreg:$0x3] =	wrdreg s2  }
0x28: {  	[dreg:$0x4] =	wrdreg $0x9  }
0x29: {  	_ =	task.clear_ibuf [dreg:s7], $0x5FFFF;
	_ =	strace $0x90000049  }
0x2a: {  	s29 =	simm.s32 $0x9;
	_ =	strace $0x8000004B  }
0x2b: {  	_ =	swait.ge [sflag:s29], $0x1  }
0x2c: {  	[sflag:s29] =	ssyncadd.s32 $0xFFFFFFFF  }
0x2d: {  	_ =	strace $0x9000004B  }
0x2e: {  	_ =	sfence  }
0x2f: {  	s30 =	sld [smem:$0x0];
	_ =	sdelay $0x2  }
0x30: {  	s31 =	sshll.u32 s1, $0xD;
	s1 =	sshrl.u32 s1, $0x2  }
0x31: {  	s3 =	sand.u32 $0x4000, s31;
	s1 =	sadd.s32 s1, s30  }
0x32: {  	s0 =	sor.u32 s3, s0;
	s1 =	sshll.u32 s1, $0x11  }
0x33: {  	s0 =	sor.u32 s1, s0  }
0x34: {  	s0 =	sadd.s32 $0x8F2B, s0  }
0x35: {  	[sflag:s0] =	ssyncadd.remote.s32 $0x1  }
0x36: {  	_ =	sfence.sel $0xFFFF  }
0x37: {  	[dreg:$0x0] =	wrdreg $0xFFFFFFFF;
	(pc) =	sbr.abs _section_cstart, $3  }
0x38: {  	[dreg:$0x1] =	wrdreg $0xFFFFFFFF  }
0x39: {  	_ =	task.clear_ibuf [dreg:s7], $0x2FFFF;
	_ =	strace $0x9FFFFFFF  }
0x3a: {  	(tm) =	ssettm $0x7FFFFFFF  }
0x3b: {  	_ =	shalt  }
tec
execute0_lowered:
.L_overlay_start_1:
0x0: {  	(tag) =	ssettag $0x1  }
0x1: {  	s0 =	srdreg.scid  }
0x2: {  	s1 =	sshll.u32 s0, $0x4  }
0x3: {  	s0 =	stileid.u32;
	s1 =	sand.u32 $0x10, s1  }
0x4: {  	s1 =	sor.u32 s0, s1  }
0x5: {  	s6 =	rddreg [dreg:$0x0];
	s4 =	simm.s32 $0x1;
	s2 =	sshll.u32 s1, $0x7  }
0x6: {  	s7 =	simm.s32 $0x2;
	s12 =	simm.s32 $0x0;
	s1 =	ssub.s32 $0x1000, s2  }
0x7: {  	s8 =	simm.s32 $0x8000;
	s13 =	simm.s32 $0x0;
	s3 =	sand.u32 $0xF80, s1  }
0x8: {  	s9 =	simm.s32 $0x0;
	s5 =	sshrl.u32 s1, $0xC;
	p0 =	sne.s32 s3, $0x0  }
.Ltmp0:
0x9: {  	s1 =	rddreg [dreg:$0x2];
	s4 =	simm.s32 @!p0 $0x0;
	(pc) =	sbr.rel .LBB1_1-.Ltmp0, $4  }
0xa: {  	s11 =	simm.s32 $0x0;
	s3 =	rddreg [dreg:$0x1];
	s5 =	sadd.s32 s4, s5  }
0xb: {  	_ =	strace $0x8000004A;
	s4 =	simm.s32 $0x1;
	s5 =	smul.u32 $0xC8, s5  }
0xc: {  	s6 =	sadd.s32 $0xC00, s6;
	s10 =	smov.u32 s2;
	[sflag:s4] =	ssyncpa.u1 $0x0  }
0xd: {  	p0 =	por $0x0, $0x0;
	[sflag:s7] =	ssyncpa.u1 $0x0;
	s7 =	sor.u32 $0x1, s5  }
.LBB1_4:
0xe: {  	s16 =	sshll.u32 s13, $0x3;
	s17 =	sand.u32 $0x78, s13  }
0xf: {  	s30 =	sand.u32 $0x7E00, s13;
	s12 =	sshll.u32 s12, $0xF;
	s16 =	sand.u32 $0xC00, s16  }
0x10: {  	[tilespmem:s15+$0x810 ss:$0x81] =	vst.msk $0xffff, v2;
	s31 =	sand.u32 $0x7, s13;
	s16 =	sor.u32 s17, s16;
	s17 =	sadd.s32 s3, s30  }
0x11: {  	[tilespmem:s15+$0x1020 ss:$0x81] =	vst.msk $0xffff, v0;
	s13 =	sshll.u32 s31, $0x12;
	s12 =	sadd.s32 s12, s17;
	s16 =	sshrl.u32 s16, $0x3  }
0x12: {  	[tilespmem:s15+$0x0 ss:$0x81] =	vst.msk $0xffff, v1;
	s13 =	sor.u32 $0x400, s13;
	s12 =	sadd.s32 s16, s12  }
0x13: {  	[hbm4b:s12+s13] =	stream.strided.scatter [tilespmem:s14], [sflag:$0x2], $0x2000, s8, s13, $0x20;
	[tilespmem:$0x8080] =	vst v63  }
.LBB1_5:
0x14: {  	s14 =	sadd.s32 $0x1, s9  }
0x15: {  	s12 =	sadd.s32 $0x1000, s10;
	s16 =	smov.u32 s10;
	p2 =	sgt.s32 s14, $0xC7  }
0x16: {  	s16 =	smov.u32 @p2 s12  }
0x17: {  	s14 =	simm.s32 @p2 $0x0;
	p2 =	sgt.s32 s16, $0xFFF  }
0x18: {  	s16 =	smov.u32 @p2 s2;
	p2 =	sne.s32 s11, s7  }
.Ltmp1:
0x19: {  	p1 =	slt.u32 s11, $0x2;
	(pc) =	sbr.rel @!p2 .LBB1_6-.Ltmp1, $4  }
0x1a: {  	s15 =	simm.s32 @!p1 $0x2  }
0x1b: {  	s13 =	smov.u32 s10;
	p0 =	por !p0, !p0;
	_ =	swait.ge @!p1 [sflag:s15], $0x2000  }
0x1c: {  	s12 =	smov.u32 s9;
	[sflag:s15] =	ssyncset.done @!p1 $0x0;
	s9 =	smov.u32 s14  }
0x1d: {  	s11 =	sadd.s32 $0x1, s11;
	[sflag:s15] =	ssyncadd.s32 @!p1 $0xFFFFE000;
	s10 =	smov.u32 s16  }
.LBB1_1:
0x1e: {  	p1 =	sge.u32 s11, s5  }
0x1f: {  	s14 =	sand.u32 @!p1 $0x1FFFFFF, s9  }
0x20: {  	s15 =	smulhi.u32 @!p1 $0x147AE15, s14;
	_ =	sdelay $0x1  }
0x21: {  	s15 =	smul.u32 @!p1 $0xC8, s15  }
0x22: {  	s16 =	sxor.u32 @!p1 $0xFFFFFFFF, s11;
	s17 =	smul.u32 @!p1 $0xC80, s10  }
0x23: {  	s31 =	sadd.s32 $0xFFFFFFFF, s11;
	s16 =	sshll.u32 @!p1 s16, $0xD;
	s14 =	ssub.s32 @!p1 s14, s15  }
0x24: {  	s15 =	sand.u32 @!p1 $0x2000, s16;
	s16 =	sadd.s32 @!p1 s6, s17;
	s14 =	sshll.u32 @!p1 s14, $0x4  }
0x25: {  	s17 =	simm.s32 @!p1 $0x6400;
	s14 =	sadd.s32 @!p1 s14, s16;
	s16 =	simm.s32 @!p1 $0x40  }
0x26: {  	[tilespmem:s15], [sflag:$0x1] =	stream.strided.gather @!p1 [hbm4b:s14+s16], $0x2000, s17, s16, $0x38;
	[tilespmem:$0x8080] =	vst v63  }
0x27: {  	p1 =	sge.u32 s31, s5  }
.Ltmp2:
0x28: {  	_ = 	snop;
	(pc) =	sbr.rel @p1 .LBB1_5-.Ltmp2, $1  }
0x29: {  	_ =	sdelay $0x3  }
0x2a: {  	s14 =	simm.s32 $0x1  }
0x2b: {  	_ =	swait.ge [sflag:s4], $0x2000;
	s14 =	simm.s32 @!p0 $0x0  }
0x2c: {  	[sflag:s4] =	ssyncset.done $0x0;
	s15 =	sshll.u32 s14, $0xD  }
0x2d: {  	[sflag:s4] =	ssyncadd.s32 $0xFFFFE000;
	s18 =	sor.u32 $0x20, s15  }
0x2e: {  	s14 =	smul.u32 $0x8100, s14;
	v3 =	vld [tilespmem:s18+$0x10]  }
0x2f: {  	s30 =	sand.u32 $0x1, s11;
	v2 =	vld [tilespmem:s18+$0xFFFFFFF0]  }
0x30: {  	s15 =	smul.u32 $0x8100, s30;
	s14 =	sshrl.u32 s14, $0x2;
	v0 =	vld [tilespmem:s18+$0x0]  }
0x31: {  	v1 =	vld [tilespmem:s18+$0xFFFFFFE0];
	s16 =	sor.u32 $0x4000, s14  }
0x32: {  	s31 =	sshrl.u32 s15, $0x2;
	s15 =	sadd.s32 $0x0, s16  }
0x33: {  	s17 =	simm.s32 $0x4;
	s18 =	sadd.s32 $0x40, s18;
	s14 =	sor.u32 $0x4000, s31;
	[tilespmem:s15+$0x1830 ss:$0x81] =	vst.msk $0xffff, v3  }
.LBB1_3:
0x34: {  	v3 =	vld [tilespmem:s18+$0x10];
	p1 =	sne.s32 s17, $0x1FC;
	[tilespmem:s15+$0x810 ss:$0x81] =	vst.msk $0xffff, v2;
	s19 =	smov.u32 s17;
	s17 =	sadd.s32 $0x4, s17  }
.Ltmp3:
0x35: {  	v2 =	vld [tilespmem:s18+$0xFFFFFFF0];
	[tilespmem:s15+$0x1020 ss:$0x81] =	vst.msk $0xffff, v0;
	(pc) =	sbr.rel @p1 .LBB1_3-.Ltmp3, $4  }
0x36: {  	v0 =	vld [tilespmem:s18+$0x0];
	[tilespmem:s15+$0x0 ss:$0x81] =	vst.msk $0xffff, v1  }
0x37: {  	s15 =	sshra.s32 s19, $0x2;
	v1 =	vld [tilespmem:s18+$0xFFFFFFE0]  }
0x38: {  	s15 =	sadd.s32 s15, s16  }
0x39: {  	s18 =	sadd.s32 $0x40, s18;
	[tilespmem:s15+$0x1830 ss:$0x81] =	vst.msk $0xffff, v3  }
.Ltmp4:
0x3a: {  	_ = 	snop;
	(pc) =	sbr.rel .LBB1_4-.Ltmp4, $1  }
0x3b: {  	_ =	sdelay $0x3  }
.LBB1_6:
0x3c: {  	_ =	sfence.sel $0x180000  }
0x3d: {  	s2 =	simm.s32 $0x1;
	[bflag:$0x0] =	sbarrier.arrive $0xFFFF  }
0x3e: {  	s31 =	simm.s32 $0x2;
	[sflag:s2] =	ssyncpa.u1 $0x1  }
0x3f: {  	[sflag:s31] =	ssyncpa.u1 $0x1  }
0x40: {  	p0 =	sne.s32 s0, $0x0;
	_ =	strace $0x9000004A  }
0x41: {  	s0 =	sadd.s32 @!p0 $0x100000, s1;
	[bflag:$0x2] =	sbarrier.arrive $0xFFFF  }
0x42: {  	[sflag:s0] =	ssyncadd.tile.s32 @!p0 $0x1;
	_ =	shalt  }
.Lfunc_end1:
_tile_overlayer_lowered:
.L_overlay_start_2:
0x43: {  	(tag) =	ssettag $0x2  }
0x44: {  	s0 =	rddreg [dreg:$0x0];
	s2 =	stileid.u32  }
0x45: {  	s1 =	rddreg [dreg:$0x1];
	p0 =	sne.s32 s2, $0x0  }
0x46: {  	s3 =	rddreg [dreg:$0x2];
	[bflag:$0x3] =	sbarrier.arrive $0xFFFF;
	s2 =	simm.s32 @!p0 $0x1C01  }
0x47: {  	[timem:s3], [sflag:s2] =	dma.local @!p0 [hbm:s0], s1  }
0x48: {  	s0 =	simm.s32 @!p0 $0x1  }
0x49: {  	_ =	swait.ge @!p0 [sflag:s0], s1  }
0x4a: {  	s1 =	ssub.s32 @!p0 $0x0, s1;
	[sflag:s0] =	ssyncset.done @!p0 $0x0  }
0x4b: {  	[sflag:s0] =	ssyncadd.s32 @!p0 s1  }
0x4c: {  	[bflag:$0x3] =	sbarrier.arrive $0xFFFF  }
0x4d: {  	_ =	shalt  }

</sc_bundles>
